<compile_context>
chip_gen: v7x
topology: tpu7x:2x2x1
jax: 0.10.2.dev20260603
libtpu: 0.0.44.dev20260713+nightly
codegen_flags: <defaults>
</compile_context>

<pallas_src>
import jax
import jax.numpy as jnp
from jax import lax
from jax.experimental import pallas as pl
from jax.experimental.pallas import tpu as pltpu
from jax.experimental.pallas import tpu_sc as plsc

HIDDEN = 1024
NUM_TOKENS = 4 * 8192

_info = plsc.get_sparse_core_info()
NC, NS = _info.num_cores, _info.num_subcores
NW = NC * NS
TOK_PER_W = NUM_TOKENS // NW
K = 16
NGROUPS = TOK_PER_W // K


def _body(table_hbm, idx_hbm, out_hbm, table_v, idx_v, sem):
    wid = lax.axis_index("s") * NC + lax.axis_index("c")
    base = wid * TOK_PER_W

    tab_cp = pltpu.make_async_copy(table_hbm, table_v, sem)
    idx_cp = pltpu.make_async_copy(idx_hbm.at[pl.ds(base, TOK_PER_W)], idx_v, sem)
    tab_cp.start()
    idx_cp.start()
    tab_cp.wait()
    idx_cp.wait()

    def fire(g):
        vec = idx_v[pl.ds(g * K, K)]
        for j in range(K):
            row = vec[j]
            pltpu.make_async_copy(
                table_v.at[row], out_hbm.at[base + g * K + j], sem
            ).start()

    def drain():
        for _ in range(K):
            pltpu.make_async_copy(
                table_v.at[0], out_hbm.at[base], sem
            ).wait()

    LAG = 2

    def step(g, _):
        fire(g)

        @pl.when(g >= LAG)
        def _():
            drain()

        return ()

    lax.fori_loop(0, NGROUPS, step, (), unroll=False)
    for _ in range(LAG):
        drain()


@jax.jit
def _lookup(table, idx_flat):
    mesh = plsc.VectorSubcoreMesh(core_axis_name="c", subcore_axis_name="s")
    return pl.kernel(
        _body,
        out_type=jax.ShapeDtypeStruct((NUM_TOKENS, HIDDEN), jnp.float32),
        mesh=mesh,
        scratch_types=[
            pltpu.VMEM((3, HIDDEN), jnp.float32),
            pltpu.VMEM((TOK_PER_W,), jnp.int32),
            pltpu.SemaphoreType.DMA,
        ],
    )(table, idx_flat)


def kernel(indices, weight):
    idx_flat = indices.reshape(-1).astype(jnp.int32)
    out = _lookup(weight, idx_flat)
    return out.reshape(*indices.shape, HIDDEN)

# --- scband reference (transcript-rebuilt; emitter-appended) ---
"""Pipeline reference for scband-segment-embedding-3272765079821 (READ-ONLY COPY).

The authoritative reference and input builder live on the scoring server;
editing this copy changes nothing except your own understanding.
"""

import jax, jax.numpy as jnp
import numpy as np

HIDDEN_DIM = 1024
PAD_IDX = 0
NUM_EMB = 3
BATCH = 4
SEQ = 8192


def setup_inputs(seed: int = 0) -> dict:
    key = jax.random.key(seed)
    k1, k2 = jax.random.split(key)
    indices = jax.random.randint(k1, (BATCH, SEQ), 0, NUM_EMB)
    weight = jax.random.normal(k2, (NUM_EMB, HIDDEN_DIM), dtype=jnp.float32)
    # torch nn.Embedding with padding_idx zero-initializes the padding row
    weight = weight.at[PAD_IDX].set(0.0)
    return {"indices": indices, "weight": weight}


def reference(indices, weight):
    # nn.Embedding forward: pure row gather from the table
    return jnp.take(weight, indices, axis=0)

if __name__ == "__main__":
    import jax
    _d = setup_inputs()
    print(jax.jit(kernel)(*tuple(_d.values())))

</pallas_src>

<mosaic_0001>
#map = affine_map<(d0, d1) -> (0, 0)>
#map1 = affine_map<(d0, d1) -> (0)>
module attributes {stable_mosaic.version = 14 : i64} {
  func.func @_body(%arg0: i32, %arg1: i32, %arg2: memref<3x1024xf32, #tpu.memory_space<hbm>>, %arg3: memref<32768xi32, #tpu.memory_space<hbm>>, %arg4: memref<32768x1024xf32, #tpu.memory_space<hbm>>, %arg5: memref<3x1024xf32, #tpu.memory_space<vmem>>, %arg6: memref<1024xi32, #tpu.memory_space<vmem>>, %arg7: memref<!tpu.dma_semaphore, #tpu.memory_space<semaphore_mem>>) attributes {dimension_semantics = [#tpu.dimension_semantics<core_parallel>, #tpu.dimension_semantics<subcore_parallel>], iteration_bounds = array<i64: 2, 16>, scalar_prefetch = 0 : i64, scratch_operands = 3 : i64, tpu.core_type = #tpu.core_type<sc_vector_subcore>, window_params = [{transform_indices = #map}, {transform_indices = #map1}, {transform_indices = #map}]} {
    %mul3A = arith.constant 2 : i32
    %mul3A_0 = arith.muli %arg1, %mul3A : i32
    %add3A = arith.addi %mul3A_0, %arg0 : i32
    %mul3A_1 = arith.constant 1024 : i32
    %mul3A_2 = arith.muli %add3A, %mul3A_1 : i32
    tpu.enqueue_dma source(%arg2 : memref<3x1024xf32, #tpu.memory_space<hbm>>) target(%arg5 : memref<3x1024xf32, #tpu.memory_space<vmem>>) target_semaphore(%arg7 : memref<!tpu.dma_semaphore, #tpu.memory_space<semaphore_mem>>)
    %dma_start3A = tpu.memref_slice %arg3[%mul3A_2] : memref<32768xi32, #tpu.memory_space<hbm>> -> memref<1024xi32, #tpu.memory_space<hbm>>
    %dma_start3A_3 = tpu.memref_slice %arg3[%mul3A_2] : memref<32768xi32, #tpu.memory_space<hbm>> -> memref<1024xi32, #tpu.memory_space<hbm>>
    tpu.enqueue_dma source(%dma_start3A_3 : memref<1024xi32, #tpu.memory_space<hbm>>) target(%arg6 : memref<1024xi32, #tpu.memory_space<vmem>>) target_semaphore(%arg7 : memref<!tpu.dma_semaphore, #tpu.memory_space<semaphore_mem>>)
    tpu.wait_dma2 semaphore(%arg7 : memref<!tpu.dma_semaphore, #tpu.memory_space<semaphore_mem>>) src(%arg2 : memref<3x1024xf32, #tpu.memory_space<hbm>>) dst(%arg5 : memref<3x1024xf32, #tpu.memory_space<vmem>>)
    %dma_wait3A = tpu.memref_slice %arg3[%mul3A_2] : memref<32768xi32, #tpu.memory_space<hbm>> -> memref<1024xi32, #tpu.memory_space<hbm>>
    %dma_wait3A_4 = tpu.memref_slice %arg3[%mul3A_2] : memref<32768xi32, #tpu.memory_space<hbm>> -> memref<1024xi32, #tpu.memory_space<hbm>>
    tpu.wait_dma2 semaphore(%arg7 : memref<!tpu.dma_semaphore, #tpu.memory_space<semaphore_mem>>) src(%dma_wait3A_4 : memref<1024xi32, #tpu.memory_space<hbm>>) dst(%arg6 : memref<1024xi32, #tpu.memory_space<vmem>>)
    %scan3A = arith.constant 0 : i32
    %scan3A_5 = arith.constant 64 : i32
    %scan3A_6 = arith.addi %scan3A, %scan3A_5 : i32
    %scan3A_7 = arith.constant 1 : i32
    scf.for %scan3A_425 = %scan3A to %scan3A_6 step %scan3A_7  : i32 {
      %mul3A_426 = arith.constant 16 : i32
      %mul3A_427 = arith.muli %scan3A_425, %mul3A_426 : i32
      %get3A = arith.index_cast %mul3A_427 : i32 to index
      %get3A_428 = tpu.vector_load %arg6[%get3A] {strides = array<i32>} : memref<1024xi32, #tpu.memory_space<vmem>>, vector<16xi32>,
      %get3A_429 = vector.shape_cast %get3A_428 : vector<16xi32> to vector<16xi32>
      %slice3A = vector.extract_strided_slice %get3A_429 {offsets = [0], sizes = [1], strides = [1]} : vector<16xi32> to vector<1xi32>
      %squeeze3A = vector.extract %slice3A[0] : i32 from vector<1xi32>
      %mul3A_430 = arith.constant 16 : i32
      %mul3A_431 = arith.muli %scan3A_425, %mul3A_430 : i32
      %add3A_432 = arith.addi %mul3A_2, %mul3A_431 : i32
      %add3A_433 = arith.constant 0 : i32
      %add3A_434 = arith.addi %add3A_432, %add3A_433 : i32
      %dma_start3A_435 = arith.constant 0 : i32
      %dma_start3A_436 = tpu.memref_slice %arg5[%squeeze3A, %dma_start3A_435] : memref<3x1024xf32, #tpu.memory_space<vmem>> -> memref<1x1024xf32, #tpu.memory_space<vmem>>
      %dma_start3A_437 = tpu.memref_squeeze %dma_start3A_436 : memref<1x1024xf32, #tpu.memory_space<vmem>> -> memref<1024xf32, #tpu.memory_space<vmem>>
      %dma_start3A_438 = arith.constant 0 : i32
      %dma_start3A_439 = tpu.memref_slice %arg4[%add3A_434, %dma_start3A_438] : memref<32768x1024xf32, #tpu.memory_space<hbm>> -> memref<1x1024xf32, #tpu.memory_space<hbm>>
      %dma_start3A_440 = tpu.memref_squeeze %dma_start3A_439 : memref<1x1024xf32, #tpu.memory_space<hbm>> -> memref<1024xf32, #tpu.memory_space<hbm>>
      %dma_start3A_441 = arith.constant 0 : i32
      %dma_start3A_442 = tpu.memref_slice %arg4[%add3A_434, %dma_start3A_441] : memref<32768x1024xf32, #tpu.memory_space<hbm>> -> memref<1x1024xf32, #tpu.memory_space<hbm>>
      %dma_start3A_443 = tpu.memref_squeeze %dma_start3A_442 : memref<1x1024xf32, #tpu.memory_space<hbm>> -> memref<1024xf32, #tpu.memory_space<hbm>>
      %dma_start3A_444 = arith.constant 0 : i32
      %dma_start3A_445 = tpu.memref_slice %arg5[%squeeze3A, %dma_start3A_444] : memref<3x1024xf32, #tpu.memory_space<vmem>> -> memref<1x1024xf32, #tpu.memory_space<vmem>>
      %dma_start3A_446 = tpu.memref_squeeze %dma_start3A_445 : memref<1x1024xf32, #tpu.memory_space<vmem>> -> memref<1024xf32, #tpu.memory_space<vmem>>
      tpu.enqueue_dma source(%dma_start3A_446 : memref<1024xf32, #tpu.memory_space<vmem>>) target(%dma_start3A_443 : memref<1024xf32, #tpu.memory_space<hbm>>) target_semaphore(%arg7 : memref<!tpu.dma_semaphore, #tpu.memory_space<semaphore_mem>>)
      %slice3A_447 = vector.extract_strided_slice %get3A_429 {offsets = [1], sizes = [1], strides = [1]} : vector<16xi32> to vector<1xi32>
      %squeeze3A_448 = vector.extract %slice3A_447[0] : i32 from vector<1xi32>
      %mul3A_449 = arith.constant 16 : i32
      %mul3A_450 = arith.muli %scan3A_425, %mul3A_449 : i32
      %add3A_451 = arith.addi %mul3A_2, %mul3A_450 : i32
      %add3A_452 = arith.constant 1 : i32
      %add3A_453 = arith.addi %add3A_451, %add3A_452 : i32
      %dma_start3A_454 = arith.constant 0 : i32
      %dma_start3A_455 = tpu.memref_slice %arg5[%squeeze3A_448, %dma_start3A_454] : memref<3x1024xf32, #tpu.memory_space<vmem>> -> memref<1x1024xf32, #tpu.memory_space<vmem>>
      %dma_start3A_456 = tpu.memref_squeeze %dma_start3A_455 : memref<1x1024xf32, #tpu.memory_space<vmem>> -> memref<1024xf32, #tpu.memory_space<vmem>>
      %dma_start3A_457 = arith.constant 0 : i32
      %dma_start3A_458 = tpu.memref_slice %arg4[%add3A_453, %dma_start3A_457] : memref<32768x1024xf32, #tpu.memory_space<hbm>> -> memref<1x1024xf32, #tpu.memory_space<hbm>>
      %dma_start3A_459 = tpu.memref_squeeze %dma_start3A_458 : memref<1x1024xf32, #tpu.memory_space<hbm>> -> memref<1024xf32, #tpu.memory_space<hbm>>
      %dma_start3A_460 = arith.constant 0 : i32
      %dma_start3A_461 = tpu.memref_slice %arg4[%add3A_453, %dma_start3A_460] : memref<32768x1024xf32, #tpu.memory_space<hbm>> -> memref<1x1024xf32, #tpu.memory_space<hbm>>
      %dma_start3A_462 = tpu.memref_squeeze %dma_start3A_461 : memref<1x1024xf32, #tpu.memory_space<hbm>> -> memref<1024xf32, #tpu.memory_space<hbm>>
      %dma_start3A_463 = arith.constant 0 : i32
      %dma_start3A_464 = tpu.memref_slice %arg5[%squeeze3A_448, %dma_start3A_463] : memref<3x1024xf32, #tpu.memory_space<vmem>> -> memref<1x1024xf32, #tpu.memory_space<vmem>>
      %dma_start3A_465 = tpu.memref_squeeze %dma_start3A_464 : memref<1x1024xf32, #tpu.memory_space<vmem>> -> memref<1024xf32, #tpu.memory_space<vmem>>
      tpu.enqueue_dma source(%dma_start3A_465 : memref<1024xf32, #tpu.memory_space<vmem>>) target(%dma_start3A_462 : memref<1024xf32, #tpu.memory_space<hbm>>) target_semaphore(%arg7 : memref<!tpu.dma_semaphore, #tpu.memory_space<semaphore_mem>>)
      %slice3A_466 = vector.extract_strided_slice %get3A_429 {offsets = [2], sizes = [1], strides = [1]} : vector<16xi32> to vector<1xi32>
      %squeeze3A_467 = vector.extract %slice3A_466[0] : i32 from vector<1xi32>
      %mul3A_468 = arith.constant 16 : i32
      %mul3A_469 = arith.muli %scan3A_425, %mul3A_468 : i32
      %add3A_470 = arith.addi %mul3A_2, %mul3A_469 : i32
      %add3A_471 = arith.constant 2 : i32
      %add3A_472 = arith.addi %add3A_470, %add3A_471 : i32
      %dma_start3A_473 = arith.constant 0 : i32
      %dma_start3A_474 = tpu.memref_slice %arg5[%squeeze3A_467, %dma_start3A_473] : memref<3x1024xf32, #tpu.memory_space<vmem>> -> memref<1x1024xf32, #tpu.memory_space<vmem>>
      %dma_start3A_475 = tpu.memref_squeeze %dma_start3A_474 : memref<1x1024xf32, #tpu.memory_space<vmem>> -> memref<1024xf32, #tpu.memory_space<vmem>>
      %dma_start3A_476 = arith.constant 0 : i32
      %dma_start3A_477 = tpu.memref_slice %arg4[%add3A_472, %dma_start3A_476] : memref<32768x1024xf32, #tpu.memory_space<hbm>> -> memref<1x1024xf32, #tpu.memory_space<hbm>>
      %dma_start3A_478 = tpu.memref_squeeze %dma_start3A_477 : memref<1x1024xf32, #tpu.memory_space<hbm>> -> memref<1024xf32, #tpu.memory_space<hbm>>
      %dma_start3A_479 = arith.constant 0 : i32
      %dma_start3A_480 = tpu.memref_slice %arg4[%add3A_472, %dma_start3A_479] : memref<32768x1024xf32, #tpu.memory_space<hbm>> -> memref<1x1024xf32, #tpu.memory_space<hbm>>
      %dma_start3A_481 = tpu.memref_squeeze %dma_start3A_480 : memref<1x1024xf32, #tpu.memory_space<hbm>> -> memref<1024xf32, #tpu.memory_space<hbm>>
      %dma_start3A_482 = arith.constant 0 : i32
      %dma_start3A_483 = tpu.memref_slice %arg5[%squeeze3A_467, %dma_start3A_482] : memref<3x1024xf32, #tpu.memory_space<vmem>> -> memref<1x1024xf32, #tpu.memory_space<vmem>>
      %dma_start3A_484 = tpu.memref_squeeze %dma_start3A_483 : memref<1x1024xf32, #tpu.memory_space<vmem>> -> memref<1024xf32, #tpu.memory_space<vmem>>
      tpu.enqueue_dma source(%dma_start3A_484 : memref<1024xf32, #tpu.memory_space<vmem>>) target(%dma_start3A_481 : memref<1024xf32, #tpu.memory_space<hbm>>) target_semaphore(%arg7 : memref<!tpu.dma_semaphore, #tpu.memory_space<semaphore_mem>>)
      %slice3A_485 = vector.extract_strided_slice %get3A_429 {offsets = [3], sizes = [1], strides = [1]} : vector<16xi32> to vector<1xi32>
      %squeeze3A_486 = vector.extract %slice3A_485[0] : i32 from vector<1xi32>
      %mul3A_487 = arith.constant 16 : i32
      %mul3A_488 = arith.muli %scan3A_425, %mul3A_487 : i32
      %add3A_489 = arith.addi %mul3A_2, %mul3A_488 : i32
      %add3A_490 = arith.constant 3 : i32
      %add3A_491 = arith.addi %add3A_489, %add3A_490 : i32
      %dma_start3A_492 = arith.constant 0 : i32
      %dma_start3A_493 = tpu.memref_slice %arg5[%squeeze3A_486, %dma_start3A_492] : memref<3x1024xf32, #tpu.memory_space<vmem>> -> memref<1x1024xf32, #tpu.memory_space<vmem>>
      %dma_start3A_494 = tpu.memref_squeeze %dma_start3A_493 : memref<1x1024xf32, #tpu.memory_space<vmem>> -> memref<1024xf32, #tpu.memory_space<vmem>>
      %dma_start3A_495 = arith.constant 0 : i32
      %dma_start3A_496 = tpu.memref_slice %arg4[%add3A_491, %dma_start3A_495] : memref<32768x1024xf32, #tpu.memory_space<hbm>> -> memref<1x1024xf32, #tpu.memory_space<hbm>>
      %dma_start3A_497 = tpu.memref_squeeze %dma_start3A_496 : memref<1x1024xf32, #tpu.memory_space<hbm>> -> memref<1024xf32, #tpu.memory_space<hbm>>
      %dma_start3A_498 = arith.constant 0 : i32
      %dma_start3A_499 = tpu.memref_slice %arg4[%add3A_491, %dma_start3A_498] : memref<32768x1024xf32, #tpu.memory_space<hbm>> -> memref<1x1024xf32, #tpu.memory_space<hbm>>
      %dma_start3A_500 = tpu.memref_squeeze %dma_start3A_499 : memref<1x1024xf32, #tpu.memory_space<hbm>> -> memref<1024xf32, #tpu.memory_space<hbm>>
      %dma_start3A_501 = arith.constant 0 : i32
      %dma_start3A_502 = tpu.memref_slice %arg5[%squeeze3A_486, %dma_start3A_501] : memref<3x1024xf32, #tpu.memory_space<vmem>> -> memref<1x1024xf32, #tpu.memory_space<vmem>>
      %dma_start3A_503 = tpu.memref_squeeze %dma_start3A_502 : memref<1x1024xf32, #tpu.memory_space<vmem>> -> memref<1024xf32, #tpu.memory_space<vmem>>
      tpu.enqueue_dma source(%dma_start3A_503 : memref<1024xf32, #tpu.memory_space<vmem>>) target(%dma_start3A_500 : memref<1024xf32, #tpu.memory_space<hbm>>) target_semaphore(%arg7 : memref<!tpu.dma_semaphore, #tpu.memory_space<semaphore_mem>>)
      %slice3A_504 = vector.extract_strided_slice %get3A_429 {offsets = [4], sizes = [1], strides = [1]} : vector<16xi32> to vector<1xi32>
      %squeeze3A_505 = vector.extract %slice3A_504[0] : i32 from vector<1xi32>
      %mul3A_506 = arith.constant 16 : i32
      %mul3A_507 = arith.muli %scan3A_425, %mul3A_506 : i32
      %add3A_508 = arith.addi %mul3A_2, %mul3A_507 : i32
      %add3A_509 = arith.constant 4 : i32
      %add3A_510 = arith.addi %add3A_508, %add3A_509 : i32
      %dma_start3A_511 = arith.constant 0 : i32
      %dma_start3A_512 = tpu.memref_slice %arg5[%squeeze3A_505, %dma_start3A_511] : memref<3x1024xf32, #tpu.memory_space<vmem>> -> memref<1x1024xf32, #tpu.memory_space<vmem>>
      %dma_start3A_513 = tpu.memref_squeeze %dma_start3A_512 : memref<1x1024xf32, #tpu.memory_space<vmem>> -> memref<1024xf32, #tpu.memory_space<vmem>>
      %dma_start3A_514 = arith.constant 0 : i32
      %dma_start3A_515 = tpu.memref_slice %arg4[%add3A_510, %dma_start3A_514] : memref<32768x1024xf32, #tpu.memory_space<hbm>> -> memref<1x1024xf32, #tpu.memory_space<hbm>>
      %dma_start3A_516 = tpu.memref_squeeze %dma_start3A_515 : memref<1x1024xf32, #tpu.memory_space<hbm>> -> memref<1024xf32, #tpu.memory_space<hbm>>
      %dma_start3A_517 = arith.constant 0 : i32
      %dma_start3A_518 = tpu.memref_slice %arg4[%add3A_510, %dma_start3A_517] : memref<32768x1024xf32, #tpu.memory_space<hbm>> -> memref<1x1024xf32, #tpu.memory_space<hbm>>
      %dma_start3A_519 = tpu.memref_squeeze %dma_start3A_518 : memref<1x1024xf32, #tpu.memory_space<hbm>> -> memref<1024xf32, #tpu.memory_space<hbm>>
      %dma_start3A_520 = arith.constant 0 : i32
      %dma_start3A_521 = tpu.memref_slice %arg5[%squeeze3A_505, %dma_start3A_520] : memref<3x1024xf32, #tpu.memory_space<vmem>> -> memref<1x1024xf32, #tpu.memory_space<vmem>>
      %dma_start3A_522 = tpu.memref_squeeze %dma_start3A_521 : memref<1x1024xf32, #tpu.memory_space<vmem>> -> memref<1024xf32, #tpu.memory_space<vmem>>
      tpu.enqueue_dma source(%dma_start3A_522 : memref<1024xf32, #tpu.memory_space<vmem>>) target(%dma_start3A_519 : memref<1024xf32, #tpu.memory_space<hbm>>) target_semaphore(%arg7 : memref<!tpu.dma_semaphore, #tpu.memory_space<semaphore_mem>>)
      %slice3A_523 = vector.extract_strided_slice %get3A_429 {offsets = [5], sizes = [1], strides = [1]} : vector<16xi32> to vector<1xi32>
      %squeeze3A_524 = vector.extract %slice3A_523[0] : i32 from vector<1xi32>
      %mul3A_525 = arith.constant 16 : i32
      %mul3A_526 = arith.muli %scan3A_425, %mul3A_525 : i32
      %add3A_527 = arith.addi %mul3A_2, %mul3A_526 : i32
      %add3A_528 = arith.constant 5 : i32
      %add3A_529 = arith.addi %add3A_527, %add3A_528 : i32
      %dma_start3A_530 = arith.constant 0 : i32
      %dma_start3A_531 = tpu.memref_slice %arg5[%squeeze3A_524, %dma_start3A_530] : memref<3x1024xf32, #tpu.memory_space<vmem>> -> memref<1x1024xf32, #tpu.memory_space<vmem>>
      %dma_start3A_532 = tpu.memref_squeeze %dma_start3A_531 : memref<1x1024xf32, #tpu.memory_space<vmem>> -> memref<1024xf32, #tpu.memory_space<vmem>>
      %dma_start3A_533 = arith.constant 0 : i32
      %dma_start3A_534 = tpu.memref_slice %arg4[%add3A_529, %dma_start3A_533] : memref<32768x1024xf32, #tpu.memory_space<hbm>> -> memref<1x1024xf32, #tpu.memory_space<hbm>>
      %dma_start3A_535 = tpu.memref_squeeze %dma_start3A_534 : memref<1x1024xf32, #tpu.memory_space<hbm>> -> memref<1024xf32, #tpu.memory_space<hbm>>
      %dma_start3A_536 = arith.constant 0 : i32
      %dma_start3A_537 = tpu.memref_slice %arg4[%add3A_529, %dma_start3A_536] : memref<32768x1024xf32, #tpu.memory_space<hbm>> -> memref<1x1024xf32, #tpu.memory_space<hbm>>
      %dma_start3A_538 = tpu.memref_squeeze %dma_start3A_537 : memref<1x1024xf32, #tpu.memory_space<hbm>> -> memref<1024xf32, #tpu.memory_space<hbm>>
      %dma_start3A_539 = arith.constant 0 : i32
      %dma_start3A_540 = tpu.memref_slice %arg5[%squeeze3A_524, %dma_start3A_539] : memref<3x1024xf32, #tpu.memory_space<vmem>> -> memref<1x1024xf32, #tpu.memory_space<vmem>>
      %dma_start3A_541 = tpu.memref_squeeze %dma_start3A_540 : memref<1x1024xf32, #tpu.memory_space<vmem>> -> memref<1024xf32, #tpu.memory_space<vmem>>
      tpu.enqueue_dma source(%dma_start3A_541 : memref<1024xf32, #tpu.memory_space<vmem>>) target(%dma_start3A_538 : memref<1024xf32, #tpu.memory_space<hbm>>) target_semaphore(%arg7 : memref<!tpu.dma_semaphore, #tpu.memory_space<semaphore_mem>>)
      %slice3A_542 = vector.extract_strided_slice %get3A_429 {offsets = [6], sizes = [1], strides = [1]} : vector<16xi32> to vector<1xi32>
      %squeeze3A_543 = vector.extract %slice3A_542[0] : i32 from vector<1xi32>
      %mul3A_544 = arith.constant 16 : i32
      %mul3A_545 = arith.muli %scan3A_425, %mul3A_544 : i32
      %add3A_546 = arith.addi %mul3A_2, %mul3A_545 : i32
      %add3A_547 = arith.constant 6 : i32
      %add3A_548 = arith.addi %add3A_546, %add3A_547 : i32
      %dma_start3A_549 = arith.constant 0 : i32
      %dma_start3A_550 = tpu.memref_slice %arg5[%squeeze3A_543, %dma_start3A_549] : memref<3x1024xf32, #tpu.memory_space<vmem>> -> memref<1x1024xf32, #tpu.memory_space<vmem>>
      %dma_start3A_551 = tpu.memref_squeeze %dma_start3A_550 : memref<1x1024xf32, #tpu.memory_space<vmem>> -> memref<1024xf32, #tpu.memory_space<vmem>>
      %dma_start3A_552 = arith.constant 0 : i32
      %dma_start3A_553 = tpu.memref_slice %arg4[%add3A_548, %dma_start3A_552] : memref<32768x1024xf32, #tpu.memory_space<hbm>> -> memref<1x1024xf32, #tpu.memory_space<hbm>>
      %dma_start3A_554 = tpu.memref_squeeze %dma_start3A_553 : memref<1x1024xf32, #tpu.memory_space<hbm>> -> memref<1024xf32, #tpu.memory_space<hbm>>
      %dma_start3A_555 = arith.constant 0 : i32
      %dma_start3A_556 = tpu.memref_slice %arg4[%add3A_548, %dma_start3A_555] : memref<32768x1024xf32, #tpu.memory_space<hbm>> -> memref<1x1024xf32, #tpu.memory_space<hbm>>
      %dma_start3A_557 = tpu.memref_squeeze %dma_start3A_556 : memref<1x1024xf32, #tpu.memory_space<hbm>> -> memref<1024xf32, #tpu.memory_space<hbm>>
      %dma_start3A_558 = arith.constant 0 : i32
      %dma_start3A_559 = tpu.memref_slice %arg5[%squeeze3A_543, %dma_start3A_558] : memref<3x1024xf32, #tpu.memory_space<vmem>> -> memref<1x1024xf32, #tpu.memory_space<vmem>>
      %dma_start3A_560 = tpu.memref_squeeze %dma_start3A_559 : memref<1x1024xf32, #tpu.memory_space<vmem>> -> memref<1024xf32, #tpu.memory_space<vmem>>
      tpu.enqueue_dma source(%dma_start3A_560 : memref<1024xf32, #tpu.memory_space<vmem>>) target(%dma_start3A_557 : memref<1024xf32, #tpu.memory_space<hbm>>) target_semaphore(%arg7 : memref<!tpu.dma_semaphore, #tpu.memory_space<semaphore_mem>>)
      %slice3A_561 = vector.extract_strided_slice %get3A_429 {offsets = [7], sizes = [1], strides = [1]} : vector<16xi32> to vector<1xi32>
      %squeeze3A_562 = vector.extract %slice3A_561[0] : i32 from vector<1xi32>
      %mul3A_563 = arith.constant 16 : i32
      %mul3A_564 = arith.muli %scan3A_425, %mul3A_563 : i32
      %add3A_565 = arith.addi %mul3A_2, %mul3A_564 : i32
      %add3A_566 = arith.constant 7 : i32
      %add3A_567 = arith.addi %add3A_565, %add3A_566 : i32
      %dma_start3A_568 = arith.constant 0 : i32
      %dma_start3A_569 = tpu.memref_slice %arg5[%squeeze3A_562, %dma_start3A_568] : memref<3x1024xf32, #tpu.memory_space<vmem>> -> memref<1x1024xf32, #tpu.memory_space<vmem>>
      %dma_start3A_570 = tpu.memref_squeeze %dma_start3A_569 : memref<1x1024xf32, #tpu.memory_space<vmem>> -> memref<1024xf32, #tpu.memory_space<vmem>>
      %dma_start3A_571 = arith.constant 0 : i32
      %dma_start3A_572 = tpu.memref_slice %arg4[%add3A_567, %dma_start3A_571] : memref<32768x1024xf32, #tpu.memory_space<hbm>> -> memref<1x1024xf32, #tpu.memory_space<hbm>>
      %dma_start3A_573 = tpu.memref_squeeze %dma_start3A_572 : memref<1x1024xf32, #tpu.memory_space<hbm>> -> memref<1024xf32, #tpu.memory_space<hbm>>
      %dma_start3A_574 = arith.constant 0 : i32
      %dma_start3A_575 = tpu.memref_slice %arg4[%add3A_567, %dma_start3A_574] : memref<32768x1024xf32, #tpu.memory_space<hbm>> -> memref<1x1024xf32, #tpu.memory_space<hbm>>
      %dma_start3A_576 = tpu.memref_squeeze %dma_start3A_575 : memref<1x1024xf32, #tpu.memory_space<hbm>> -> memref<1024xf32, #tpu.memory_space<hbm>>
      %dma_start3A_577 = arith.constant 0 : i32
      %dma_start3A_578 = tpu.memref_slice %arg5[%squeeze3A_562, %dma_start3A_577] : memref<3x1024xf32, #tpu.memory_space<vmem>> -> memref<1x1024xf32, #tpu.memory_space<vmem>>
      %dma_start3A_579 = tpu.memref_squeeze %dma_start3A_578 : memref<1x1024xf32, #tpu.memory_space<vmem>> -> memref<1024xf32, #tpu.memory_space<vmem>>
      tpu.enqueue_dma source(%dma_start3A_579 : memref<1024xf32, #tpu.memory_space<vmem>>) target(%dma_start3A_576 : memref<1024xf32, #tpu.memory_space<hbm>>) target_semaphore(%arg7 : memref<!tpu.dma_semaphore, #tpu.memory_space<semaphore_mem>>)
      %slice3A_580 = vector.extract_strided_slice %get3A_429 {offsets = [8], sizes = [1], strides = [1]} : vector<16xi32> to vector<1xi32>
      %squeeze3A_581 = vector.extract %slice3A_580[0] : i32 from vector<1xi32>
      %mul3A_582 = arith.constant 16 : i32
      %mul3A_583 = arith.muli %scan3A_425, %mul3A_582 : i32
      %add3A_584 = arith.addi %mul3A_2, %mul3A_583 : i32
      %add3A_585 = arith.constant 8 : i32
      %add3A_586 = arith.addi %add3A_584, %add3A_585 : i32
      %dma_start3A_587 = arith.constant 0 : i32
      %dma_start3A_588 = tpu.memref_slice %arg5[%squeeze3A_581, %dma_start3A_587] : memref<3x1024xf32, #tpu.memory_space<vmem>> -> memref<1x1024xf32, #tpu.memory_space<vmem>>
      %dma_start3A_589 = tpu.memref_squeeze %dma_start3A_588 : memref<1x1024xf32, #tpu.memory_space<vmem>> -> memref<1024xf32, #tpu.memory_space<vmem>>
      %dma_start3A_590 = arith.constant 0 : i32
      %dma_start3A_591 = tpu.memref_slice %arg4[%add3A_586, %dma_start3A_590] : memref<32768x1024xf32, #tpu.memory_space<hbm>> -> memref<1x1024xf32, #tpu.memory_space<hbm>>
      %dma_start3A_592 = tpu.memref_squeeze %dma_start3A_591 : memref<1x1024xf32, #tpu.memory_space<hbm>> -> memref<1024xf32, #tpu.memory_space<hbm>>
      %dma_start3A_593 = arith.constant 0 : i32
      %dma_start3A_594 = tpu.memref_slice %arg4[%add3A_586, %dma_start3A_593] : memref<32768x1024xf32, #tpu.memory_space<hbm>> -> memref<1x1024xf32, #tpu.memory_space<hbm>>
      %dma_start3A_595 = tpu.memref_squeeze %dma_start3A_594 : memref<1x1024xf32, #tpu.memory_space<hbm>> -> memref<1024xf32, #tpu.memory_space<hbm>>
      %dma_start3A_596 = arith.constant 0 : i32
      %dma_start3A_597 = tpu.memref_slice %arg5[%squeeze3A_581, %dma_start3A_596] : memref<3x1024xf32, #tpu.memory_space<vmem>> -> memref<1x1024xf32, #tpu.memory_space<vmem>>
      %dma_start3A_598 = tpu.memref_squeeze %dma_start3A_597 : memref<1x1024xf32, #tpu.memory_space<vmem>> -> memref<1024xf32, #tpu.memory_space<vmem>>
      tpu.enqueue_dma source(%dma_start3A_598 : memref<1024xf32, #tpu.memory_space<vmem>>) target(%dma_start3A_595 : memref<1024xf32, #tpu.memory_space<hbm>>) target_semaphore(%arg7 : memref<!tpu.dma_semaphore, #tpu.memory_space<semaphore_mem>>)
      %slice3A_599 = vector.extract_strided_slice %get3A_429 {offsets = [9], sizes = [1], strides = [1]} : vector<16xi32> to vector<1xi32>
      %squeeze3A_600 = vector.extract %slice3A_599[0] : i32 from vector<1xi32>
      %mul3A_601 = arith.constant 16 : i32
      %mul3A_602 = arith.muli %scan3A_425, %mul3A_601 : i32
      %add3A_603 = arith.addi %mul3A_2, %mul3A_602 : i32
      %add3A_604 = arith.constant 9 : i32
      %add3A_605 = arith.addi %add3A_603, %add3A_604 : i32
      %dma_start3A_606 = arith.constant 0 : i32
      %dma_start3A_607 = tpu.memref_slice %arg5[%squeeze3A_600, %dma_start3A_606] : memref<3x1024xf32, #tpu.memory_space<vmem>> -> memref<1x1024xf32, #tpu.memory_space<vmem>>
      %dma_start3A_608 = tpu.memref_squeeze %dma_start3A_607 : memref<1x1024xf32, #tpu.memory_space<vmem>> -> memref<1024xf32, #tpu.memory_space<vmem>>
      %dma_start3A_609 = arith.constant 0 : i32
      %dma_start3A_610 = tpu.memref_slice %arg4[%add3A_605, %dma_start3A_609] : memref<32768x1024xf32, #tpu.memory_space<hbm>> -> memref<1x1024xf32, #tpu.memory_space<hbm>>
      %dma_start3A_611 = tpu.memref_squeeze %dma_start3A_610 : memref<1x1024xf32, #tpu.memory_space<hbm>> -> memref<1024xf32, #tpu.memory_space<hbm>>
      %dma_start3A_612 = arith.constant 0 : i32
      %dma_start3A_613 = tpu.memref_slice %arg4[%add3A_605, %dma_start3A_612] : memref<32768x1024xf32, #tpu.memory_space<hbm>> -> memref<1x1024xf32, #tpu.memory_space<hbm>>
      %dma_start3A_614 = tpu.memref_squeeze %dma_start3A_613 : memref<1x1024xf32, #tpu.memory_space<hbm>> -> memref<1024xf32, #tpu.memory_space<hbm>>
      %dma_start3A_615 = arith.constant 0 : i32
      %dma_start3A_616 = tpu.memref_slice %arg5[%squeeze3A_600, %dma_start3A_615] : memref<3x1024xf32, #tpu.memory_space<vmem>> -> memref<1x1024xf32, #tpu.memory_space<vmem>>
      %dma_start3A_617 = tpu.memref_squeeze %dma_start3A_616 : memref<1x1024xf32, #tpu.memory_space<vmem>> -> memref<1024xf32, #tpu.memory_space<vmem>>
      tpu.enqueue_dma source(%dma_start3A_617 : memref<1024xf32, #tpu.memory_space<vmem>>) target(%dma_start3A_614 : memref<1024xf32, #tpu.memory_space<hbm>>) target_semaphore(%arg7 : memref<!tpu.dma_semaphore, #tpu.memory_space<semaphore_mem>>)
      %slice3A_618 = vector.extract_strided_slice %get3A_429 {offsets = [10], sizes = [1], strides = [1]} : vector<16xi32> to vector<1xi32>
      %squeeze3A_619 = vector.extract %slice3A_618[0] : i32 from vector<1xi32>
      %mul3A_620 = arith.constant 16 : i32
      %mul3A_621 = arith.muli %scan3A_425, %mul3A_620 : i32
      %add3A_622 = arith.addi %mul3A_2, %mul3A_621 : i32
      %add3A_623 = arith.constant 10 : i32
      %add3A_624 = arith.addi %add3A_622, %add3A_623 : i32
      %dma_start3A_625 = arith.constant 0 : i32
      %dma_start3A_626 = tpu.memref_slice %arg5[%squeeze3A_619, %dma_start3A_625] : memref<3x1024xf32, #tpu.memory_space<vmem>> -> memref<1x1024xf32, #tpu.memory_space<vmem>>
      %dma_start3A_627 = tpu.memref_squeeze %dma_start3A_626 : memref<1x1024xf32, #tpu.memory_space<vmem>> -> memref<1024xf32, #tpu.memory_space<vmem>>
      %dma_start3A_628 = arith.constant 0 : i32
      %dma_start3A_629 = tpu.memref_slice %arg4[%add3A_624, %dma_start3A_628] : memref<32768x1024xf32, #tpu.memory_space<hbm>> -> memref<1x1024xf32, #tpu.memory_space<hbm>>
      %dma_start3A_630 = tpu.memref_squeeze %dma_start3A_629 : memref<1x1024xf32, #tpu.memory_space<hbm>> -> memref<1024xf32, #tpu.memory_space<hbm>>
      %dma_start3A_631 = arith.constant 0 : i32
      %dma_start3A_632 = tpu.memref_slice %arg4[%add3A_624, %dma_start3A_631] : memref<32768x1024xf32, #tpu.memory_space<hbm>> -> memref<1x1024xf32, #tpu.memory_space<hbm>>
      %dma_start3A_633 = tpu.memref_squeeze %dma_start3A_632 : memref<1x1024xf32, #tpu.memory_space<hbm>> -> memref<1024xf32, #tpu.memory_space<hbm>>
      %dma_start3A_634 = arith.constant 0 : i32
      %dma_start3A_635 = tpu.memref_slice %arg5[%squeeze3A_619, %dma_start3A_634] : memref<3x1024xf32, #tpu.memory_space<vmem>> -> memref<1x1024xf32, #tpu.memory_space<vmem>>
      %dma_start3A_636 = tpu.memref_squeeze %dma_start3A_635 : memref<1x1024xf32, #tpu.memory_space<vmem>> -> memref<1024xf32, #tpu.memory_space<vmem>>
      tpu.enqueue_dma source(%dma_start3A_636 : memref<1024xf32, #tpu.memory_space<vmem>>) target(%dma_start3A_633 : memref<1024xf32, #tpu.memory_space<hbm>>) target_semaphore(%arg7 : memref<!tpu.dma_semaphore, #tpu.memory_space<semaphore_mem>>)
      %slice3A_637 = vector.extract_strided_slice %get3A_429 {offsets = [11], sizes = [1], strides = [1]} : vector<16xi32> to vector<1xi32>
      %squeeze3A_638 = vector.extract %slice3A_637[0] : i32 from vector<1xi32>
      %mul3A_639 = arith.constant 16 : i32
      %mul3A_640 = arith.muli %scan3A_425, %mul3A_639 : i32
      %add3A_641 = arith.addi %mul3A_2, %mul3A_640 : i32
      %add3A_642 = arith.constant 11 : i32
      %add3A_643 = arith.addi %add3A_641, %add3A_642 : i32
      %dma_start3A_644 = arith.constant 0 : i32
      %dma_start3A_645 = tpu.memref_slice %arg5[%squeeze3A_638, %dma_start3A_644] : memref<3x1024xf32, #tpu.memory_space<vmem>> -> memref<1x1024xf32, #tpu.memory_space<vmem>>
      %dma_start3A_646 = tpu.memref_squeeze %dma_start3A_645 : memref<1x1024xf32, #tpu.memory_space<vmem>> -> memref<1024xf32, #tpu.memory_space<vmem>>
      %dma_start3A_647 = arith.constant 0 : i32
      %dma_start3A_648 = tpu.memref_slice %arg4[%add3A_643, %dma_start3A_647] : memref<32768x1024xf32, #tpu.memory_space<hbm>> -> memref<1x1024xf32, #tpu.memory_space<hbm>>
      %dma_start3A_649 = tpu.memref_squeeze %dma_start3A_648 : memref<1x1024xf32, #tpu.memory_space<hbm>> -> memref<1024xf32, #tpu.memory_space<hbm>>
      %dma_start3A_650 = arith.constant 0 : i32
      %dma_start3A_651 = tpu.memref_slice %arg4[%add3A_643, %dma_start3A_650] : memref<32768x1024xf32, #tpu.memory_space<hbm>> -> memref<1x1024xf32, #tpu.memory_space<hbm>>
      %dma_start3A_652 = tpu.memref_squeeze %dma_start3A_651 : memref<1x1024xf32, #tpu.memory_space<hbm>> -> memref<1024xf32, #tpu.memory_space<hbm>>
      %dma_start3A_653 = arith.constant 0 : i32
      %dma_start3A_654 = tpu.memref_slice %arg5[%squeeze3A_638, %dma_start3A_653] : memref<3x1024xf32, #tpu.memory_space<vmem>> -> memref<1x1024xf32, #tpu.memory_space<vmem>>
      %dma_start3A_655 = tpu.memref_squeeze %dma_start3A_654 : memref<1x1024xf32, #tpu.memory_space<vmem>> -> memref<1024xf32, #tpu.memory_space<vmem>>
      tpu.enqueue_dma source(%dma_start3A_655 : memref<1024xf32, #tpu.memory_space<vmem>>) target(%dma_start3A_652 : memref<1024xf32, #tpu.memory_space<hbm>>) target_semaphore(%arg7 : memref<!tpu.dma_semaphore, #tpu.memory_space<semaphore_mem>>)
      %slice3A_656 = vector.extract_strided_slice %get3A_429 {offsets = [12], sizes = [1], strides = [1]} : vector<16xi32> to vector<1xi32>
      %squeeze3A_657 = vector.extract %slice3A_656[0] : i32 from vector<1xi32>
      %mul3A_658 = arith.constant 16 : i32
      %mul3A_659 = arith.muli %scan3A_425, %mul3A_658 : i32
      %add3A_660 = arith.addi %mul3A_2, %mul3A_659 : i32
      %add3A_661 = arith.constant 12 : i32
      %add3A_662 = arith.addi %add3A_660, %add3A_661 : i32
      %dma_start3A_663 = arith.constant 0 : i32
      %dma_start3A_664 = tpu.memref_slice %arg5[%squeeze3A_657, %dma_start3A_663] : memref<3x1024xf32, #tpu.memory_space<vmem>> -> memref<1x1024xf32, #tpu.memory_space<vmem>>
      %dma_start3A_665 = tpu.memref_squeeze %dma_start3A_664 : memref<1x1024xf32, #tpu.memory_space<vmem>> -> memref<1024xf32, #tpu.memory_space<vmem>>
      %dma_start3A_666 = arith.constant 0 : i32
      %dma_start3A_667 = tpu.memref_slice %arg4[%add3A_662, %dma_start3A_666] : memref<32768x1024xf32, #tpu.memory_space<hbm>> -> memref<1x1024xf32, #tpu.memory_space<hbm>>
      %dma_start3A_668 = tpu.memref_squeeze %dma_start3A_667 : memref<1x1024xf32, #tpu.memory_space<hbm>> -> memref<1024xf32, #tpu.memory_space<hbm>>
      %dma_start3A_669 = arith.constant 0 : i32
      %dma_start3A_670 = tpu.memref_slice %arg4[%add3A_662, %dma_start3A_669] : memref<32768x1024xf32, #tpu.memory_space<hbm>> -> memref<1x1024xf32, #tpu.memory_space<hbm>>
      %dma_start3A_671 = tpu.memref_squeeze %dma_start3A_670 : memref<1x1024xf32, #tpu.memory_space<hbm>> -> memref<1024xf32, #tpu.memory_space<hbm>>
      %dma_start3A_672 = arith.constant 0 : i32
      %dma_start3A_673 = tpu.memref_slice %arg5[%squeeze3A_657, %dma_start3A_672] : memref<3x1024xf32, #tpu.memory_space<vmem>> -> memref<1x1024xf32, #tpu.memory_space<vmem>>
      %dma_start3A_674 = tpu.memref_squeeze %dma_start3A_673 : memref<1x1024xf32, #tpu.memory_space<vmem>> -> memref<1024xf32, #tpu.memory_space<vmem>>
      tpu.enqueue_dma source(%dma_start3A_674 : memref<1024xf32, #tpu.memory_space<vmem>>) target(%dma_start3A_671 : memref<1024xf32, #tpu.memory_space<hbm>>) target_semaphore(%arg7 : memref<!tpu.dma_semaphore, #tpu.memory_space<semaphore_mem>>)
      %slice3A_675 = vector.extract_strided_slice %get3A_429 {offsets = [13], sizes = [1], strides = [1]} : vector<16xi32> to vector<1xi32>
      %squeeze3A_676 = vector.extract %slice3A_675[0] : i32 from vector<1xi32>
      %mul3A_677 = arith.constant 16 : i32
      %mul3A_678 = arith.muli %scan3A_425, %mul3A_677 : i32
      %add3A_679 = arith.addi %mul3A_2, %mul3A_678 : i32
      %add3A_680 = arith.constant 13 : i32
      %add3A_681 = arith.addi %add3A_679, %add3A_680 : i32
      %dma_start3A_682 = arith.constant 0 : i32
      %dma_start3A_683 = tpu.memref_slice %arg5[%squeeze3A_676, %dma_start3A_682] : memref<3x1024xf32, #tpu.memory_space<vmem>> -> memref<1x1024xf32, #tpu.memory_space<vmem>>
      %dma_start3A_684 = tpu.memref_squeeze %dma_start3A_683 : memref<1x1024xf32, #tpu.memory_space<vmem>> -> memref<1024xf32, #tpu.memory_space<vmem>>
      %dma_start3A_685 = arith.constant 0 : i32
      %dma_start3A_686 = tpu.memref_slice %arg4[%add3A_681, %dma_start3A_685] : memref<32768x1024xf32, #tpu.memory_space<hbm>> -> memref<1x1024xf32, #tpu.memory_space<hbm>>
      %dma_start3A_687 = tpu.memref_squeeze %dma_start3A_686 : memref<1x1024xf32, #tpu.memory_space<hbm>> -> memref<1024xf32, #tpu.memory_space<hbm>>
      %dma_start3A_688 = arith.constant 0 : i32
      %dma_start3A_689 = tpu.memref_slice %arg4[%add3A_681, %dma_start3A_688] : memref<32768x1024xf32, #tpu.memory_space<hbm>> -> memref<1x1024xf32, #tpu.memory_space<hbm>>
      %dma_start3A_690 = tpu.memref_squeeze %dma_start3A_689 : memref<1x1024xf32, #tpu.memory_space<hbm>> -> memref<1024xf32, #tpu.memory_space<hbm>>
      %dma_start3A_691 = arith.constant 0 : i32
      %dma_start3A_692 = tpu.memref_slice %arg5[%squeeze3A_676, %dma_start3A_691] : memref<3x1024xf32, #tpu.memory_space<vmem>> -> memref<1x1024xf32, #tpu.memory_space<vmem>>
      %dma_start3A_693 = tpu.memref_squeeze %dma_start3A_692 : memref<1x1024xf32, #tpu.memory_space<vmem>> -> memref<1024xf32, #tpu.memory_space<vmem>>
      tpu.enqueue_dma source(%dma_start3A_693 : memref<1024xf32, #tpu.memory_space<vmem>>) target(%dma_start3A_690 : memref<1024xf32, #tpu.memory_space<hbm>>) target_semaphore(%arg7 : memref<!tpu.dma_semaphore, #tpu.memory_space<semaphore_mem>>)
      %slice3A_694 = vector.extract_strided_slice %get3A_429 {offsets = [14], sizes = [1], strides = [1]} : vector<16xi32> to vector<1xi32>
      %squeeze3A_695 = vector.extract %slice3A_694[0] : i32 from vector<1xi32>
      %mul3A_696 = arith.constant 16 : i32
      %mul3A_697 = arith.muli %scan3A_425, %mul3A_696 : i32
      %add3A_698 = arith.addi %mul3A_2, %mul3A_697 : i32
      %add3A_699 = arith.constant 14 : i32
      %add3A_700 = arith.addi %add3A_698, %add3A_699 : i32
      %dma_start3A_701 = arith.constant 0 : i32
      %dma_start3A_702 = tpu.memref_slice %arg5[%squeeze3A_695, %dma_start3A_701] : memref<3x1024xf32, #tpu.memory_space<vmem>> -> memref<1x1024xf32, #tpu.memory_space<vmem>>
      %dma_start3A_703 = tpu.memref_squeeze %dma_start3A_702 : memref<1x1024xf32, #tpu.memory_space<vmem>> -> memref<1024xf32, #tpu.memory_space<vmem>>
      %dma_start3A_704 = arith.constant 0 : i32
      %dma_start3A_705 = tpu.memref_slice %arg4[%add3A_700, %dma_start3A_704] : memref<32768x1024xf32, #tpu.memory_space<hbm>> -> memref<1x1024xf32, #tpu.memory_space<hbm>>
      %dma_start3A_706 = tpu.memref_squeeze %dma_start3A_705 : memref<1x1024xf32, #tpu.memory_space<hbm>> -> memref<1024xf32, #tpu.memory_space<hbm>>
      %dma_start3A_707 = arith.constant 0 : i32
      %dma_start3A_708 = tpu.memref_slice %arg4[%add3A_700, %dma_start3A_707] : memref<32768x1024xf32, #tpu.memory_space<hbm>> -> memref<1x1024xf32, #tpu.memory_space<hbm>>
      %dma_start3A_709 = tpu.memref_squeeze %dma_start3A_708 : memref<1x1024xf32, #tpu.memory_space<hbm>> -> memref<1024xf32, #tpu.memory_space<hbm>>
      %dma_start3A_710 = arith.constant 0 : i32
      %dma_start3A_711 = tpu.memref_slice %arg5[%squeeze3A_695, %dma_start3A_710] : memref<3x1024xf32, #tpu.memory_space<vmem>> -> memref<1x1024xf32, #tpu.memory_space<vmem>>
      %dma_start3A_712 = tpu.memref_squeeze %dma_start3A_711 : memref<1x1024xf32, #tpu.memory_space<vmem>> -> memref<1024xf32, #tpu.memory_space<vmem>>
      tpu.enqueue_dma source(%dma_start3A_712 : memref<1024xf32, #tpu.memory_space<vmem>>) target(%dma_start3A_709 : memref<1024xf32, #tpu.memory_space<hbm>>) target_semaphore(%arg7 : memref<!tpu.dma_semaphore, #tpu.memory_space<semaphore_mem>>)
      %slice3A_713 = vector.extract_strided_slice %get3A_429 {offsets = [15], sizes = [1], strides = [1]} : vector<16xi32> to vector<1xi32>
      %squeeze3A_714 = vector.extract %slice3A_713[0] : i32 from vector<1xi32>
      %mul3A_715 = arith.constant 16 : i32
      %mul3A_716 = arith.muli %scan3A_425, %mul3A_715 : i32
      %add3A_717 = arith.addi %mul3A_2, %mul3A_716 : i32
      %add3A_718 = arith.constant 15 : i32
      %add3A_719 = arith.addi %add3A_717, %add3A_718 : i32
      %dma_start3A_720 = arith.constant 0 : i32
      %dma_start3A_721 = tpu.memref_slice %arg5[%squeeze3A_714, %dma_start3A_720] : memref<3x1024xf32, #tpu.memory_space<vmem>> -> memref<1x1024xf32, #tpu.memory_space<vmem>>
      %dma_start3A_722 = tpu.memref_squeeze %dma_start3A_721 : memref<1x1024xf32, #tpu.memory_space<vmem>> -> memref<1024xf32, #tpu.memory_space<vmem>>
      %dma_start3A_723 = arith.constant 0 : i32
      %dma_start3A_724 = tpu.memref_slice %arg4[%add3A_719, %dma_start3A_723] : memref<32768x1024xf32, #tpu.memory_space<hbm>> -> memref<1x1024xf32, #tpu.memory_space<hbm>>
      %dma_start3A_725 = tpu.memref_squeeze %dma_start3A_724 : memref<1x1024xf32, #tpu.memory_space<hbm>> -> memref<1024xf32, #tpu.memory_space<hbm>>
      %dma_start3A_726 = arith.constant 0 : i32
      %dma_start3A_727 = tpu.memref_slice %arg4[%add3A_719, %dma_start3A_726] : memref<32768x1024xf32, #tpu.memory_space<hbm>> -> memref<1x1024xf32, #tpu.memory_space<hbm>>
      %dma_start3A_728 = tpu.memref_squeeze %dma_start3A_727 : memref<1x1024xf32, #tpu.memory_space<hbm>> -> memref<1024xf32, #tpu.memory_space<hbm>>
      %dma_start3A_729 = arith.constant 0 : i32
      %dma_start3A_730 = tpu.memref_slice %arg5[%squeeze3A_714, %dma_start3A_729] : memref<3x1024xf32, #tpu.memory_space<vmem>> -> memref<1x1024xf32, #tpu.memory_space<vmem>>
      %dma_start3A_731 = tpu.memref_squeeze %dma_start3A_730 : memref<1x1024xf32, #tpu.memory_space<vmem>> -> memref<1024xf32, #tpu.memory_space<vmem>>
      tpu.enqueue_dma source(%dma_start3A_731 : memref<1024xf32, #tpu.memory_space<vmem>>) target(%dma_start3A_728 : memref<1024xf32, #tpu.memory_space<hbm>>) target_semaphore(%arg7 : memref<!tpu.dma_semaphore, #tpu.memory_space<semaphore_mem>>)
      %ge3A = arith.constant 2 : i32
      %ge3A_732 = arith.cmpi sge, %scan3A_425, %ge3A : i32
      %convert_element_type3A = arith.extui %ge3A_732 : i1 to i32
      %cond3A = arith.constant 0 : i32
      %cond3A_733 = arith.cmpi ne, %convert_element_type3A, %cond3A : i32
      scf.if %cond3A_733 {
        %dma_wait3A_734 = arith.constant 0 : i32
        %dma_wait3A_735 = arith.constant 0 : i32
        %dma_wait3A_736 = tpu.memref_slice %arg5[%dma_wait3A_734, %dma_wait3A_735] : memref<3x1024xf32, #tpu.memory_space<vmem>> -> memref<1x1024xf32, #tpu.memory_space<vmem>>
        %dma_wait3A_737 = tpu.memref_squeeze %dma_wait3A_736 : memref<1x1024xf32, #tpu.memory_space<vmem>> -> memref<1024xf32, #tpu.memory_space<vmem>>
        %dma_wait3A_738 = arith.constant 0 : i32
        %dma_wait3A_739 = tpu.memref_slice %arg4[%mul3A_2, %dma_wait3A_738] : memref<32768x1024xf32, #tpu.memory_space<hbm>> -> memref<1x1024xf32, #tpu.memory_space<hbm>>
        %dma_wait3A_740 = tpu.memref_squeeze %dma_wait3A_739 : memref<1x1024xf32, #tpu.memory_space<hbm>> -> memref<1024xf32, #tpu.memory_space<hbm>>
        %dma_wait3A_741 = arith.constant 0 : i32
        %dma_wait3A_742 = tpu.memref_slice %arg4[%mul3A_2, %dma_wait3A_741] : memref<32768x1024xf32, #tpu.memory_space<hbm>> -> memref<1x1024xf32, #tpu.memory_space<hbm>>
        %dma_wait3A_743 = tpu.memref_squeeze %dma_wait3A_742 : memref<1x1024xf32, #tpu.memory_space<hbm>> -> memref<1024xf32, #tpu.memory_space<hbm>>
        %dma_wait3A_744 = arith.constant 0 : i32
        %dma_wait3A_745 = tpu.memref_slice %arg5[%dma_wait3A_734, %dma_wait3A_744] : memref<3x1024xf32, #tpu.memory_space<vmem>> -> memref<1x1024xf32, #tpu.memory_space<vmem>>
        %dma_wait3A_746 = tpu.memref_squeeze %dma_wait3A_745 : memref<1x1024xf32, #tpu.memory_space<vmem>> -> memref<1024xf32, #tpu.memory_space<vmem>>
        tpu.wait_dma2 semaphore(%arg7 : memref<!tpu.dma_semaphore, #tpu.memory_space<semaphore_mem>>) src(%dma_wait3A_746 : memref<1024xf32, #tpu.memory_space<vmem>>) dst(%dma_wait3A_743 : memref<1024xf32, #tpu.memory_space<hbm>>)
        %dma_wait3A_747 = arith.constant 0 : i32
        %dma_wait3A_748 = arith.constant 0 : i32
        %dma_wait3A_749 = tpu.memref_slice %arg5[%dma_wait3A_747, %dma_wait3A_748] : memref<3x1024xf32, #tpu.memory_space<vmem>> -> memref<1x1024xf32, #tpu.memory_space<vmem>>
        %dma_wait3A_750 = tpu.memref_squeeze %dma_wait3A_749 : memref<1x1024xf32, #tpu.memory_space<vmem>> -> memref<1024xf32, #tpu.memory_space<vmem>>
        %dma_wait3A_751 = arith.constant 0 : i32
        %dma_wait3A_752 = tpu.memref_slice %arg4[%mul3A_2, %dma_wait3A_751] : memref<32768x1024xf32, #tpu.memory_space<hbm>> -> memref<1x1024xf32, #tpu.memory_space<hbm>>
        %dma_wait3A_753 = tpu.memref_squeeze %dma_wait3A_752 : memref<1x1024xf32, #tpu.memory_space<hbm>> -> memref<1024xf32, #tpu.memory_space<hbm>>
        %dma_wait3A_754 = arith.constant 0 : i32
        %dma_wait3A_755 = tpu.memref_slice %arg4[%mul3A_2, %dma_wait3A_754] : memref<32768x1024xf32, #tpu.memory_space<hbm>> -> memref<1x1024xf32, #tpu.memory_space<hbm>>
        %dma_wait3A_756 = tpu.memref_squeeze %dma_wait3A_755 : memref<1x1024xf32, #tpu.memory_space<hbm>> -> memref<1024xf32, #tpu.memory_space<hbm>>
        %dma_wait3A_757 = arith.constant 0 : i32
        %dma_wait3A_758 = tpu.memref_slice %arg5[%dma_wait3A_747, %dma_wait3A_757] : memref<3x1024xf32, #tpu.memory_space<vmem>> -> memref<1x1024xf32, #tpu.memory_space<vmem>>
        %dma_wait3A_759 = tpu.memref_squeeze %dma_wait3A_758 : memref<1x1024xf32, #tpu.memory_space<vmem>> -> memref<1024xf32, #tpu.memory_space<vmem>>
        tpu.wait_dma2 semaphore(%arg7 : memref<!tpu.dma_semaphore, #tpu.memory_space<semaphore_mem>>) src(%dma_wait3A_759 : memref<1024xf32, #tpu.memory_space<vmem>>) dst(%dma_wait3A_756 : memref<1024xf32, #tpu.memory_space<hbm>>)
        %dma_wait3A_760 = arith.constant 0 : i32
        %dma_wait3A_761 = arith.constant 0 : i32
        %dma_wait3A_762 = tpu.memref_slice %arg5[%dma_wait3A_760, %dma_wait3A_761] : memref<3x1024xf32, #tpu.memory_space<vmem>> -> memref<1x1024xf32, #tpu.memory_space<vmem>>
        %dma_wait3A_763 = tpu.memref_squeeze %dma_wait3A_762 : memref<1x1024xf32, #tpu.memory_space<vmem>> -> memref<1024xf32, #tpu.memory_space<vmem>>
        %dma_wait3A_764 = arith.constant 0 : i32
        %dma_wait3A_765 = tpu.memref_slice %arg4[%mul3A_2, %dma_wait3A_764] : memref<32768x1024xf32, #tpu.memory_space<hbm>> -> memref<1x1024xf32, #tpu.memory_space<hbm>>
        %dma_wait3A_766 = tpu.memref_squeeze %dma_wait3A_765 : memref<1x1024xf32, #tpu.memory_space<hbm>> -> memref<1024xf32, #tpu.memory_space<hbm>>
        %dma_wait3A_767 = arith.constant 0 : i32
        %dma_wait3A_768 = tpu.memref_slice %arg4[%mul3A_2, %dma_wait3A_767] : memref<32768x1024xf32, #tpu.memory_space<hbm>> -> memref<1x1024xf32, #tpu.memory_space<hbm>>
        %dma_wait3A_769 = tpu.memref_squeeze %dma_wait3A_768 : memref<1x1024xf32, #tpu.memory_space<hbm>> -> memref<1024xf32, #tpu.memory_space<hbm>>
        %dma_wait3A_770 = arith.constant 0 : i32
        %dma_wait3A_771 = tpu.memref_slice %arg5[%dma_wait3A_760, %dma_wait3A_770] : memref<3x1024xf32, #tpu.memory_space<vmem>> -> memref<1x1024xf32, #tpu.memory_space<vmem>>
        %dma_wait3A_772 = tpu.memref_squeeze %dma_wait3A_771 : memref<1x1024xf32, #tpu.memory_space<vmem>> -> memref<1024xf32, #tpu.memory_space<vmem>>
        tpu.wait_dma2 semaphore(%arg7 : memref<!tpu.dma_semaphore, #tpu.memory_space<semaphore_mem>>) src(%dma_wait3A_772 : memref<1024xf32, #tpu.memory_space<vmem>>) dst(%dma_wait3A_769 : memref<1024xf32, #tpu.memory_space<hbm>>)
        %dma_wait3A_773 = arith.constant 0 : i32
        %dma_wait3A_774 = arith.constant 0 : i32
        %dma_wait3A_775 = tpu.memref_slice %arg5[%dma_wait3A_773, %dma_wait3A_774] : memref<3x1024xf32, #tpu.memory_space<vmem>> -> memref<1x1024xf32, #tpu.memory_space<vmem>>
        %dma_wait3A_776 = tpu.memref_squeeze %dma_wait3A_775 : memref<1x1024xf32, #tpu.memory_space<vmem>> -> memref<1024xf32, #tpu.memory_space<vmem>>
        %dma_wait3A_777 = arith.constant 0 : i32
        %dma_wait3A_778 = tpu.memref_slice %arg4[%mul3A_2, %dma_wait3A_777] : memref<32768x1024xf32, #tpu.memory_space<hbm>> -> memref<1x1024xf32, #tpu.memory_space<hbm>>
        %dma_wait3A_779 = tpu.memref_squeeze %dma_wait3A_778 : memref<1x1024xf32, #tpu.memory_space<hbm>> -> memref<1024xf32, #tpu.memory_space<hbm>>
        %dma_wait3A_780 = arith.constant 0 : i32
        %dma_wait3A_781 = tpu.memref_slice %arg4[%mul3A_2, %dma_wait3A_780] : memref<32768x1024xf32, #tpu.memory_space<hbm>> -> memref<1x1024xf32, #tpu.memory_space<hbm>>
        %dma_wait3A_782 = tpu.memref_squeeze %dma_wait3A_781 : memref<1x1024xf32, #tpu.memory_space<hbm>> -> memref<1024xf32, #tpu.memory_space<hbm>>
        %dma_wait3A_783 = arith.constant 0 : i32
        %dma_wait3A_784 = tpu.memref_slice %arg5[%dma_wait3A_773, %dma_wait3A_783] : memref<3x1024xf32, #tpu.memory_space<vmem>> -> memref<1x1024xf32, #tpu.memory_space<vmem>>
        %dma_wait3A_785 = tpu.memref_squeeze %dma_wait3A_784 : memref<1x1024xf32, #tpu.memory_space<vmem>> -> memref<1024xf32, #tpu.memory_space<vmem>>
        tpu.wait_dma2 semaphore(%arg7 : memref<!tpu.dma_semaphore, #tpu.memory_space<semaphore_mem>>) src(%dma_wait3A_785 : memref<1024xf32, #tpu.memory_space<vmem>>) dst(%dma_wait3A_782 : memref<1024xf32, #tpu.memory_space<hbm>>)
        %dma_wait3A_786 = arith.constant 0 : i32
        %dma_wait3A_787 = arith.constant 0 : i32
        %dma_wait3A_788 = tpu.memref_slice %arg5[%dma_wait3A_786, %dma_wait3A_787] : memref<3x1024xf32, #tpu.memory_space<vmem>> -> memref<1x1024xf32, #tpu.memory_space<vmem>>
        %dma_wait3A_789 = tpu.memref_squeeze %dma_wait3A_788 : memref<1x1024xf32, #tpu.memory_space<vmem>> -> memref<1024xf32, #tpu.memory_space<vmem>>
        %dma_wait3A_790 = arith.constant 0 : i32
        %dma_wait3A_791 = tpu.memref_slice %arg4[%mul3A_2, %dma_wait3A_790] : memref<32768x1024xf32, #tpu.memory_space<hbm>> -> memref<1x1024xf32, #tpu.memory_space<hbm>>
        %dma_wait3A_792 = tpu.memref_squeeze %dma_wait3A_791 : memref<1x1024xf32, #tpu.memory_space<hbm>> -> memref<1024xf32, #tpu.memory_space<hbm>>
        %dma_wait3A_793 = arith.constant 0 : i32
        %dma_wait3A_794 = tpu.memref_slice %arg4[%mul3A_2, %dma_wait3A_793] : memref<32768x1024xf32, #tpu.memory_space<hbm>> -> memref<1x1024xf32, #tpu.memory_space<hbm>>
        %dma_wait3A_795 = tpu.memref_squeeze %dma_wait3A_794 : memref<1x1024xf32, #tpu.memory_space<hbm>> -> memref<1024xf32, #tpu.memory_space<hbm>>
        %dma_wait3A_796 = arith.constant 0 : i32
        %dma_wait3A_797 = tpu.memref_slice %arg5[%dma_wait3A_786, %dma_wait3A_796] : memref<3x1024xf32, #tpu.memory_space<vmem>> -> memref<1x1024xf32, #tpu.memory_space<vmem>>
        %dma_wait3A_798 = tpu.memref_squeeze %dma_wait3A_797 : memref<1x1024xf32, #tpu.memory_space<vmem>> -> memref<1024xf32, #tpu.memory_space<vmem>>
        tpu.wait_dma2 semaphore(%arg7 : memref<!tpu.dma_semaphore, #tpu.memory_space<semaphore_mem>>) src(%dma_wait3A_798 : memref<1024xf32, #tpu.memory_space<vmem>>) dst(%dma_wait3A_795 : memref<1024xf32, #tpu.memory_space<hbm>>)
        %dma_wait3A_799 = arith.constant 0 : i32
        %dma_wait3A_800 = arith.constant 0 : i32
        %dma_wait3A_801 = tpu.memref_slice %arg5[%dma_wait3A_799, %dma_wait3A_800] : memref<3x1024xf32, #tpu.memory_space<vmem>> -> memref<1x1024xf32, #tpu.memory_space<vmem>>
        %dma_wait3A_802 = tpu.memref_squeeze %dma_wait3A_801 : memref<1x1024xf32, #tpu.memory_space<vmem>> -> memref<1024xf32, #tpu.memory_space<vmem>>
        %dma_wait3A_803 = arith.constant 0 : i32
        %dma_wait3A_804 = tpu.memref_slice %arg4[%mul3A_2, %dma_wait3A_803] : memref<32768x1024xf32, #tpu.memory_space<hbm>> -> memref<1x1024xf32, #tpu.memory_space<hbm>>
        %dma_wait3A_805 = tpu.memref_squeeze %dma_wait3A_804 : memref<1x1024xf32, #tpu.memory_space<hbm>> -> memref<1024xf32, #tpu.memory_space<hbm>>
        %dma_wait3A_806 = arith.constant 0 : i32
        %dma_wait3A_807 = tpu.memref_slice %arg4[%mul3A_2, %dma_wait3A_806] : memref<32768x1024xf32, #tpu.memory_space<hbm>> -> memref<1x1024xf32, #tpu.memory_space<hbm>>
        %dma_wait3A_808 = tpu.memref_squeeze %dma_wait3A_807 : memref<1x1024xf32, #tpu.memory_space<hbm>> -> memref<1024xf32, #tpu.memory_space<hbm>>
        %dma_wait3A_809 = arith.constant 0 : i32
        %dma_wait3A_810 = tpu.memref_slice %arg5[%dma_wait3A_799, %dma_wait3A_809] : memref<3x1024xf32, #tpu.memory_space<vmem>> -> memref<1x1024xf32, #tpu.memory_space<vmem>>
        %dma_wait3A_811 = tpu.memref_squeeze %dma_wait3A_810 : memref<1x1024xf32, #tpu.memory_space<vmem>> -> memref<1024xf32, #tpu.memory_space<vmem>>
        tpu.wait_dma2 semaphore(%arg7 : memref<!tpu.dma_semaphore, #tpu.memory_space<semaphore_mem>>) src(%dma_wait3A_811 : memref<1024xf32, #tpu.memory_space<vmem>>) dst(%dma_wait3A_808 : memref<1024xf32, #tpu.memory_space<hbm>>)
        %dma_wait3A_812 = arith.constant 0 : i32
        %dma_wait3A_813 = arith.constant 0 : i32
        %dma_wait3A_814 = tpu.memref_slice %arg5[%dma_wait3A_812, %dma_wait3A_813] : memref<3x1024xf32, #tpu.memory_space<vmem>> -> memref<1x1024xf32, #tpu.memory_space<vmem>>
        %dma_wait3A_815 = tpu.memref_squeeze %dma_wait3A_814 : memref<1x1024xf32, #tpu.memory_space<vmem>> -> memref<1024xf32, #tpu.memory_space<vmem>>
        %dma_wait3A_816 = arith.constant 0 : i32
        %dma_wait3A_817 = tpu.memref_slice %arg4[%mul3A_2, %dma_wait3A_816] : memref<32768x1024xf32, #tpu.memory_space<hbm>> -> memref<1x1024xf32, #tpu.memory_space<hbm>>
        %dma_wait3A_818 = tpu.memref_squeeze %dma_wait3A_817 : memref<1x1024xf32, #tpu.memory_space<hbm>> -> memref<1024xf32, #tpu.memory_space<hbm>>
        %dma_wait3A_819 = arith.constant 0 : i32
        %dma_wait3A_820 = tpu.memref_slice %arg4[%mul3A_2, %dma_wait3A_819] : memref<32768x1024xf32, #tpu.memory_space<hbm>> -> memref<1x1024xf32, #tpu.memory_space<hbm>>
        %dma_wait3A_821 = tpu.memref_squeeze %dma_wait3A_820 : memref<1x1024xf32, #tpu.memory_space<hbm>> -> memref<1024xf32, #tpu.memory_space<hbm>>
        %dma_wait3A_822 = arith.constant 0 : i32
        %dma_wait3A_823 = tpu.memref_slice %arg5[%dma_wait3A_812, %dma_wait3A_822] : memref<3x1024xf32, #tpu.memory_space<vmem>> -> memref<1x1024xf32, #tpu.memory_space<vmem>>
        %dma_wait3A_824 = tpu.memref_squeeze %dma_wait3A_823 : memref<1x1024xf32, #tpu.memory_space<vmem>> -> memref<1024xf32, #tpu.memory_space<vmem>>
        tpu.wait_dma2 semaphore(%arg7 : memref<!tpu.dma_semaphore, #tpu.memory_space<semaphore_mem>>) src(%dma_wait3A_824 : memref<1024xf32, #tpu.memory_space<vmem>>) dst(%dma_wait3A_821 : memref<1024xf32, #tpu.memory_space<hbm>>)
        %dma_wait3A_825 = arith.constant 0 : i32
        %dma_wait3A_826 = arith.constant 0 : i32
        %dma_wait3A_827 = tpu.memref_slice %arg5[%dma_wait3A_825, %dma_wait3A_826] : memref<3x1024xf32, #tpu.memory_space<vmem>> -> memref<1x1024xf32, #tpu.memory_space<vmem>>
        %dma_wait3A_828 = tpu.memref_squeeze %dma_wait3A_827 : memref<1x1024xf32, #tpu.memory_space<vmem>> -> memref<1024xf32, #tpu.memory_space<vmem>>
        %dma_wait3A_829 = arith.constant 0 : i32
        %dma_wait3A_830 = tpu.memref_slice %arg4[%mul3A_2, %dma_wait3A_829] : memref<32768x1024xf32, #tpu.memory_space<hbm>> -> memref<1x1024xf32, #tpu.memory_space<hbm>>
        %dma_wait3A_831 = tpu.memref_squeeze %dma_wait3A_830 : memref<1x1024xf32, #tpu.memory_space<hbm>> -> memref<1024xf32, #tpu.memory_space<hbm>>
        %dma_wait3A_832 = arith.constant 0 : i32
        %dma_wait3A_833 = tpu.memref_slice %arg4[%mul3A_2, %dma_wait3A_832] : memref<32768x1024xf32, #tpu.memory_space<hbm>> -> memref<1x1024xf32, #tpu.memory_space<hbm>>
        %dma_wait3A_834 = tpu.memref_squeeze %dma_wait3A_833 : memref<1x1024xf32, #tpu.memory_space<hbm>> -> memref<1024xf32, #tpu.memory_space<hbm>>
        %dma_wait3A_835 = arith.constant 0 : i32
        %dma_wait3A_836 = tpu.memref_slice %arg5[%dma_wait3A_825, %dma_wait3A_835] : memref<3x1024xf32, #tpu.memory_space<vmem>> -> memref<1x1024xf32, #tpu.memory_space<vmem>>
        %dma_wait3A_837 = tpu.memref_squeeze %dma_wait3A_836 : memref<1x1024xf32, #tpu.memory_space<vmem>> -> memref<1024xf32, #tpu.memory_space<vmem>>
        tpu.wait_dma2 semaphore(%arg7 : memref<!tpu.dma_semaphore, #tpu.memory_space<semaphore_mem>>) src(%dma_wait3A_837 : memref<1024xf32, #tpu.memory_space<vmem>>) dst(%dma_wait3A_834 : memref<1024xf32, #tpu.memory_space<hbm>>)
        %dma_wait3A_838 = arith.constant 0 : i32
        %dma_wait3A_839 = arith.constant 0 : i32
        %dma_wait3A_840 = tpu.memref_slice %arg5[%dma_wait3A_838, %dma_wait3A_839] : memref<3x1024xf32, #tpu.memory_space<vmem>> -> memref<1x1024xf32, #tpu.memory_space<vmem>>
        %dma_wait3A_841 = tpu.memref_squeeze %dma_wait3A_840 : memref<1x1024xf32, #tpu.memory_space<vmem>> -> memref<1024xf32, #tpu.memory_space<vmem>>
        %dma_wait3A_842 = arith.constant 0 : i32
        %dma_wait3A_843 = tpu.memref_slice %arg4[%mul3A_2, %dma_wait3A_842] : memref<32768x1024xf32, #tpu.memory_space<hbm>> -> memref<1x1024xf32, #tpu.memory_space<hbm>>
        %dma_wait3A_844 = tpu.memref_squeeze %dma_wait3A_843 : memref<1x1024xf32, #tpu.memory_space<hbm>> -> memref<1024xf32, #tpu.memory_space<hbm>>
        %dma_wait3A_845 = arith.constant 0 : i32
        %dma_wait3A_846 = tpu.memref_slice %arg4[%mul3A_2, %dma_wait3A_845] : memref<32768x1024xf32, #tpu.memory_space<hbm>> -> memref<1x1024xf32, #tpu.memory_space<hbm>>
        %dma_wait3A_847 = tpu.memref_squeeze %dma_wait3A_846 : memref<1x1024xf32, #tpu.memory_space<hbm>> -> memref<1024xf32, #tpu.memory_space<hbm>>
        %dma_wait3A_848 = arith.constant 0 : i32
        %dma_wait3A_849 = tpu.memref_slice %arg5[%dma_wait3A_838, %dma_wait3A_848] : memref<3x1024xf32, #tpu.memory_space<vmem>> -> memref<1x1024xf32, #tpu.memory_space<vmem>>
        %dma_wait3A_850 = tpu.memref_squeeze %dma_wait3A_849 : memref<1x1024xf32, #tpu.memory_space<vmem>> -> memref<1024xf32, #tpu.memory_space<vmem>>
        tpu.wait_dma2 semaphore(%arg7 : memref<!tpu.dma_semaphore, #tpu.memory_space<semaphore_mem>>) src(%dma_wait3A_850 : memref<1024xf32, #tpu.memory_space<vmem>>) dst(%dma_wait3A_847 : memref<1024xf32, #tpu.memory_space<hbm>>)
        %dma_wait3A_851 = arith.constant 0 : i32
        %dma_wait3A_852 = arith.constant 0 : i32
        %dma_wait3A_853 = tpu.memref_slice %arg5[%dma_wait3A_851, %dma_wait3A_852] : memref<3x1024xf32, #tpu.memory_space<vmem>> -> memref<1x1024xf32, #tpu.memory_space<vmem>>
        %dma_wait3A_854 = tpu.memref_squeeze %dma_wait3A_853 : memref<1x1024xf32, #tpu.memory_space<vmem>> -> memref<1024xf32, #tpu.memory_space<vmem>>
        %dma_wait3A_855 = arith.constant 0 : i32
        %dma_wait3A_856 = tpu.memref_slice %arg4[%mul3A_2, %dma_wait3A_855] : memref<32768x1024xf32, #tpu.memory_space<hbm>> -> memref<1x1024xf32, #tpu.memory_space<hbm>>
        %dma_wait3A_857 = tpu.memref_squeeze %dma_wait3A_856 : memref<1x1024xf32, #tpu.memory_space<hbm>> -> memref<1024xf32, #tpu.memory_space<hbm>>
        %dma_wait3A_858 = arith.constant 0 : i32
        %dma_wait3A_859 = tpu.memref_slice %arg4[%mul3A_2, %dma_wait3A_858] : memref<32768x1024xf32, #tpu.memory_space<hbm>> -> memref<1x1024xf32, #tpu.memory_space<hbm>>
        %dma_wait3A_860 = tpu.memref_squeeze %dma_wait3A_859 : memref<1x1024xf32, #tpu.memory_space<hbm>> -> memref<1024xf32, #tpu.memory_space<hbm>>
        %dma_wait3A_861 = arith.constant 0 : i32
        %dma_wait3A_862 = tpu.memref_slice %arg5[%dma_wait3A_851, %dma_wait3A_861] : memref<3x1024xf32, #tpu.memory_space<vmem>> -> memref<1x1024xf32, #tpu.memory_space<vmem>>
        %dma_wait3A_863 = tpu.memref_squeeze %dma_wait3A_862 : memref<1x1024xf32, #tpu.memory_space<vmem>> -> memref<1024xf32, #tpu.memory_space<vmem>>
        tpu.wait_dma2 semaphore(%arg7 : memref<!tpu.dma_semaphore, #tpu.memory_space<semaphore_mem>>) src(%dma_wait3A_863 : memref<1024xf32, #tpu.memory_space<vmem>>) dst(%dma_wait3A_860 : memref<1024xf32, #tpu.memory_space<hbm>>)
        %dma_wait3A_864 = arith.constant 0 : i32
        %dma_wait3A_865 = arith.constant 0 : i32
        %dma_wait3A_866 = tpu.memref_slice %arg5[%dma_wait3A_864, %dma_wait3A_865] : memref<3x1024xf32, #tpu.memory_space<vmem>> -> memref<1x1024xf32, #tpu.memory_space<vmem>>
        %dma_wait3A_867 = tpu.memref_squeeze %dma_wait3A_866 : memref<1x1024xf32, #tpu.memory_space<vmem>> -> memref<1024xf32, #tpu.memory_space<vmem>>
        %dma_wait3A_868 = arith.constant 0 : i32
        %dma_wait3A_869 = tpu.memref_slice %arg4[%mul3A_2, %dma_wait3A_868] : memref<32768x1024xf32, #tpu.memory_space<hbm>> -> memref<1x1024xf32, #tpu.memory_space<hbm>>
        %dma_wait3A_870 = tpu.memref_squeeze %dma_wait3A_869 : memref<1x1024xf32, #tpu.memory_space<hbm>> -> memref<1024xf32, #tpu.memory_space<hbm>>
        %dma_wait3A_871 = arith.constant 0 : i32
        %dma_wait3A_872 = tpu.memref_slice %arg4[%mul3A_2, %dma_wait3A_871] : memref<32768x1024xf32, #tpu.memory_space<hbm>> -> memref<1x1024xf32, #tpu.memory_space<hbm>>
        %dma_wait3A_873 = tpu.memref_squeeze %dma_wait3A_872 : memref<1x1024xf32, #tpu.memory_space<hbm>> -> memref<1024xf32, #tpu.memory_space<hbm>>
        %dma_wait3A_874 = arith.constant 0 : i32
        %dma_wait3A_875 = tpu.memref_slice %arg5[%dma_wait3A_864, %dma_wait3A_874] : memref<3x1024xf32, #tpu.memory_space<vmem>> -> memref<1x1024xf32, #tpu.memory_space<vmem>>
        %dma_wait3A_876 = tpu.memref_squeeze %dma_wait3A_875 : memref<1x1024xf32, #tpu.memory_space<vmem>> -> memref<1024xf32, #tpu.memory_space<vmem>>
        tpu.wait_dma2 semaphore(%arg7 : memref<!tpu.dma_semaphore, #tpu.memory_space<semaphore_mem>>) src(%dma_wait3A_876 : memref<1024xf32, #tpu.memory_space<vmem>>) dst(%dma_wait3A_873 : memref<1024xf32, #tpu.memory_space<hbm>>)
        %dma_wait3A_877 = arith.constant 0 : i32
        %dma_wait3A_878 = arith.constant 0 : i32
        %dma_wait3A_879 = tpu.memref_slice %arg5[%dma_wait3A_877, %dma_wait3A_878] : memref<3x1024xf32, #tpu.memory_space<vmem>> -> memref<1x1024xf32, #tpu.memory_space<vmem>>
        %dma_wait3A_880 = tpu.memref_squeeze %dma_wait3A_879 : memref<1x1024xf32, #tpu.memory_space<vmem>> -> memref<1024xf32, #tpu.memory_space<vmem>>
        %dma_wait3A_881 = arith.constant 0 : i32
        %dma_wait3A_882 = tpu.memref_slice %arg4[%mul3A_2, %dma_wait3A_881] : memref<32768x1024xf32, #tpu.memory_space<hbm>> -> memref<1x1024xf32, #tpu.memory_space<hbm>>
        %dma_wait3A_883 = tpu.memref_squeeze %dma_wait3A_882 : memref<1x1024xf32, #tpu.memory_space<hbm>> -> memref<1024xf32, #tpu.memory_space<hbm>>
        %dma_wait3A_884 = arith.constant 0 : i32
        %dma_wait3A_885 = tpu.memref_slice %arg4[%mul3A_2, %dma_wait3A_884] : memref<32768x1024xf32, #tpu.memory_space<hbm>> -> memref<1x1024xf32, #tpu.memory_space<hbm>>
        %dma_wait3A_886 = tpu.memref_squeeze %dma_wait3A_885 : memref<1x1024xf32, #tpu.memory_space<hbm>> -> memref<1024xf32, #tpu.memory_space<hbm>>
        %dma_wait3A_887 = arith.constant 0 : i32
        %dma_wait3A_888 = tpu.memref_slice %arg5[%dma_wait3A_877, %dma_wait3A_887] : memref<3x1024xf32, #tpu.memory_space<vmem>> -> memref<1x1024xf32, #tpu.memory_space<vmem>>
        %dma_wait3A_889 = tpu.memref_squeeze %dma_wait3A_888 : memref<1x1024xf32, #tpu.memory_space<vmem>> -> memref<1024xf32, #tpu.memory_space<vmem>>
        tpu.wait_dma2 semaphore(%arg7 : memref<!tpu.dma_semaphore, #tpu.memory_space<semaphore_mem>>) src(%dma_wait3A_889 : memref<1024xf32, #tpu.memory_space<vmem>>) dst(%dma_wait3A_886 : memref<1024xf32, #tpu.memory_space<hbm>>)
        %dma_wait3A_890 = arith.constant 0 : i32
        %dma_wait3A_891 = arith.constant 0 : i32
        %dma_wait3A_892 = tpu.memref_slice %arg5[%dma_wait3A_890, %dma_wait3A_891] : memref<3x1024xf32, #tpu.memory_space<vmem>> -> memref<1x1024xf32, #tpu.memory_space<vmem>>
        %dma_wait3A_893 = tpu.memref_squeeze %dma_wait3A_892 : memref<1x1024xf32, #tpu.memory_space<vmem>> -> memref<1024xf32, #tpu.memory_space<vmem>>
        %dma_wait3A_894 = arith.constant 0 : i32
        %dma_wait3A_895 = tpu.memref_slice %arg4[%mul3A_2, %dma_wait3A_894] : memref<32768x1024xf32, #tpu.memory_space<hbm>> -> memref<1x1024xf32, #tpu.memory_space<hbm>>
        %dma_wait3A_896 = tpu.memref_squeeze %dma_wait3A_895 : memref<1x1024xf32, #tpu.memory_space<hbm>> -> memref<1024xf32, #tpu.memory_space<hbm>>
        %dma_wait3A_897 = arith.constant 0 : i32
        %dma_wait3A_898 = tpu.memref_slice %arg4[%mul3A_2, %dma_wait3A_897] : memref<32768x1024xf32, #tpu.memory_space<hbm>> -> memref<1x1024xf32, #tpu.memory_space<hbm>>
        %dma_wait3A_899 = tpu.memref_squeeze %dma_wait3A_898 : memref<1x1024xf32, #tpu.memory_space<hbm>> -> memref<1024xf32, #tpu.memory_space<hbm>>
        %dma_wait3A_900 = arith.constant 0 : i32
        %dma_wait3A_901 = tpu.memref_slice %arg5[%dma_wait3A_890, %dma_wait3A_900] : memref<3x1024xf32, #tpu.memory_space<vmem>> -> memref<1x1024xf32, #tpu.memory_space<vmem>>
        %dma_wait3A_902 = tpu.memref_squeeze %dma_wait3A_901 : memref<1x1024xf32, #tpu.memory_space<vmem>> -> memref<1024xf32, #tpu.memory_space<vmem>>
        tpu.wait_dma2 semaphore(%arg7 : memref<!tpu.dma_semaphore, #tpu.memory_space<semaphore_mem>>) src(%dma_wait3A_902 : memref<1024xf32, #tpu.memory_space<vmem>>) dst(%dma_wait3A_899 : memref<1024xf32, #tpu.memory_space<hbm>>)
        %dma_wait3A_903 = arith.constant 0 : i32
        %dma_wait3A_904 = arith.constant 0 : i32
        %dma_wait3A_905 = tpu.memref_slice %arg5[%dma_wait3A_903, %dma_wait3A_904] : memref<3x1024xf32, #tpu.memory_space<vmem>> -> memref<1x1024xf32, #tpu.memory_space<vmem>>
        %dma_wait3A_906 = tpu.memref_squeeze %dma_wait3A_905 : memref<1x1024xf32, #tpu.memory_space<vmem>> -> memref<1024xf32, #tpu.memory_space<vmem>>
        %dma_wait3A_907 = arith.constant 0 : i32
        %dma_wait3A_908 = tpu.memref_slice %arg4[%mul3A_2, %dma_wait3A_907] : memref<32768x1024xf32, #tpu.memory_space<hbm>> -> memref<1x1024xf32, #tpu.memory_space<hbm>>
        %dma_wait3A_909 = tpu.memref_squeeze %dma_wait3A_908 : memref<1x1024xf32, #tpu.memory_space<hbm>> -> memref<1024xf32, #tpu.memory_space<hbm>>
        %dma_wait3A_910 = arith.constant 0 : i32
        %dma_wait3A_911 = tpu.memref_slice %arg4[%mul3A_2, %dma_wait3A_910] : memref<32768x1024xf32, #tpu.memory_space<hbm>> -> memref<1x1024xf32, #tpu.memory_space<hbm>>
        %dma_wait3A_912 = tpu.memref_squeeze %dma_wait3A_911 : memref<1x1024xf32, #tpu.memory_space<hbm>> -> memref<1024xf32, #tpu.memory_space<hbm>>
        %dma_wait3A_913 = arith.constant 0 : i32
        %dma_wait3A_914 = tpu.memref_slice %arg5[%dma_wait3A_903, %dma_wait3A_913] : memref<3x1024xf32, #tpu.memory_space<vmem>> -> memref<1x1024xf32, #tpu.memory_space<vmem>>
        %dma_wait3A_915 = tpu.memref_squeeze %dma_wait3A_914 : memref<1x1024xf32, #tpu.memory_space<vmem>> -> memref<1024xf32, #tpu.memory_space<vmem>>
        tpu.wait_dma2 semaphore(%arg7 : memref<!tpu.dma_semaphore, #tpu.memory_space<semaphore_mem>>) src(%dma_wait3A_915 : memref<1024xf32, #tpu.memory_space<vmem>>) dst(%dma_wait3A_912 : memref<1024xf32, #tpu.memory_space<hbm>>)
        %dma_wait3A_916 = arith.constant 0 : i32
        %dma_wait3A_917 = arith.constant 0 : i32
        %dma_wait3A_918 = tpu.memref_slice %arg5[%dma_wait3A_916, %dma_wait3A_917] : memref<3x1024xf32, #tpu.memory_space<vmem>> -> memref<1x1024xf32, #tpu.memory_space<vmem>>
        %dma_wait3A_919 = tpu.memref_squeeze %dma_wait3A_918 : memref<1x1024xf32, #tpu.memory_space<vmem>> -> memref<1024xf32, #tpu.memory_space<vmem>>
        %dma_wait3A_920 = arith.constant 0 : i32
        %dma_wait3A_921 = tpu.memref_slice %arg4[%mul3A_2, %dma_wait3A_920] : memref<32768x1024xf32, #tpu.memory_space<hbm>> -> memref<1x1024xf32, #tpu.memory_space<hbm>>
        %dma_wait3A_922 = tpu.memref_squeeze %dma_wait3A_921 : memref<1x1024xf32, #tpu.memory_space<hbm>> -> memref<1024xf32, #tpu.memory_space<hbm>>
        %dma_wait3A_923 = arith.constant 0 : i32
        %dma_wait3A_924 = tpu.memref_slice %arg4[%mul3A_2, %dma_wait3A_923] : memref<32768x1024xf32, #tpu.memory_space<hbm>> -> memref<1x1024xf32, #tpu.memory_space<hbm>>
        %dma_wait3A_925 = tpu.memref_squeeze %dma_wait3A_924 : memref<1x1024xf32, #tpu.memory_space<hbm>> -> memref<1024xf32, #tpu.memory_space<hbm>>
        %dma_wait3A_926 = arith.constant 0 : i32
        %dma_wait3A_927 = tpu.memref_slice %arg5[%dma_wait3A_916, %dma_wait3A_926] : memref<3x1024xf32, #tpu.memory_space<vmem>> -> memref<1x1024xf32, #tpu.memory_space<vmem>>
        %dma_wait3A_928 = tpu.memref_squeeze %dma_wait3A_927 : memref<1x1024xf32, #tpu.memory_space<vmem>> -> memref<1024xf32, #tpu.memory_space<vmem>>
        tpu.wait_dma2 semaphore(%arg7 : memref<!tpu.dma_semaphore, #tpu.memory_space<semaphore_mem>>) src(%dma_wait3A_928 : memref<1024xf32, #tpu.memory_space<vmem>>) dst(%dma_wait3A_925 : memref<1024xf32, #tpu.memory_space<hbm>>)
        %dma_wait3A_929 = arith.constant 0 : i32
        %dma_wait3A_930 = arith.constant 0 : i32
        %dma_wait3A_931 = tpu.memref_slice %arg5[%dma_wait3A_929, %dma_wait3A_930] : memref<3x1024xf32, #tpu.memory_space<vmem>> -> memref<1x1024xf32, #tpu.memory_space<vmem>>
        %dma_wait3A_932 = tpu.memref_squeeze %dma_wait3A_931 : memref<1x1024xf32, #tpu.memory_space<vmem>> -> memref<1024xf32, #tpu.memory_space<vmem>>
        %dma_wait3A_933 = arith.constant 0 : i32
        %dma_wait3A_934 = tpu.memref_slice %arg4[%mul3A_2, %dma_wait3A_933] : memref<32768x1024xf32, #tpu.memory_space<hbm>> -> memref<1x1024xf32, #tpu.memory_space<hbm>>
        %dma_wait3A_935 = tpu.memref_squeeze %dma_wait3A_934 : memref<1x1024xf32, #tpu.memory_space<hbm>> -> memref<1024xf32, #tpu.memory_space<hbm>>
        %dma_wait3A_936 = arith.constant 0 : i32
        %dma_wait3A_937 = tpu.memref_slice %arg4[%mul3A_2, %dma_wait3A_936] : memref<32768x1024xf32, #tpu.memory_space<hbm>> -> memref<1x1024xf32, #tpu.memory_space<hbm>>
        %dma_wait3A_938 = tpu.memref_squeeze %dma_wait3A_937 : memref<1x1024xf32, #tpu.memory_space<hbm>> -> memref<1024xf32, #tpu.memory_space<hbm>>
        %dma_wait3A_939 = arith.constant 0 : i32
        %dma_wait3A_940 = tpu.memref_slice %arg5[%dma_wait3A_929, %dma_wait3A_939] : memref<3x1024xf32, #tpu.memory_space<vmem>> -> memref<1x1024xf32, #tpu.memory_space<vmem>>
        %dma_wait3A_941 = tpu.memref_squeeze %dma_wait3A_940 : memref<1x1024xf32, #tpu.memory_space<vmem>> -> memref<1024xf32, #tpu.memory_space<vmem>>
        tpu.wait_dma2 semaphore(%arg7 : memref<!tpu.dma_semaphore, #tpu.memory_space<semaphore_mem>>) src(%dma_wait3A_941 : memref<1024xf32, #tpu.memory_space<vmem>>) dst(%dma_wait3A_938 : memref<1024xf32, #tpu.memory_space<hbm>>)
      } else {
      }
    }
    %scan3A_8 = arith.constant 64 : i32
    %dma_wait3A_9 = arith.constant 0 : i32
    %dma_wait3A_10 = arith.constant 0 : i32
    %dma_wait3A_11 = tpu.memref_slice %arg5[%dma_wait3A_9, %dma_wait3A_10] : memref<3x1024xf32, #tpu.memory_space<vmem>> -> memref<1x1024xf32, #tpu.memory_space<vmem>>
    %dma_wait3A_12 = tpu.memref_squeeze %dma_wait3A_11 : memref<1x1024xf32, #tpu.memory_space<vmem>> -> memref<1024xf32, #tpu.memory_space<vmem>>
    %dma_wait3A_13 = arith.constant 0 : i32
    %dma_wait3A_14 = tpu.memref_slice %arg4[%mul3A_2, %dma_wait3A_13] : memref<32768x1024xf32, #tpu.memory_space<hbm>> -> memref<1x1024xf32, #tpu.memory_space<hbm>>
    %dma_wait3A_15 = tpu.memref_squeeze %dma_wait3A_14 : memref<1x1024xf32, #tpu.memory_space<hbm>> -> memref<1024xf32, #tpu.memory_space<hbm>>
    %dma_wait3A_16 = arith.constant 0 : i32
    %dma_wait3A_17 = tpu.memref_slice %arg4[%mul3A_2, %dma_wait3A_16] : memref<32768x1024xf32, #tpu.memory_space<hbm>> -> memref<1x1024xf32, #tpu.memory_space<hbm>>
    %dma_wait3A_18 = tpu.memref_squeeze %dma_wait3A_17 : memref<1x1024xf32, #tpu.memory_space<hbm>> -> memref<1024xf32, #tpu.memory_space<hbm>>
    %dma_wait3A_19 = arith.constant 0 : i32
    %dma_wait3A_20 = tpu.memref_slice %arg5[%dma_wait3A_9, %dma_wait3A_19] : memref<3x1024xf32, #tpu.memory_space<vmem>> -> memref<1x1024xf32, #tpu.memory_space<vmem>>
    %dma_wait3A_21 = tpu.memref_squeeze %dma_wait3A_20 : memref<1x1024xf32, #tpu.memory_space<vmem>> -> memref<1024xf32, #tpu.memory_space<vmem>>
    tpu.wait_dma2 semaphore(%arg7 : memref<!tpu.dma_semaphore, #tpu.memory_space<semaphore_mem>>) src(%dma_wait3A_21 : memref<1024xf32, #tpu.memory_space<vmem>>) dst(%dma_wait3A_18 : memref<1024xf32, #tpu.memory_space<hbm>>)
    %dma_wait3A_22 = arith.constant 0 : i32
    %dma_wait3A_23 = arith.constant 0 : i32
    %dma_wait3A_24 = tpu.memref_slice %arg5[%dma_wait3A_22, %dma_wait3A_23] : memref<3x1024xf32, #tpu.memory_space<vmem>> -> memref<1x1024xf32, #tpu.memory_space<vmem>>
    %dma_wait3A_25 = tpu.memref_squeeze %dma_wait3A_24 : memref<1x1024xf32, #tpu.memory_space<vmem>> -> memref<1024xf32, #tpu.memory_space<vmem>>
    %dma_wait3A_26 = arith.constant 0 : i32
    %dma_wait3A_27 = tpu.memref_slice %arg4[%mul3A_2, %dma_wait3A_26] : memref<32768x1024xf32, #tpu.memory_space<hbm>> -> memref<1x1024xf32, #tpu.memory_space<hbm>>
    %dma_wait3A_28 = tpu.memref_squeeze %dma_wait3A_27 : memref<1x1024xf32, #tpu.memory_space<hbm>> -> memref<1024xf32, #tpu.memory_space<hbm>>
    %dma_wait3A_29 = arith.constant 0 : i32
    %dma_wait3A_30 = tpu.memref_slice %arg4[%mul3A_2, %dma_wait3A_29] : memref<32768x1024xf32, #tpu.memory_space<hbm>> -> memref<1x1024xf32, #tpu.memory_space<hbm>>
    %dma_wait3A_31 = tpu.memref_squeeze %dma_wait3A_30 : memref<1x1024xf32, #tpu.memory_space<hbm>> -> memref<1024xf32, #tpu.memory_space<hbm>>
    %dma_wait3A_32 = arith.constant 0 : i32
    %dma_wait3A_33 = tpu.memref_slice %arg5[%dma_wait3A_22, %dma_wait3A_32] : memref<3x1024xf32, #tpu.memory_space<vmem>> -> memref<1x1024xf32, #tpu.memory_space<vmem>>
    %dma_wait3A_34 = tpu.memref_squeeze %dma_wait3A_33 : memref<1x1024xf32, #tpu.memory_space<vmem>> -> memref<1024xf32, #tpu.memory_space<vmem>>
    tpu.wait_dma2 semaphore(%arg7 : memref<!tpu.dma_semaphore, #tpu.memory_space<semaphore_mem>>) src(%dma_wait3A_34 : memref<1024xf32, #tpu.memory_space<vmem>>) dst(%dma_wait3A_31 : memref<1024xf32, #tpu.memory_space<hbm>>)
    %dma_wait3A_35 = arith.constant 0 : i32
    %dma_wait3A_36 = arith.constant 0 : i32
    %dma_wait3A_37 = tpu.memref_slice %arg5[%dma_wait3A_35, %dma_wait3A_36] : memref<3x1024xf32, #tpu.memory_space<vmem>> -> memref<1x1024xf32, #tpu.memory_space<vmem>>
    %dma_wait3A_38 = tpu.memref_squeeze %dma_wait3A_37 : memref<1x1024xf32, #tpu.memory_space<vmem>> -> memref<1024xf32, #tpu.memory_space<vmem>>
    %dma_wait3A_39 = arith.constant 0 : i32
    %dma_wait3A_40 = tpu.memref_slice %arg4[%mul3A_2, %dma_wait3A_39] : memref<32768x1024xf32, #tpu.memory_space<hbm>> -> memref<1x1024xf32, #tpu.memory_space<hbm>>
    %dma_wait3A_41 = tpu.memref_squeeze %dma_wait3A_40 : memref<1x1024xf32, #tpu.memory_space<hbm>> -> memref<1024xf32, #tpu.memory_space<hbm>>
    %dma_wait3A_42 = arith.constant 0 : i32
    %dma_wait3A_43 = tpu.memref_slice %arg4[%mul3A_2, %dma_wait3A_42] : memref<32768x1024xf32, #tpu.memory_space<hbm>> -> memref<1x1024xf32, #tpu.memory_space<hbm>>
    %dma_wait3A_44 = tpu.memref_squeeze %dma_wait3A_43 : memref<1x1024xf32, #tpu.memory_space<hbm>> -> memref<1024xf32, #tpu.memory_space<hbm>>
    %dma_wait3A_45 = arith.constant 0 : i32
    %dma_wait3A_46 = tpu.memref_slice %arg5[%dma_wait3A_35, %dma_wait3A_45] : memref<3x1024xf32, #tpu.memory_space<vmem>> -> memref<1x1024xf32, #tpu.memory_space<vmem>>
    %dma_wait3A_47 = tpu.memref_squeeze %dma_wait3A_46 : memref<1x1024xf32, #tpu.memory_space<vmem>> -> memref<1024xf32, #tpu.memory_space<vmem>>
    tpu.wait_dma2 semaphore(%arg7 : memref<!tpu.dma_semaphore, #tpu.memory_space<semaphore_mem>>) src(%dma_wait3A_47 : memref<1024xf32, #tpu.memory_space<vmem>>) dst(%dma_wait3A_44 : memref<1024xf32, #tpu.memory_space<hbm>>)
    %dma_wait3A_48 = arith.constant 0 : i32
    %dma_wait3A_49 = arith.constant 0 : i32
    %dma_wait3A_50 = tpu.memref_slice %arg5[%dma_wait3A_48, %dma_wait3A_49] : memref<3x1024xf32, #tpu.memory_space<vmem>> -> memref<1x1024xf32, #tpu.memory_space<vmem>>
    %dma_wait3A_51 = tpu.memref_squeeze %dma_wait3A_50 : memref<1x1024xf32, #tpu.memory_space<vmem>> -> memref<1024xf32, #tpu.memory_space<vmem>>
    %dma_wait3A_52 = arith.constant 0 : i32
    %dma_wait3A_53 = tpu.memref_slice %arg4[%mul3A_2, %dma_wait3A_52] : memref<32768x1024xf32, #tpu.memory_space<hbm>> -> memref<1x1024xf32, #tpu.memory_space<hbm>>
    %dma_wait3A_54 = tpu.memref_squeeze %dma_wait3A_53 : memref<1x1024xf32, #tpu.memory_space<hbm>> -> memref<1024xf32, #tpu.memory_space<hbm>>
    %dma_wait3A_55 = arith.constant 0 : i32
    %dma_wait3A_56 = tpu.memref_slice %arg4[%mul3A_2, %dma_wait3A_55] : memref<32768x1024xf32, #tpu.memory_space<hbm>> -> memref<1x1024xf32, #tpu.memory_space<hbm>>
    %dma_wait3A_57 = tpu.memref_squeeze %dma_wait3A_56 : memref<1x1024xf32, #tpu.memory_space<hbm>> -> memref<1024xf32, #tpu.memory_space<hbm>>
    %dma_wait3A_58 = arith.constant 0 : i32
    %dma_wait3A_59 = tpu.memref_slice %arg5[%dma_wait3A_48, %dma_wait3A_58] : memref<3x1024xf32, #tpu.memory_space<vmem>> -> memref<1x1024xf32, #tpu.memory_space<vmem>>
    %dma_wait3A_60 = tpu.memref_squeeze %dma_wait3A_59 : memref<1x1024xf32, #tpu.memory_space<vmem>> -> memref<1024xf32, #tpu.memory_space<vmem>>
    tpu.wait_dma2 semaphore(%arg7 : memref<!tpu.dma_semaphore, #tpu.memory_space<semaphore_mem>>) src(%dma_wait3A_60 : memref<1024xf32, #tpu.memory_space<vmem>>) dst(%dma_wait3A_57 : memref<1024xf32, #tpu.memory_space<hbm>>)
    %dma_wait3A_61 = arith.constant 0 : i32
    %dma_wait3A_62 = arith.constant 0 : i32
    %dma_wait3A_63 = tpu.memref_slice %arg5[%dma_wait3A_61, %dma_wait3A_62] : memref<3x1024xf32, #tpu.memory_space<vmem>> -> memref<1x1024xf32, #tpu.memory_space<vmem>>
    %dma_wait3A_64 = tpu.memref_squeeze %dma_wait3A_63 : memref<1x1024xf32, #tpu.memory_space<vmem>> -> memref<1024xf32, #tpu.memory_space<vmem>>
    %dma_wait3A_65 = arith.constant 0 : i32
    %dma_wait3A_66 = tpu.memref_slice %arg4[%mul3A_2, %dma_wait3A_65] : memref<32768x1024xf32, #tpu.memory_space<hbm>> -> memref<1x1024xf32, #tpu.memory_space<hbm>>
    %dma_wait3A_67 = tpu.memref_squeeze %dma_wait3A_66 : memref<1x1024xf32, #tpu.memory_space<hbm>> -> memref<1024xf32, #tpu.memory_space<hbm>>
    %dma_wait3A_68 = arith.constant 0 : i32
    %dma_wait3A_69 = tpu.memref_slice %arg4[%mul3A_2, %dma_wait3A_68] : memref<32768x1024xf32, #tpu.memory_space<hbm>> -> memref<1x1024xf32, #tpu.memory_space<hbm>>
    %dma_wait3A_70 = tpu.memref_squeeze %dma_wait3A_69 : memref<1x1024xf32, #tpu.memory_space<hbm>> -> memref<1024xf32, #tpu.memory_space<hbm>>
    %dma_wait3A_71 = arith.constant 0 : i32
    %dma_wait3A_72 = tpu.memref_slice %arg5[%dma_wait3A_61, %dma_wait3A_71] : memref<3x1024xf32, #tpu.memory_space<vmem>> -> memref<1x1024xf32, #tpu.memory_space<vmem>>
    %dma_wait3A_73 = tpu.memref_squeeze %dma_wait3A_72 : memref<1x1024xf32, #tpu.memory_space<vmem>> -> memref<1024xf32, #tpu.memory_space<vmem>>
    tpu.wait_dma2 semaphore(%arg7 : memref<!tpu.dma_semaphore, #tpu.memory_space<semaphore_mem>>) src(%dma_wait3A_73 : memref<1024xf32, #tpu.memory_space<vmem>>) dst(%dma_wait3A_70 : memref<1024xf32, #tpu.memory_space<hbm>>)
    %dma_wait3A_74 = arith.constant 0 : i32
    %dma_wait3A_75 = arith.constant 0 : i32
    %dma_wait3A_76 = tpu.memref_slice %arg5[%dma_wait3A_74, %dma_wait3A_75] : memref<3x1024xf32, #tpu.memory_space<vmem>> -> memref<1x1024xf32, #tpu.memory_space<vmem>>
    %dma_wait3A_77 = tpu.memref_squeeze %dma_wait3A_76 : memref<1x1024xf32, #tpu.memory_space<vmem>> -> memref<1024xf32, #tpu.memory_space<vmem>>
    %dma_wait3A_78 = arith.constant 0 : i32
    %dma_wait3A_79 = tpu.memref_slice %arg4[%mul3A_2, %dma_wait3A_78] : memref<32768x1024xf32, #tpu.memory_space<hbm>> -> memref<1x1024xf32, #tpu.memory_space<hbm>>
    %dma_wait3A_80 = tpu.memref_squeeze %dma_wait3A_79 : memref<1x1024xf32, #tpu.memory_space<hbm>> -> memref<1024xf32, #tpu.memory_space<hbm>>
    %dma_wait3A_81 = arith.constant 0 : i32
    %dma_wait3A_82 = tpu.memref_slice %arg4[%mul3A_2, %dma_wait3A_81] : memref<32768x1024xf32, #tpu.memory_space<hbm>> -> memref<1x1024xf32, #tpu.memory_space<hbm>>
    %dma_wait3A_83 = tpu.memref_squeeze %dma_wait3A_82 : memref<1x1024xf32, #tpu.memory_space<hbm>> -> memref<1024xf32, #tpu.memory_space<hbm>>
    %dma_wait3A_84 = arith.constant 0 : i32
    %dma_wait3A_85 = tpu.memref_slice %arg5[%dma_wait3A_74, %dma_wait3A_84] : memref<3x1024xf32, #tpu.memory_space<vmem>> -> memref<1x1024xf32, #tpu.memory_space<vmem>>
    %dma_wait3A_86 = tpu.memref_squeeze %dma_wait3A_85 : memref<1x1024xf32, #tpu.memory_space<vmem>> -> memref<1024xf32, #tpu.memory_space<vmem>>
    tpu.wait_dma2 semaphore(%arg7 : memref<!tpu.dma_semaphore, #tpu.memory_space<semaphore_mem>>) src(%dma_wait3A_86 : memref<1024xf32, #tpu.memory_space<vmem>>) dst(%dma_wait3A_83 : memref<1024xf32, #tpu.memory_space<hbm>>)
    %dma_wait3A_87 = arith.constant 0 : i32
    %dma_wait3A_88 = arith.constant 0 : i32
    %dma_wait3A_89 = tpu.memref_slice %arg5[%dma_wait3A_87, %dma_wait3A_88] : memref<3x1024xf32, #tpu.memory_space<vmem>> -> memref<1x1024xf32, #tpu.memory_space<vmem>>
    %dma_wait3A_90 = tpu.memref_squeeze %dma_wait3A_89 : memref<1x1024xf32, #tpu.memory_space<vmem>> -> memref<1024xf32, #tpu.memory_space<vmem>>
    %dma_wait3A_91 = arith.constant 0 : i32
    %dma_wait3A_92 = tpu.memref_slice %arg4[%mul3A_2, %dma_wait3A_91] : memref<32768x1024xf32, #tpu.memory_space<hbm>> -> memref<1x1024xf32, #tpu.memory_space<hbm>>
    %dma_wait3A_93 = tpu.memref_squeeze %dma_wait3A_92 : memref<1x1024xf32, #tpu.memory_space<hbm>> -> memref<1024xf32, #tpu.memory_space<hbm>>
    %dma_wait3A_94 = arith.constant 0 : i32
    %dma_wait3A_95 = tpu.memref_slice %arg4[%mul3A_2, %dma_wait3A_94] : memref<32768x1024xf32, #tpu.memory_space<hbm>> -> memref<1x1024xf32, #tpu.memory_space<hbm>>
    %dma_wait3A_96 = tpu.memref_squeeze %dma_wait3A_95 : memref<1x1024xf32, #tpu.memory_space<hbm>> -> memref<1024xf32, #tpu.memory_space<hbm>>
    %dma_wait3A_97 = arith.constant 0 : i32
    %dma_wait3A_98 = tpu.memref_slice %arg5[%dma_wait3A_87, %dma_wait3A_97] : memref<3x1024xf32, #tpu.memory_space<vmem>> -> memref<1x1024xf32, #tpu.memory_space<vmem>>
    %dma_wait3A_99 = tpu.memref_squeeze %dma_wait3A_98 : memref<1x1024xf32, #tpu.memory_space<vmem>> -> memref<1024xf32, #tpu.memory_space<vmem>>
    tpu.wait_dma2 semaphore(%arg7 : memref<!tpu.dma_semaphore, #tpu.memory_space<semaphore_mem>>) src(%dma_wait3A_99 : memref<1024xf32, #tpu.memory_space<vmem>>) dst(%dma_wait3A_96 : memref<1024xf32, #tpu.memory_space<hbm>>)
    %dma_wait3A_100 = arith.constant 0 : i32
    %dma_wait3A_101 = arith.constant 0 : i32
    %dma_wait3A_102 = tpu.memref_slice %arg5[%dma_wait3A_100, %dma_wait3A_101] : memref<3x1024xf32, #tpu.memory_space<vmem>> -> memref<1x1024xf32, #tpu.memory_space<vmem>>
    %dma_wait3A_103 = tpu.memref_squeeze %dma_wait3A_102 : memref<1x1024xf32, #tpu.memory_space<vmem>> -> memref<1024xf32, #tpu.memory_space<vmem>>
    %dma_wait3A_104 = arith.constant 0 : i32
    %dma_wait3A_105 = tpu.memref_slice %arg4[%mul3A_2, %dma_wait3A_104] : memref<32768x1024xf32, #tpu.memory_space<hbm>> -> memref<1x1024xf32, #tpu.memory_space<hbm>>
    %dma_wait3A_106 = tpu.memref_squeeze %dma_wait3A_105 : memref<1x1024xf32, #tpu.memory_space<hbm>> -> memref<1024xf32, #tpu.memory_space<hbm>>
    %dma_wait3A_107 = arith.constant 0 : i32
    %dma_wait3A_108 = tpu.memref_slice %arg4[%mul3A_2, %dma_wait3A_107] : memref<32768x1024xf32, #tpu.memory_space<hbm>> -> memref<1x1024xf32, #tpu.memory_space<hbm>>
    %dma_wait3A_109 = tpu.memref_squeeze %dma_wait3A_108 : memref<1x1024xf32, #tpu.memory_space<hbm>> -> memref<1024xf32, #tpu.memory_space<hbm>>
    %dma_wait3A_110 = arith.constant 0 : i32
    %dma_wait3A_111 = tpu.memref_slice %arg5[%dma_wait3A_100, %dma_wait3A_110] : memref<3x1024xf32, #tpu.memory_space<vmem>> -> memref<1x1024xf32, #tpu.memory_space<vmem>>
    %dma_wait3A_112 = tpu.memref_squeeze %dma_wait3A_111 : memref<1x1024xf32, #tpu.memory_space<vmem>> -> memref<1024xf32, #tpu.memory_space<vmem>>
    tpu.wait_dma2 semaphore(%arg7 : memref<!tpu.dma_semaphore, #tpu.memory_space<semaphore_mem>>) src(%dma_wait3A_112 : memref<1024xf32, #tpu.memory_space<vmem>>) dst(%dma_wait3A_109 : memref<1024xf32, #tpu.memory_space<hbm>>)
    %dma_wait3A_113 = arith.constant 0 : i32
    %dma_wait3A_114 = arith.constant 0 : i32
    %dma_wait3A_115 = tpu.memref_slice %arg5[%dma_wait3A_113, %dma_wait3A_114] : memref<3x1024xf32, #tpu.memory_space<vmem>> -> memref<1x1024xf32, #tpu.memory_space<vmem>>
    %dma_wait3A_116 = tpu.memref_squeeze %dma_wait3A_115 : memref<1x1024xf32, #tpu.memory_space<vmem>> -> memref<1024xf32, #tpu.memory_space<vmem>>
    %dma_wait3A_117 = arith.constant 0 : i32
    %dma_wait3A_118 = tpu.memref_slice %arg4[%mul3A_2, %dma_wait3A_117] : memref<32768x1024xf32, #tpu.memory_space<hbm>> -> memref<1x1024xf32, #tpu.memory_space<hbm>>
    %dma_wait3A_119 = tpu.memref_squeeze %dma_wait3A_118 : memref<1x1024xf32, #tpu.memory_space<hbm>> -> memref<1024xf32, #tpu.memory_space<hbm>>
    %dma_wait3A_120 = arith.constant 0 : i32
    %dma_wait3A_121 = tpu.memref_slice %arg4[%mul3A_2, %dma_wait3A_120] : memref<32768x1024xf32, #tpu.memory_space<hbm>> -> memref<1x1024xf32, #tpu.memory_space<hbm>>
    %dma_wait3A_122 = tpu.memref_squeeze %dma_wait3A_121 : memref<1x1024xf32, #tpu.memory_space<hbm>> -> memref<1024xf32, #tpu.memory_space<hbm>>
    %dma_wait3A_123 = arith.constant 0 : i32
    %dma_wait3A_124 = tpu.memref_slice %arg5[%dma_wait3A_113, %dma_wait3A_123] : memref<3x1024xf32, #tpu.memory_space<vmem>> -> memref<1x1024xf32, #tpu.memory_space<vmem>>
    %dma_wait3A_125 = tpu.memref_squeeze %dma_wait3A_124 : memref<1x1024xf32, #tpu.memory_space<vmem>> -> memref<1024xf32, #tpu.memory_space<vmem>>
    tpu.wait_dma2 semaphore(%arg7 : memref<!tpu.dma_semaphore, #tpu.memory_space<semaphore_mem>>) src(%dma_wait3A_125 : memref<1024xf32, #tpu.memory_space<vmem>>) dst(%dma_wait3A_122 : memref<1024xf32, #tpu.memory_space<hbm>>)
    %dma_wait3A_126 = arith.constant 0 : i32
    %dma_wait3A_127 = arith.constant 0 : i32
    %dma_wait3A_128 = tpu.memref_slice %arg5[%dma_wait3A_126, %dma_wait3A_127] : memref<3x1024xf32, #tpu.memory_space<vmem>> -> memref<1x1024xf32, #tpu.memory_space<vmem>>
    %dma_wait3A_129 = tpu.memref_squeeze %dma_wait3A_128 : memref<1x1024xf32, #tpu.memory_space<vmem>> -> memref<1024xf32, #tpu.memory_space<vmem>>
    %dma_wait3A_130 = arith.constant 0 : i32
    %dma_wait3A_131 = tpu.memref_slice %arg4[%mul3A_2, %dma_wait3A_130] : memref<32768x1024xf32, #tpu.memory_space<hbm>> -> memref<1x1024xf32, #tpu.memory_space<hbm>>
    %dma_wait3A_132 = tpu.memref_squeeze %dma_wait3A_131 : memref<1x1024xf32, #tpu.memory_space<hbm>> -> memref<1024xf32, #tpu.memory_space<hbm>>
    %dma_wait3A_133 = arith.constant 0 : i32
    %dma_wait3A_134 = tpu.memref_slice %arg4[%mul3A_2, %dma_wait3A_133] : memref<32768x1024xf32, #tpu.memory_space<hbm>> -> memref<1x1024xf32, #tpu.memory_space<hbm>>
    %dma_wait3A_135 = tpu.memref_squeeze %dma_wait3A_134 : memref<1x1024xf32, #tpu.memory_space<hbm>> -> memref<1024xf32, #tpu.memory_space<hbm>>
    %dma_wait3A_136 = arith.constant 0 : i32
    %dma_wait3A_137 = tpu.memref_slice %arg5[%dma_wait3A_126, %dma_wait3A_136] : memref<3x1024xf32, #tpu.memory_space<vmem>> -> memref<1x1024xf32, #tpu.memory_space<vmem>>
    %dma_wait3A_138 = tpu.memref_squeeze %dma_wait3A_137 : memref<1x1024xf32, #tpu.memory_space<vmem>> -> memref<1024xf32, #tpu.memory_space<vmem>>
    tpu.wait_dma2 semaphore(%arg7 : memref<!tpu.dma_semaphore, #tpu.memory_space<semaphore_mem>>) src(%dma_wait3A_138 : memref<1024xf32, #tpu.memory_space<vmem>>) dst(%dma_wait3A_135 : memref<1024xf32, #tpu.memory_space<hbm>>)
    %dma_wait3A_139 = arith.constant 0 : i32
    %dma_wait3A_140 = arith.constant 0 : i32
    %dma_wait3A_141 = tpu.memref_slice %arg5[%dma_wait3A_139, %dma_wait3A_140] : memref<3x1024xf32, #tpu.memory_space<vmem>> -> memref<1x1024xf32, #tpu.memory_space<vmem>>
    %dma_wait3A_142 = tpu.memref_squeeze %dma_wait3A_141 : memref<1x1024xf32, #tpu.memory_space<vmem>> -> memref<1024xf32, #tpu.memory_space<vmem>>
    %dma_wait3A_143 = arith.constant 0 : i32
    %dma_wait3A_144 = tpu.memref_slice %arg4[%mul3A_2, %dma_wait3A_143] : memref<32768x1024xf32, #tpu.memory_space<hbm>> -> memref<1x1024xf32, #tpu.memory_space<hbm>>
    %dma_wait3A_145 = tpu.memref_squeeze %dma_wait3A_144 : memref<1x1024xf32, #tpu.memory_space<hbm>> -> memref<1024xf32, #tpu.memory_space<hbm>>
    %dma_wait3A_146 = arith.constant 0 : i32
    %dma_wait3A_147 = tpu.memref_slice %arg4[%mul3A_2, %dma_wait3A_146] : memref<32768x1024xf32, #tpu.memory_space<hbm>> -> memref<1x1024xf32, #tpu.memory_space<hbm>>
    %dma_wait3A_148 = tpu.memref_squeeze %dma_wait3A_147 : memref<1x1024xf32, #tpu.memory_space<hbm>> -> memref<1024xf32, #tpu.memory_space<hbm>>
    %dma_wait3A_149 = arith.constant 0 : i32
    %dma_wait3A_150 = tpu.memref_slice %arg5[%dma_wait3A_139, %dma_wait3A_149] : memref<3x1024xf32, #tpu.memory_space<vmem>> -> memref<1x1024xf32, #tpu.memory_space<vmem>>
    %dma_wait3A_151 = tpu.memref_squeeze %dma_wait3A_150 : memref<1x1024xf32, #tpu.memory_space<vmem>> -> memref<1024xf32, #tpu.memory_space<vmem>>
    tpu.wait_dma2 semaphore(%arg7 : memref<!tpu.dma_semaphore, #tpu.memory_space<semaphore_mem>>) src(%dma_wait3A_151 : memref<1024xf32, #tpu.memory_space<vmem>>) dst(%dma_wait3A_148 : memref<1024xf32, #tpu.memory_space<hbm>>)
    %dma_wait3A_152 = arith.constant 0 : i32
    %dma_wait3A_153 = arith.constant 0 : i32
    %dma_wait3A_154 = tpu.memref_slice %arg5[%dma_wait3A_152, %dma_wait3A_153] : memref<3x1024xf32, #tpu.memory_space<vmem>> -> memref<1x1024xf32, #tpu.memory_space<vmem>>
    %dma_wait3A_155 = tpu.memref_squeeze %dma_wait3A_154 : memref<1x1024xf32, #tpu.memory_space<vmem>> -> memref<1024xf32, #tpu.memory_space<vmem>>
    %dma_wait3A_156 = arith.constant 0 : i32
    %dma_wait3A_157 = tpu.memref_slice %arg4[%mul3A_2, %dma_wait3A_156] : memref<32768x1024xf32, #tpu.memory_space<hbm>> -> memref<1x1024xf32, #tpu.memory_space<hbm>>
    %dma_wait3A_158 = tpu.memref_squeeze %dma_wait3A_157 : memref<1x1024xf32, #tpu.memory_space<hbm>> -> memref<1024xf32, #tpu.memory_space<hbm>>
    %dma_wait3A_159 = arith.constant 0 : i32
    %dma_wait3A_160 = tpu.memref_slice %arg4[%mul3A_2, %dma_wait3A_159] : memref<32768x1024xf32, #tpu.memory_space<hbm>> -> memref<1x1024xf32, #tpu.memory_space<hbm>>
    %dma_wait3A_161 = tpu.memref_squeeze %dma_wait3A_160 : memref<1x1024xf32, #tpu.memory_space<hbm>> -> memref<1024xf32, #tpu.memory_space<hbm>>
    %dma_wait3A_162 = arith.constant 0 : i32
    %dma_wait3A_163 = tpu.memref_slice %arg5[%dma_wait3A_152, %dma_wait3A_162] : memref<3x1024xf32, #tpu.memory_space<vmem>> -> memref<1x1024xf32, #tpu.memory_space<vmem>>
    %dma_wait3A_164 = tpu.memref_squeeze %dma_wait3A_163 : memref<1x1024xf32, #tpu.memory_space<vmem>> -> memref<1024xf32, #tpu.memory_space<vmem>>
    tpu.wait_dma2 semaphore(%arg7 : memref<!tpu.dma_semaphore, #tpu.memory_space<semaphore_mem>>) src(%dma_wait3A_164 : memref<1024xf32, #tpu.memory_space<vmem>>) dst(%dma_wait3A_161 : memref<1024xf32, #tpu.memory_space<hbm>>)
    %dma_wait3A_165 = arith.constant 0 : i32
    %dma_wait3A_166 = arith.constant 0 : i32
    %dma_wait3A_167 = tpu.memref_slice %arg5[%dma_wait3A_165, %dma_wait3A_166] : memref<3x1024xf32, #tpu.memory_space<vmem>> -> memref<1x1024xf32, #tpu.memory_space<vmem>>
    %dma_wait3A_168 = tpu.memref_squeeze %dma_wait3A_167 : memref<1x1024xf32, #tpu.memory_space<vmem>> -> memref<1024xf32, #tpu.memory_space<vmem>>
    %dma_wait3A_169 = arith.constant 0 : i32
    %dma_wait3A_170 = tpu.memref_slice %arg4[%mul3A_2, %dma_wait3A_169] : memref<32768x1024xf32, #tpu.memory_space<hbm>> -> memref<1x1024xf32, #tpu.memory_space<hbm>>
    %dma_wait3A_171 = tpu.memref_squeeze %dma_wait3A_170 : memref<1x1024xf32, #tpu.memory_space<hbm>> -> memref<1024xf32, #tpu.memory_space<hbm>>
    %dma_wait3A_172 = arith.constant 0 : i32
    %dma_wait3A_173 = tpu.memref_slice %arg4[%mul3A_2, %dma_wait3A_172] : memref<32768x1024xf32, #tpu.memory_space<hbm>> -> memref<1x1024xf32, #tpu.memory_space<hbm>>
    %dma_wait3A_174 = tpu.memref_squeeze %dma_wait3A_173 : memref<1x1024xf32, #tpu.memory_space<hbm>> -> memref<1024xf32, #tpu.memory_space<hbm>>
    %dma_wait3A_175 = arith.constant 0 : i32
    %dma_wait3A_176 = tpu.memref_slice %arg5[%dma_wait3A_165, %dma_wait3A_175] : memref<3x1024xf32, #tpu.memory_space<vmem>> -> memref<1x1024xf32, #tpu.memory_space<vmem>>
    %dma_wait3A_177 = tpu.memref_squeeze %dma_wait3A_176 : memref<1x1024xf32, #tpu.memory_space<vmem>> -> memref<1024xf32, #tpu.memory_space<vmem>>
    tpu.wait_dma2 semaphore(%arg7 : memref<!tpu.dma_semaphore, #tpu.memory_space<semaphore_mem>>) src(%dma_wait3A_177 : memref<1024xf32, #tpu.memory_space<vmem>>) dst(%dma_wait3A_174 : memref<1024xf32, #tpu.memory_space<hbm>>)
    %dma_wait3A_178 = arith.constant 0 : i32
    %dma_wait3A_179 = arith.constant 0 : i32
    %dma_wait3A_180 = tpu.memref_slice %arg5[%dma_wait3A_178, %dma_wait3A_179] : memref<3x1024xf32, #tpu.memory_space<vmem>> -> memref<1x1024xf32, #tpu.memory_space<vmem>>
    %dma_wait3A_181 = tpu.memref_squeeze %dma_wait3A_180 : memref<1x1024xf32, #tpu.memory_space<vmem>> -> memref<1024xf32, #tpu.memory_space<vmem>>
    %dma_wait3A_182 = arith.constant 0 : i32
    %dma_wait3A_183 = tpu.memref_slice %arg4[%mul3A_2, %dma_wait3A_182] : memref<32768x1024xf32, #tpu.memory_space<hbm>> -> memref<1x1024xf32, #tpu.memory_space<hbm>>
    %dma_wait3A_184 = tpu.memref_squeeze %dma_wait3A_183 : memref<1x1024xf32, #tpu.memory_space<hbm>> -> memref<1024xf32, #tpu.memory_space<hbm>>
    %dma_wait3A_185 = arith.constant 0 : i32
    %dma_wait3A_186 = tpu.memref_slice %arg4[%mul3A_2, %dma_wait3A_185] : memref<32768x1024xf32, #tpu.memory_space<hbm>> -> memref<1x1024xf32, #tpu.memory_space<hbm>>
    %dma_wait3A_187 = tpu.memref_squeeze %dma_wait3A_186 : memref<1x1024xf32, #tpu.memory_space<hbm>> -> memref<1024xf32, #tpu.memory_space<hbm>>
    %dma_wait3A_188 = arith.constant 0 : i32
    %dma_wait3A_189 = tpu.memref_slice %arg5[%dma_wait3A_178, %dma_wait3A_188] : memref<3x1024xf32, #tpu.memory_space<vmem>> -> memref<1x1024xf32, #tpu.memory_space<vmem>>
    %dma_wait3A_190 = tpu.memref_squeeze %dma_wait3A_189 : memref<1x1024xf32, #tpu.memory_space<vmem>> -> memref<1024xf32, #tpu.memory_space<vmem>>
    tpu.wait_dma2 semaphore(%arg7 : memref<!tpu.dma_semaphore, #tpu.memory_space<semaphore_mem>>) src(%dma_wait3A_190 : memref<1024xf32, #tpu.memory_space<vmem>>) dst(%dma_wait3A_187 : memref<1024xf32, #tpu.memory_space<hbm>>)
    %dma_wait3A_191 = arith.constant 0 : i32
    %dma_wait3A_192 = arith.constant 0 : i32
    %dma_wait3A_193 = tpu.memref_slice %arg5[%dma_wait3A_191, %dma_wait3A_192] : memref<3x1024xf32, #tpu.memory_space<vmem>> -> memref<1x1024xf32, #tpu.memory_space<vmem>>
    %dma_wait3A_194 = tpu.memref_squeeze %dma_wait3A_193 : memref<1x1024xf32, #tpu.memory_space<vmem>> -> memref<1024xf32, #tpu.memory_space<vmem>>
    %dma_wait3A_195 = arith.constant 0 : i32
    %dma_wait3A_196 = tpu.memref_slice %arg4[%mul3A_2, %dma_wait3A_195] : memref<32768x1024xf32, #tpu.memory_space<hbm>> -> memref<1x1024xf32, #tpu.memory_space<hbm>>
    %dma_wait3A_197 = tpu.memref_squeeze %dma_wait3A_196 : memref<1x1024xf32, #tpu.memory_space<hbm>> -> memref<1024xf32, #tpu.memory_space<hbm>>
    %dma_wait3A_198 = arith.constant 0 : i32
    %dma_wait3A_199 = tpu.memref_slice %arg4[%mul3A_2, %dma_wait3A_198] : memref<32768x1024xf32, #tpu.memory_space<hbm>> -> memref<1x1024xf32, #tpu.memory_space<hbm>>
    %dma_wait3A_200 = tpu.memref_squeeze %dma_wait3A_199 : memref<1x1024xf32, #tpu.memory_space<hbm>> -> memref<1024xf32, #tpu.memory_space<hbm>>
    %dma_wait3A_201 = arith.constant 0 : i32
    %dma_wait3A_202 = tpu.memref_slice %arg5[%dma_wait3A_191, %dma_wait3A_201] : memref<3x1024xf32, #tpu.memory_space<vmem>> -> memref<1x1024xf32, #tpu.memory_space<vmem>>
    %dma_wait3A_203 = tpu.memref_squeeze %dma_wait3A_202 : memref<1x1024xf32, #tpu.memory_space<vmem>> -> memref<1024xf32, #tpu.memory_space<vmem>>
    tpu.wait_dma2 semaphore(%arg7 : memref<!tpu.dma_semaphore, #tpu.memory_space<semaphore_mem>>) src(%dma_wait3A_203 : memref<1024xf32, #tpu.memory_space<vmem>>) dst(%dma_wait3A_200 : memref<1024xf32, #tpu.memory_space<hbm>>)
    %dma_wait3A_204 = arith.constant 0 : i32
    %dma_wait3A_205 = arith.constant 0 : i32
    %dma_wait3A_206 = tpu.memref_slice %arg5[%dma_wait3A_204, %dma_wait3A_205] : memref<3x1024xf32, #tpu.memory_space<vmem>> -> memref<1x1024xf32, #tpu.memory_space<vmem>>
    %dma_wait3A_207 = tpu.memref_squeeze %dma_wait3A_206 : memref<1x1024xf32, #tpu.memory_space<vmem>> -> memref<1024xf32, #tpu.memory_space<vmem>>
    %dma_wait3A_208 = arith.constant 0 : i32
    %dma_wait3A_209 = tpu.memref_slice %arg4[%mul3A_2, %dma_wait3A_208] : memref<32768x1024xf32, #tpu.memory_space<hbm>> -> memref<1x1024xf32, #tpu.memory_space<hbm>>
    %dma_wait3A_210 = tpu.memref_squeeze %dma_wait3A_209 : memref<1x1024xf32, #tpu.memory_space<hbm>> -> memref<1024xf32, #tpu.memory_space<hbm>>
    %dma_wait3A_211 = arith.constant 0 : i32
    %dma_wait3A_212 = tpu.memref_slice %arg4[%mul3A_2, %dma_wait3A_211] : memref<32768x1024xf32, #tpu.memory_space<hbm>> -> memref<1x1024xf32, #tpu.memory_space<hbm>>
    %dma_wait3A_213 = tpu.memref_squeeze %dma_wait3A_212 : memref<1x1024xf32, #tpu.memory_space<hbm>> -> memref<1024xf32, #tpu.memory_space<hbm>>
    %dma_wait3A_214 = arith.constant 0 : i32
    %dma_wait3A_215 = tpu.memref_slice %arg5[%dma_wait3A_204, %dma_wait3A_214] : memref<3x1024xf32, #tpu.memory_space<vmem>> -> memref<1x1024xf32, #tpu.memory_space<vmem>>
    %dma_wait3A_216 = tpu.memref_squeeze %dma_wait3A_215 : memref<1x1024xf32, #tpu.memory_space<vmem>> -> memref<1024xf32, #tpu.memory_space<vmem>>
    tpu.wait_dma2 semaphore(%arg7 : memref<!tpu.dma_semaphore, #tpu.memory_space<semaphore_mem>>) src(%dma_wait3A_216 : memref<1024xf32, #tpu.memory_space<vmem>>) dst(%dma_wait3A_213 : memref<1024xf32, #tpu.memory_space<hbm>>)
    %dma_wait3A_217 = arith.constant 0 : i32
    %dma_wait3A_218 = arith.constant 0 : i32
    %dma_wait3A_219 = tpu.memref_slice %arg5[%dma_wait3A_217, %dma_wait3A_218] : memref<3x1024xf32, #tpu.memory_space<vmem>> -> memref<1x1024xf32, #tpu.memory_space<vmem>>
    %dma_wait3A_220 = tpu.memref_squeeze %dma_wait3A_219 : memref<1x1024xf32, #tpu.memory_space<vmem>> -> memref<1024xf32, #tpu.memory_space<vmem>>
    %dma_wait3A_221 = arith.constant 0 : i32
    %dma_wait3A_222 = tpu.memref_slice %arg4[%mul3A_2, %dma_wait3A_221] : memref<32768x1024xf32, #tpu.memory_space<hbm>> -> memref<1x1024xf32, #tpu.memory_space<hbm>>
    %dma_wait3A_223 = tpu.memref_squeeze %dma_wait3A_222 : memref<1x1024xf32, #tpu.memory_space<hbm>> -> memref<1024xf32, #tpu.memory_space<hbm>>
    %dma_wait3A_224 = arith.constant 0 : i32
    %dma_wait3A_225 = tpu.memref_slice %arg4[%mul3A_2, %dma_wait3A_224] : memref<32768x1024xf32, #tpu.memory_space<hbm>> -> memref<1x1024xf32, #tpu.memory_space<hbm>>
    %dma_wait3A_226 = tpu.memref_squeeze %dma_wait3A_225 : memref<1x1024xf32, #tpu.memory_space<hbm>> -> memref<1024xf32, #tpu.memory_space<hbm>>
    %dma_wait3A_227 = arith.constant 0 : i32
    %dma_wait3A_228 = tpu.memref_slice %arg5[%dma_wait3A_217, %dma_wait3A_227] : memref<3x1024xf32, #tpu.memory_space<vmem>> -> memref<1x1024xf32, #tpu.memory_space<vmem>>
    %dma_wait3A_229 = tpu.memref_squeeze %dma_wait3A_228 : memref<1x1024xf32, #tpu.memory_space<vmem>> -> memref<1024xf32, #tpu.memory_space<vmem>>
    tpu.wait_dma2 semaphore(%arg7 : memref<!tpu.dma_semaphore, #tpu.memory_space<semaphore_mem>>) src(%dma_wait3A_229 : memref<1024xf32, #tpu.memory_space<vmem>>) dst(%dma_wait3A_226 : memref<1024xf32, #tpu.memory_space<hbm>>)
    %dma_wait3A_230 = arith.constant 0 : i32
    %dma_wait3A_231 = arith.constant 0 : i32
    %dma_wait3A_232 = tpu.memref_slice %arg5[%dma_wait3A_230, %dma_wait3A_231] : memref<3x1024xf32, #tpu.memory_space<vmem>> -> memref<1x1024xf32, #tpu.memory_space<vmem>>
    %dma_wait3A_233 = tpu.memref_squeeze %dma_wait3A_232 : memref<1x1024xf32, #tpu.memory_space<vmem>> -> memref<1024xf32, #tpu.memory_space<vmem>>
    %dma_wait3A_234 = arith.constant 0 : i32
    %dma_wait3A_235 = tpu.memref_slice %arg4[%mul3A_2, %dma_wait3A_234] : memref<32768x1024xf32, #tpu.memory_space<hbm>> -> memref<1x1024xf32, #tpu.memory_space<hbm>>
    %dma_wait3A_236 = tpu.memref_squeeze %dma_wait3A_235 : memref<1x1024xf32, #tpu.memory_space<hbm>> -> memref<1024xf32, #tpu.memory_space<hbm>>
    %dma_wait3A_237 = arith.constant 0 : i32
    %dma_wait3A_238 = tpu.memref_slice %arg4[%mul3A_2, %dma_wait3A_237] : memref<32768x1024xf32, #tpu.memory_space<hbm>> -> memref<1x1024xf32, #tpu.memory_space<hbm>>
    %dma_wait3A_239 = tpu.memref_squeeze %dma_wait3A_238 : memref<1x1024xf32, #tpu.memory_space<hbm>> -> memref<1024xf32, #tpu.memory_space<hbm>>
    %dma_wait3A_240 = arith.constant 0 : i32
    %dma_wait3A_241 = tpu.memref_slice %arg5[%dma_wait3A_230, %dma_wait3A_240] : memref<3x1024xf32, #tpu.memory_space<vmem>> -> memref<1x1024xf32, #tpu.memory_space<vmem>>
    %dma_wait3A_242 = tpu.memref_squeeze %dma_wait3A_241 : memref<1x1024xf32, #tpu.memory_space<vmem>> -> memref<1024xf32, #tpu.memory_space<vmem>>
    tpu.wait_dma2 semaphore(%arg7 : memref<!tpu.dma_semaphore, #tpu.memory_space<semaphore_mem>>) src(%dma_wait3A_242 : memref<1024xf32, #tpu.memory_space<vmem>>) dst(%dma_wait3A_239 : memref<1024xf32, #tpu.memory_space<hbm>>)
    %dma_wait3A_243 = arith.constant 0 : i32
    %dma_wait3A_244 = arith.constant 0 : i32
    %dma_wait3A_245 = tpu.memref_slice %arg5[%dma_wait3A_243, %dma_wait3A_244] : memref<3x1024xf32, #tpu.memory_space<vmem>> -> memref<1x1024xf32, #tpu.memory_space<vmem>>
    %dma_wait3A_246 = tpu.memref_squeeze %dma_wait3A_245 : memref<1x1024xf32, #tpu.memory_space<vmem>> -> memref<1024xf32, #tpu.memory_space<vmem>>
    %dma_wait3A_247 = arith.constant 0 : i32
    %dma_wait3A_248 = tpu.memref_slice %arg4[%mul3A_2, %dma_wait3A_247] : memref<32768x1024xf32, #tpu.memory_space<hbm>> -> memref<1x1024xf32, #tpu.memory_space<hbm>>
    %dma_wait3A_249 = tpu.memref_squeeze %dma_wait3A_248 : memref<1x1024xf32, #tpu.memory_space<hbm>> -> memref<1024xf32, #tpu.memory_space<hbm>>
    %dma_wait3A_250 = arith.constant 0 : i32
    %dma_wait3A_251 = tpu.memref_slice %arg4[%mul3A_2, %dma_wait3A_250] : memref<32768x1024xf32, #tpu.memory_space<hbm>> -> memref<1x1024xf32, #tpu.memory_space<hbm>>
    %dma_wait3A_252 = tpu.memref_squeeze %dma_wait3A_251 : memref<1x1024xf32, #tpu.memory_space<hbm>> -> memref<1024xf32, #tpu.memory_space<hbm>>
    %dma_wait3A_253 = arith.constant 0 : i32
    %dma_wait3A_254 = tpu.memref_slice %arg5[%dma_wait3A_243, %dma_wait3A_253] : memref<3x1024xf32, #tpu.memory_space<vmem>> -> memref<1x1024xf32, #tpu.memory_space<vmem>>
    %dma_wait3A_255 = tpu.memref_squeeze %dma_wait3A_254 : memref<1x1024xf32, #tpu.memory_space<vmem>> -> memref<1024xf32, #tpu.memory_space<vmem>>
    tpu.wait_dma2 semaphore(%arg7 : memref<!tpu.dma_semaphore, #tpu.memory_space<semaphore_mem>>) src(%dma_wait3A_255 : memref<1024xf32, #tpu.memory_space<vmem>>) dst(%dma_wait3A_252 : memref<1024xf32, #tpu.memory_space<hbm>>)
    %dma_wait3A_256 = arith.constant 0 : i32
    %dma_wait3A_257 = arith.constant 0 : i32
    %dma_wait3A_258 = tpu.memref_slice %arg5[%dma_wait3A_256, %dma_wait3A_257] : memref<3x1024xf32, #tpu.memory_space<vmem>> -> memref<1x1024xf32, #tpu.memory_space<vmem>>
    %dma_wait3A_259 = tpu.memref_squeeze %dma_wait3A_258 : memref<1x1024xf32, #tpu.memory_space<vmem>> -> memref<1024xf32, #tpu.memory_space<vmem>>
    %dma_wait3A_260 = arith.constant 0 : i32
    %dma_wait3A_261 = tpu.memref_slice %arg4[%mul3A_2, %dma_wait3A_260] : memref<32768x1024xf32, #tpu.memory_space<hbm>> -> memref<1x1024xf32, #tpu.memory_space<hbm>>
    %dma_wait3A_262 = tpu.memref_squeeze %dma_wait3A_261 : memref<1x1024xf32, #tpu.memory_space<hbm>> -> memref<1024xf32, #tpu.memory_space<hbm>>
    %dma_wait3A_263 = arith.constant 0 : i32
    %dma_wait3A_264 = tpu.memref_slice %arg4[%mul3A_2, %dma_wait3A_263] : memref<32768x1024xf32, #tpu.memory_space<hbm>> -> memref<1x1024xf32, #tpu.memory_space<hbm>>
    %dma_wait3A_265 = tpu.memref_squeeze %dma_wait3A_264 : memref<1x1024xf32, #tpu.memory_space<hbm>> -> memref<1024xf32, #tpu.memory_space<hbm>>
    %dma_wait3A_266 = arith.constant 0 : i32
    %dma_wait3A_267 = tpu.memref_slice %arg5[%dma_wait3A_256, %dma_wait3A_266] : memref<3x1024xf32, #tpu.memory_space<vmem>> -> memref<1x1024xf32, #tpu.memory_space<vmem>>
    %dma_wait3A_268 = tpu.memref_squeeze %dma_wait3A_267 : memref<1x1024xf32, #tpu.memory_space<vmem>> -> memref<1024xf32, #tpu.memory_space<vmem>>
    tpu.wait_dma2 semaphore(%arg7 : memref<!tpu.dma_semaphore, #tpu.memory_space<semaphore_mem>>) src(%dma_wait3A_268 : memref<1024xf32, #tpu.memory_space<vmem>>) dst(%dma_wait3A_265 : memref<1024xf32, #tpu.memory_space<hbm>>)
    %dma_wait3A_269 = arith.constant 0 : i32
    %dma_wait3A_270 = arith.constant 0 : i32
    %dma_wait3A_271 = tpu.memref_slice %arg5[%dma_wait3A_269, %dma_wait3A_270] : memref<3x1024xf32, #tpu.memory_space<vmem>> -> memref<1x1024xf32, #tpu.memory_space<vmem>>
    %dma_wait3A_272 = tpu.memref_squeeze %dma_wait3A_271 : memref<1x1024xf32, #tpu.memory_space<vmem>> -> memref<1024xf32, #tpu.memory_space<vmem>>
    %dma_wait3A_273 = arith.constant 0 : i32
    %dma_wait3A_274 = tpu.memref_slice %arg4[%mul3A_2, %dma_wait3A_273] : memref<32768x1024xf32, #tpu.memory_space<hbm>> -> memref<1x1024xf32, #tpu.memory_space<hbm>>
    %dma_wait3A_275 = tpu.memref_squeeze %dma_wait3A_274 : memref<1x1024xf32, #tpu.memory_space<hbm>> -> memref<1024xf32, #tpu.memory_space<hbm>>
    %dma_wait3A_276 = arith.constant 0 : i32
    %dma_wait3A_277 = tpu.memref_slice %arg4[%mul3A_2, %dma_wait3A_276] : memref<32768x1024xf32, #tpu.memory_space<hbm>> -> memref<1x1024xf32, #tpu.memory_space<hbm>>
    %dma_wait3A_278 = tpu.memref_squeeze %dma_wait3A_277 : memref<1x1024xf32, #tpu.memory_space<hbm>> -> memref<1024xf32, #tpu.memory_space<hbm>>
    %dma_wait3A_279 = arith.constant 0 : i32
    %dma_wait3A_280 = tpu.memref_slice %arg5[%dma_wait3A_269, %dma_wait3A_279] : memref<3x1024xf32, #tpu.memory_space<vmem>> -> memref<1x1024xf32, #tpu.memory_space<vmem>>
    %dma_wait3A_281 = tpu.memref_squeeze %dma_wait3A_280 : memref<1x1024xf32, #tpu.memory_space<vmem>> -> memref<1024xf32, #tpu.memory_space<vmem>>
    tpu.wait_dma2 semaphore(%arg7 : memref<!tpu.dma_semaphore, #tpu.memory_space<semaphore_mem>>) src(%dma_wait3A_281 : memref<1024xf32, #tpu.memory_space<vmem>>) dst(%dma_wait3A_278 : memref<1024xf32, #tpu.memory_space<hbm>>)
    %dma_wait3A_282 = arith.constant 0 : i32
    %dma_wait3A_283 = arith.constant 0 : i32
    %dma_wait3A_284 = tpu.memref_slice %arg5[%dma_wait3A_282, %dma_wait3A_283] : memref<3x1024xf32, #tpu.memory_space<vmem>> -> memref<1x1024xf32, #tpu.memory_space<vmem>>
    %dma_wait3A_285 = tpu.memref_squeeze %dma_wait3A_284 : memref<1x1024xf32, #tpu.memory_space<vmem>> -> memref<1024xf32, #tpu.memory_space<vmem>>
    %dma_wait3A_286 = arith.constant 0 : i32
    %dma_wait3A_287 = tpu.memref_slice %arg4[%mul3A_2, %dma_wait3A_286] : memref<32768x1024xf32, #tpu.memory_space<hbm>> -> memref<1x1024xf32, #tpu.memory_space<hbm>>
    %dma_wait3A_288 = tpu.memref_squeeze %dma_wait3A_287 : memref<1x1024xf32, #tpu.memory_space<hbm>> -> memref<1024xf32, #tpu.memory_space<hbm>>
    %dma_wait3A_289 = arith.constant 0 : i32
    %dma_wait3A_290 = tpu.memref_slice %arg4[%mul3A_2, %dma_wait3A_289] : memref<32768x1024xf32, #tpu.memory_space<hbm>> -> memref<1x1024xf32, #tpu.memory_space<hbm>>
    %dma_wait3A_291 = tpu.memref_squeeze %dma_wait3A_290 : memref<1x1024xf32, #tpu.memory_space<hbm>> -> memref<1024xf32, #tpu.memory_space<hbm>>
    %dma_wait3A_292 = arith.constant 0 : i32
    %dma_wait3A_293 = tpu.memref_slice %arg5[%dma_wait3A_282, %dma_wait3A_292] : memref<3x1024xf32, #tpu.memory_space<vmem>> -> memref<1x1024xf32, #tpu.memory_space<vmem>>
    %dma_wait3A_294 = tpu.memref_squeeze %dma_wait3A_293 : memref<1x1024xf32, #tpu.memory_space<vmem>> -> memref<1024xf32, #tpu.memory_space<vmem>>
    tpu.wait_dma2 semaphore(%arg7 : memref<!tpu.dma_semaphore, #tpu.memory_space<semaphore_mem>>) src(%dma_wait3A_294 : memref<1024xf32, #tpu.memory_space<vmem>>) dst(%dma_wait3A_291 : memref<1024xf32, #tpu.memory_space<hbm>>)
    %dma_wait3A_295 = arith.constant 0 : i32
    %dma_wait3A_296 = arith.constant 0 : i32
    %dma_wait3A_297 = tpu.memref_slice %arg5[%dma_wait3A_295, %dma_wait3A_296] : memref<3x1024xf32, #tpu.memory_space<vmem>> -> memref<1x1024xf32, #tpu.memory_space<vmem>>
    %dma_wait3A_298 = tpu.memref_squeeze %dma_wait3A_297 : memref<1x1024xf32, #tpu.memory_space<vmem>> -> memref<1024xf32, #tpu.memory_space<vmem>>
    %dma_wait3A_299 = arith.constant 0 : i32
    %dma_wait3A_300 = tpu.memref_slice %arg4[%mul3A_2, %dma_wait3A_299] : memref<32768x1024xf32, #tpu.memory_space<hbm>> -> memref<1x1024xf32, #tpu.memory_space<hbm>>
    %dma_wait3A_301 = tpu.memref_squeeze %dma_wait3A_300 : memref<1x1024xf32, #tpu.memory_space<hbm>> -> memref<1024xf32, #tpu.memory_space<hbm>>
    %dma_wait3A_302 = arith.constant 0 : i32
    %dma_wait3A_303 = tpu.memref_slice %arg4[%mul3A_2, %dma_wait3A_302] : memref<32768x1024xf32, #tpu.memory_space<hbm>> -> memref<1x1024xf32, #tpu.memory_space<hbm>>
    %dma_wait3A_304 = tpu.memref_squeeze %dma_wait3A_303 : memref<1x1024xf32, #tpu.memory_space<hbm>> -> memref<1024xf32, #tpu.memory_space<hbm>>
    %dma_wait3A_305 = arith.constant 0 : i32
    %dma_wait3A_306 = tpu.memref_slice %arg5[%dma_wait3A_295, %dma_wait3A_305] : memref<3x1024xf32, #tpu.memory_space<vmem>> -> memref<1x1024xf32, #tpu.memory_space<vmem>>
    %dma_wait3A_307 = tpu.memref_squeeze %dma_wait3A_306 : memref<1x1024xf32, #tpu.memory_space<vmem>> -> memref<1024xf32, #tpu.memory_space<vmem>>
    tpu.wait_dma2 semaphore(%arg7 : memref<!tpu.dma_semaphore, #tpu.memory_space<semaphore_mem>>) src(%dma_wait3A_307 : memref<1024xf32, #tpu.memory_space<vmem>>) dst(%dma_wait3A_304 : memref<1024xf32, #tpu.memory_space<hbm>>)
    %dma_wait3A_308 = arith.constant 0 : i32
    %dma_wait3A_309 = arith.constant 0 : i32
    %dma_wait3A_310 = tpu.memref_slice %arg5[%dma_wait3A_308, %dma_wait3A_309] : memref<3x1024xf32, #tpu.memory_space<vmem>> -> memref<1x1024xf32, #tpu.memory_space<vmem>>
    %dma_wait3A_311 = tpu.memref_squeeze %dma_wait3A_310 : memref<1x1024xf32, #tpu.memory_space<vmem>> -> memref<1024xf32, #tpu.memory_space<vmem>>
    %dma_wait3A_312 = arith.constant 0 : i32
    %dma_wait3A_313 = tpu.memref_slice %arg4[%mul3A_2, %dma_wait3A_312] : memref<32768x1024xf32, #tpu.memory_space<hbm>> -> memref<1x1024xf32, #tpu.memory_space<hbm>>
    %dma_wait3A_314 = tpu.memref_squeeze %dma_wait3A_313 : memref<1x1024xf32, #tpu.memory_space<hbm>> -> memref<1024xf32, #tpu.memory_space<hbm>>
    %dma_wait3A_315 = arith.constant 0 : i32
    %dma_wait3A_316 = tpu.memref_slice %arg4[%mul3A_2, %dma_wait3A_315] : memref<32768x1024xf32, #tpu.memory_space<hbm>> -> memref<1x1024xf32, #tpu.memory_space<hbm>>
    %dma_wait3A_317 = tpu.memref_squeeze %dma_wait3A_316 : memref<1x1024xf32, #tpu.memory_space<hbm>> -> memref<1024xf32, #tpu.memory_space<hbm>>
    %dma_wait3A_318 = arith.constant 0 : i32
    %dma_wait3A_319 = tpu.memref_slice %arg5[%dma_wait3A_308, %dma_wait3A_318] : memref<3x1024xf32, #tpu.memory_space<vmem>> -> memref<1x1024xf32, #tpu.memory_space<vmem>>
    %dma_wait3A_320 = tpu.memref_squeeze %dma_wait3A_319 : memref<1x1024xf32, #tpu.memory_space<vmem>> -> memref<1024xf32, #tpu.memory_space<vmem>>
    tpu.wait_dma2 semaphore(%arg7 : memref<!tpu.dma_semaphore, #tpu.memory_space<semaphore_mem>>) src(%dma_wait3A_320 : memref<1024xf32, #tpu.memory_space<vmem>>) dst(%dma_wait3A_317 : memref<1024xf32, #tpu.memory_space<hbm>>)
    %dma_wait3A_321 = arith.constant 0 : i32
    %dma_wait3A_322 = arith.constant 0 : i32
    %dma_wait3A_323 = tpu.memref_slice %arg5[%dma_wait3A_321, %dma_wait3A_322] : memref<3x1024xf32, #tpu.memory_space<vmem>> -> memref<1x1024xf32, #tpu.memory_space<vmem>>
    %dma_wait3A_324 = tpu.memref_squeeze %dma_wait3A_323 : memref<1x1024xf32, #tpu.memory_space<vmem>> -> memref<1024xf32, #tpu.memory_space<vmem>>
    %dma_wait3A_325 = arith.constant 0 : i32
    %dma_wait3A_326 = tpu.memref_slice %arg4[%mul3A_2, %dma_wait3A_325] : memref<32768x1024xf32, #tpu.memory_space<hbm>> -> memref<1x1024xf32, #tpu.memory_space<hbm>>
    %dma_wait3A_327 = tpu.memref_squeeze %dma_wait3A_326 : memref<1x1024xf32, #tpu.memory_space<hbm>> -> memref<1024xf32, #tpu.memory_space<hbm>>
    %dma_wait3A_328 = arith.constant 0 : i32
    %dma_wait3A_329 = tpu.memref_slice %arg4[%mul3A_2, %dma_wait3A_328] : memref<32768x1024xf32, #tpu.memory_space<hbm>> -> memref<1x1024xf32, #tpu.memory_space<hbm>>
    %dma_wait3A_330 = tpu.memref_squeeze %dma_wait3A_329 : memref<1x1024xf32, #tpu.memory_space<hbm>> -> memref<1024xf32, #tpu.memory_space<hbm>>
    %dma_wait3A_331 = arith.constant 0 : i32
    %dma_wait3A_332 = tpu.memref_slice %arg5[%dma_wait3A_321, %dma_wait3A_331] : memref<3x1024xf32, #tpu.memory_space<vmem>> -> memref<1x1024xf32, #tpu.memory_space<vmem>>
    %dma_wait3A_333 = tpu.memref_squeeze %dma_wait3A_332 : memref<1x1024xf32, #tpu.memory_space<vmem>> -> memref<1024xf32, #tpu.memory_space<vmem>>
    tpu.wait_dma2 semaphore(%arg7 : memref<!tpu.dma_semaphore, #tpu.memory_space<semaphore_mem>>) src(%dma_wait3A_333 : memref<1024xf32, #tpu.memory_space<vmem>>) dst(%dma_wait3A_330 : memref<1024xf32, #tpu.memory_space<hbm>>)
    %dma_wait3A_334 = arith.constant 0 : i32
    %dma_wait3A_335 = arith.constant 0 : i32
    %dma_wait3A_336 = tpu.memref_slice %arg5[%dma_wait3A_334, %dma_wait3A_335] : memref<3x1024xf32, #tpu.memory_space<vmem>> -> memref<1x1024xf32, #tpu.memory_space<vmem>>
    %dma_wait3A_337 = tpu.memref_squeeze %dma_wait3A_336 : memref<1x1024xf32, #tpu.memory_space<vmem>> -> memref<1024xf32, #tpu.memory_space<vmem>>
    %dma_wait3A_338 = arith.constant 0 : i32
    %dma_wait3A_339 = tpu.memref_slice %arg4[%mul3A_2, %dma_wait3A_338] : memref<32768x1024xf32, #tpu.memory_space<hbm>> -> memref<1x1024xf32, #tpu.memory_space<hbm>>
    %dma_wait3A_340 = tpu.memref_squeeze %dma_wait3A_339 : memref<1x1024xf32, #tpu.memory_space<hbm>> -> memref<1024xf32, #tpu.memory_space<hbm>>
    %dma_wait3A_341 = arith.constant 0 : i32
    %dma_wait3A_342 = tpu.memref_slice %arg4[%mul3A_2, %dma_wait3A_341] : memref<32768x1024xf32, #tpu.memory_space<hbm>> -> memref<1x1024xf32, #tpu.memory_space<hbm>>
    %dma_wait3A_343 = tpu.memref_squeeze %dma_wait3A_342 : memref<1x1024xf32, #tpu.memory_space<hbm>> -> memref<1024xf32, #tpu.memory_space<hbm>>
    %dma_wait3A_344 = arith.constant 0 : i32
    %dma_wait3A_345 = tpu.memref_slice %arg5[%dma_wait3A_334, %dma_wait3A_344] : memref<3x1024xf32, #tpu.memory_space<vmem>> -> memref<1x1024xf32, #tpu.memory_space<vmem>>
    %dma_wait3A_346 = tpu.memref_squeeze %dma_wait3A_345 : memref<1x1024xf32, #tpu.memory_space<vmem>> -> memref<1024xf32, #tpu.memory_space<vmem>>
    tpu.wait_dma2 semaphore(%arg7 : memref<!tpu.dma_semaphore, #tpu.memory_space<semaphore_mem>>) src(%dma_wait3A_346 : memref<1024xf32, #tpu.memory_space<vmem>>) dst(%dma_wait3A_343 : memref<1024xf32, #tpu.memory_space<hbm>>)
    %dma_wait3A_347 = arith.constant 0 : i32
    %dma_wait3A_348 = arith.constant 0 : i32
    %dma_wait3A_349 = tpu.memref_slice %arg5[%dma_wait3A_347, %dma_wait3A_348] : memref<3x1024xf32, #tpu.memory_space<vmem>> -> memref<1x1024xf32, #tpu.memory_space<vmem>>
    %dma_wait3A_350 = tpu.memref_squeeze %dma_wait3A_349 : memref<1x1024xf32, #tpu.memory_space<vmem>> -> memref<1024xf32, #tpu.memory_space<vmem>>
    %dma_wait3A_351 = arith.constant 0 : i32
    %dma_wait3A_352 = tpu.memref_slice %arg4[%mul3A_2, %dma_wait3A_351] : memref<32768x1024xf32, #tpu.memory_space<hbm>> -> memref<1x1024xf32, #tpu.memory_space<hbm>>
    %dma_wait3A_353 = tpu.memref_squeeze %dma_wait3A_352 : memref<1x1024xf32, #tpu.memory_space<hbm>> -> memref<1024xf32, #tpu.memory_space<hbm>>
    %dma_wait3A_354 = arith.constant 0 : i32
    %dma_wait3A_355 = tpu.memref_slice %arg4[%mul3A_2, %dma_wait3A_354] : memref<32768x1024xf32, #tpu.memory_space<hbm>> -> memref<1x1024xf32, #tpu.memory_space<hbm>>
    %dma_wait3A_356 = tpu.memref_squeeze %dma_wait3A_355 : memref<1x1024xf32, #tpu.memory_space<hbm>> -> memref<1024xf32, #tpu.memory_space<hbm>>
    %dma_wait3A_357 = arith.constant 0 : i32
    %dma_wait3A_358 = tpu.memref_slice %arg5[%dma_wait3A_347, %dma_wait3A_357] : memref<3x1024xf32, #tpu.memory_space<vmem>> -> memref<1x1024xf32, #tpu.memory_space<vmem>>
    %dma_wait3A_359 = tpu.memref_squeeze %dma_wait3A_358 : memref<1x1024xf32, #tpu.memory_space<vmem>> -> memref<1024xf32, #tpu.memory_space<vmem>>
    tpu.wait_dma2 semaphore(%arg7 : memref<!tpu.dma_semaphore, #tpu.memory_space<semaphore_mem>>) src(%dma_wait3A_359 : memref<1024xf32, #tpu.memory_space<vmem>>) dst(%dma_wait3A_356 : memref<1024xf32, #tpu.memory_space<hbm>>)
    %dma_wait3A_360 = arith.constant 0 : i32
    %dma_wait3A_361 = arith.constant 0 : i32
    %dma_wait3A_362 = tpu.memref_slice %arg5[%dma_wait3A_360, %dma_wait3A_361] : memref<3x1024xf32, #tpu.memory_space<vmem>> -> memref<1x1024xf32, #tpu.memory_space<vmem>>
    %dma_wait3A_363 = tpu.memref_squeeze %dma_wait3A_362 : memref<1x1024xf32, #tpu.memory_space<vmem>> -> memref<1024xf32, #tpu.memory_space<vmem>>
    %dma_wait3A_364 = arith.constant 0 : i32
    %dma_wait3A_365 = tpu.memref_slice %arg4[%mul3A_2, %dma_wait3A_364] : memref<32768x1024xf32, #tpu.memory_space<hbm>> -> memref<1x1024xf32, #tpu.memory_space<hbm>>
    %dma_wait3A_366 = tpu.memref_squeeze %dma_wait3A_365 : memref<1x1024xf32, #tpu.memory_space<hbm>> -> memref<1024xf32, #tpu.memory_space<hbm>>
    %dma_wait3A_367 = arith.constant 0 : i32
    %dma_wait3A_368 = tpu.memref_slice %arg4[%mul3A_2, %dma_wait3A_367] : memref<32768x1024xf32, #tpu.memory_space<hbm>> -> memref<1x1024xf32, #tpu.memory_space<hbm>>
    %dma_wait3A_369 = tpu.memref_squeeze %dma_wait3A_368 : memref<1x1024xf32, #tpu.memory_space<hbm>> -> memref<1024xf32, #tpu.memory_space<hbm>>
    %dma_wait3A_370 = arith.constant 0 : i32
    %dma_wait3A_371 = tpu.memref_slice %arg5[%dma_wait3A_360, %dma_wait3A_370] : memref<3x1024xf32, #tpu.memory_space<vmem>> -> memref<1x1024xf32, #tpu.memory_space<vmem>>
    %dma_wait3A_372 = tpu.memref_squeeze %dma_wait3A_371 : memref<1x1024xf32, #tpu.memory_space<vmem>> -> memref<1024xf32, #tpu.memory_space<vmem>>
    tpu.wait_dma2 semaphore(%arg7 : memref<!tpu.dma_semaphore, #tpu.memory_space<semaphore_mem>>) src(%dma_wait3A_372 : memref<1024xf32, #tpu.memory_space<vmem>>) dst(%dma_wait3A_369 : memref<1024xf32, #tpu.memory_space<hbm>>)
    %dma_wait3A_373 = arith.constant 0 : i32
    %dma_wait3A_374 = arith.constant 0 : i32
    %dma_wait3A_375 = tpu.memref_slice %arg5[%dma_wait3A_373, %dma_wait3A_374] : memref<3x1024xf32, #tpu.memory_space<vmem>> -> memref<1x1024xf32, #tpu.memory_space<vmem>>
    %dma_wait3A_376 = tpu.memref_squeeze %dma_wait3A_375 : memref<1x1024xf32, #tpu.memory_space<vmem>> -> memref<1024xf32, #tpu.memory_space<vmem>>
    %dma_wait3A_377 = arith.constant 0 : i32
    %dma_wait3A_378 = tpu.memref_slice %arg4[%mul3A_2, %dma_wait3A_377] : memref<32768x1024xf32, #tpu.memory_space<hbm>> -> memref<1x1024xf32, #tpu.memory_space<hbm>>
    %dma_wait3A_379 = tpu.memref_squeeze %dma_wait3A_378 : memref<1x1024xf32, #tpu.memory_space<hbm>> -> memref<1024xf32, #tpu.memory_space<hbm>>
    %dma_wait3A_380 = arith.constant 0 : i32
    %dma_wait3A_381 = tpu.memref_slice %arg4[%mul3A_2, %dma_wait3A_380] : memref<32768x1024xf32, #tpu.memory_space<hbm>> -> memref<1x1024xf32, #tpu.memory_space<hbm>>
    %dma_wait3A_382 = tpu.memref_squeeze %dma_wait3A_381 : memref<1x1024xf32, #tpu.memory_space<hbm>> -> memref<1024xf32, #tpu.memory_space<hbm>>
    %dma_wait3A_383 = arith.constant 0 : i32
    %dma_wait3A_384 = tpu.memref_slice %arg5[%dma_wait3A_373, %dma_wait3A_383] : memref<3x1024xf32, #tpu.memory_space<vmem>> -> memref<1x1024xf32, #tpu.memory_space<vmem>>
    %dma_wait3A_385 = tpu.memref_squeeze %dma_wait3A_384 : memref<1x1024xf32, #tpu.memory_space<vmem>> -> memref<1024xf32, #tpu.memory_space<vmem>>
    tpu.wait_dma2 semaphore(%arg7 : memref<!tpu.dma_semaphore, #tpu.memory_space<semaphore_mem>>) src(%dma_wait3A_385 : memref<1024xf32, #tpu.memory_space<vmem>>) dst(%dma_wait3A_382 : memref<1024xf32, #tpu.memory_space<hbm>>)
    %dma_wait3A_386 = arith.constant 0 : i32
    %dma_wait3A_387 = arith.constant 0 : i32
    %dma_wait3A_388 = tpu.memref_slice %arg5[%dma_wait3A_386, %dma_wait3A_387] : memref<3x1024xf32, #tpu.memory_space<vmem>> -> memref<1x1024xf32, #tpu.memory_space<vmem>>
    %dma_wait3A_389 = tpu.memref_squeeze %dma_wait3A_388 : memref<1x1024xf32, #tpu.memory_space<vmem>> -> memref<1024xf32, #tpu.memory_space<vmem>>
    %dma_wait3A_390 = arith.constant 0 : i32
    %dma_wait3A_391 = tpu.memref_slice %arg4[%mul3A_2, %dma_wait3A_390] : memref<32768x1024xf32, #tpu.memory_space<hbm>> -> memref<1x1024xf32, #tpu.memory_space<hbm>>
    %dma_wait3A_392 = tpu.memref_squeeze %dma_wait3A_391 : memref<1x1024xf32, #tpu.memory_space<hbm>> -> memref<1024xf32, #tpu.memory_space<hbm>>
    %dma_wait3A_393 = arith.constant 0 : i32
    %dma_wait3A_394 = tpu.memref_slice %arg4[%mul3A_2, %dma_wait3A_393] : memref<32768x1024xf32, #tpu.memory_space<hbm>> -> memref<1x1024xf32, #tpu.memory_space<hbm>>
    %dma_wait3A_395 = tpu.memref_squeeze %dma_wait3A_394 : memref<1x1024xf32, #tpu.memory_space<hbm>> -> memref<1024xf32, #tpu.memory_space<hbm>>
    %dma_wait3A_396 = arith.constant 0 : i32
    %dma_wait3A_397 = tpu.memref_slice %arg5[%dma_wait3A_386, %dma_wait3A_396] : memref<3x1024xf32, #tpu.memory_space<vmem>> -> memref<1x1024xf32, #tpu.memory_space<vmem>>
    %dma_wait3A_398 = tpu.memref_squeeze %dma_wait3A_397 : memref<1x1024xf32, #tpu.memory_space<vmem>> -> memref<1024xf32, #tpu.memory_space<vmem>>
    tpu.wait_dma2 semaphore(%arg7 : memref<!tpu.dma_semaphore, #tpu.memory_space<semaphore_mem>>) src(%dma_wait3A_398 : memref<1024xf32, #tpu.memory_space<vmem>>) dst(%dma_wait3A_395 : memref<1024xf32, #tpu.memory_space<hbm>>)
    %dma_wait3A_399 = arith.constant 0 : i32
    %dma_wait3A_400 = arith.constant 0 : i32
    %dma_wait3A_401 = tpu.memref_slice %arg5[%dma_wait3A_399, %dma_wait3A_400] : memref<3x1024xf32, #tpu.memory_space<vmem>> -> memref<1x1024xf32, #tpu.memory_space<vmem>>
    %dma_wait3A_402 = tpu.memref_squeeze %dma_wait3A_401 : memref<1x1024xf32, #tpu.memory_space<vmem>> -> memref<1024xf32, #tpu.memory_space<vmem>>
    %dma_wait3A_403 = arith.constant 0 : i32
    %dma_wait3A_404 = tpu.memref_slice %arg4[%mul3A_2, %dma_wait3A_403] : memref<32768x1024xf32, #tpu.memory_space<hbm>> -> memref<1x1024xf32, #tpu.memory_space<hbm>>
    %dma_wait3A_405 = tpu.memref_squeeze %dma_wait3A_404 : memref<1x1024xf32, #tpu.memory_space<hbm>> -> memref<1024xf32, #tpu.memory_space<hbm>>
    %dma_wait3A_406 = arith.constant 0 : i32
    %dma_wait3A_407 = tpu.memref_slice %arg4[%mul3A_2, %dma_wait3A_406] : memref<32768x1024xf32, #tpu.memory_space<hbm>> -> memref<1x1024xf32, #tpu.memory_space<hbm>>
    %dma_wait3A_408 = tpu.memref_squeeze %dma_wait3A_407 : memref<1x1024xf32, #tpu.memory_space<hbm>> -> memref<1024xf32, #tpu.memory_space<hbm>>
    %dma_wait3A_409 = arith.constant 0 : i32
    %dma_wait3A_410 = tpu.memref_slice %arg5[%dma_wait3A_399, %dma_wait3A_409] : memref<3x1024xf32, #tpu.memory_space<vmem>> -> memref<1x1024xf32, #tpu.memory_space<vmem>>
    %dma_wait3A_411 = tpu.memref_squeeze %dma_wait3A_410 : memref<1x1024xf32, #tpu.memory_space<vmem>> -> memref<1024xf32, #tpu.memory_space<vmem>>
    tpu.wait_dma2 semaphore(%arg7 : memref<!tpu.dma_semaphore, #tpu.memory_space<semaphore_mem>>) src(%dma_wait3A_411 : memref<1024xf32, #tpu.memory_space<vmem>>) dst(%dma_wait3A_408 : memref<1024xf32, #tpu.memory_space<hbm>>)
    %dma_wait3A_412 = arith.constant 0 : i32
    %dma_wait3A_413 = arith.constant 0 : i32
    %dma_wait3A_414 = tpu.memref_slice %arg5[%dma_wait3A_412, %dma_wait3A_413] : memref<3x1024xf32, #tpu.memory_space<vmem>> -> memref<1x1024xf32, #tpu.memory_space<vmem>>
    %dma_wait3A_415 = tpu.memref_squeeze %dma_wait3A_414 : memref<1x1024xf32, #tpu.memory_space<vmem>> -> memref<1024xf32, #tpu.memory_space<vmem>>
    %dma_wait3A_416 = arith.constant 0 : i32
    %dma_wait3A_417 = tpu.memref_slice %arg4[%mul3A_2, %dma_wait3A_416] : memref<32768x1024xf32, #tpu.memory_space<hbm>> -> memref<1x1024xf32, #tpu.memory_space<hbm>>
    %dma_wait3A_418 = tpu.memref_squeeze %dma_wait3A_417 : memref<1x1024xf32, #tpu.memory_space<hbm>> -> memref<1024xf32, #tpu.memory_space<hbm>>
    %dma_wait3A_419 = arith.constant 0 : i32
    %dma_wait3A_420 = tpu.memref_slice %arg4[%mul3A_2, %dma_wait3A_419] : memref<32768x1024xf32, #tpu.memory_space<hbm>> -> memref<1x1024xf32, #tpu.memory_space<hbm>>
    %dma_wait3A_421 = tpu.memref_squeeze %dma_wait3A_420 : memref<1x1024xf32, #tpu.memory_space<hbm>> -> memref<1024xf32, #tpu.memory_space<hbm>>
    %dma_wait3A_422 = arith.constant 0 : i32
    %dma_wait3A_423 = tpu.memref_slice %arg5[%dma_wait3A_412, %dma_wait3A_422] : memref<3x1024xf32, #tpu.memory_space<vmem>> -> memref<1x1024xf32, #tpu.memory_space<vmem>>
    %dma_wait3A_424 = tpu.memref_squeeze %dma_wait3A_423 : memref<1x1024xf32, #tpu.memory_space<vmem>> -> memref<1024xf32, #tpu.memory_space<vmem>>
    tpu.wait_dma2 semaphore(%arg7 : memref<!tpu.dma_semaphore, #tpu.memory_space<semaphore_mem>>) src(%dma_wait3A_424 : memref<1024xf32, #tpu.memory_space<vmem>>) dst(%dma_wait3A_421 : memref<1024xf32, #tpu.memory_space<hbm>>)
    return
  }
}

</mosaic_0001>

<sc_bundles>
// kernel: _lookup.3.cloned.1.call-start
scs
__scs_entry_jumppad:
0x0: {  	(pc) =	sbr.rel $0x88, $3  }
0x1: {  	(tag) =	ssettag $0x0;
	lr =	simm.s32 $0x1  }
0x2: {  	[smem:$0x3F9F] =	sst lr;
	_ =	strace $0xD0000000  }
0x3: {  	_ = 	snop  }
0x4: {  	_ = 	snop  }
0x5: {  	_ = 	snop  }
0x6: {  	_ = 	snop  }
0x7: {  	_ = 	snop  }
__scs_overlays_trampoline_lowered:
0x8: {  	[smem:$0x3FAE] =	sst s0  }
0x9: {  	[smem:$0x3FAF] =	sst s1  }
0xa: {  	[smem:$0x3FB0] =	sst s2  }
0xb: {  	[smem:$0x3FB1] =	sst s3  }
0xc: {  	[smem:$0x3FB2] =	sst s4  }
0xd: {  	[smem:$0x3FB3] =	sst s5  }
0xe: {  	[smem:$0x3FB4] =	sst s6  }
0xf: {  	[smem:$0x3FB5] =	sst s7  }
0x10: {  	[smem:$0x3FB6] =	sst s8  }
0x11: {  	[smem:$0x3FB7] =	sst s9;
	s0 =	simm.s32 @!p0 $0x0  }
0x12: {  	s1 =	sld [smem:$0x3F9D];
	s0 =	simm.s32 @p0 $0x1  }
0x13: {  	[smem:$0x3FB8] =	sst s0;
	s0 =	simm.s32 @!p1 $0x0  }
0x14: {  	s2 =	sld [smem:$0x3F9C];
	s0 =	simm.s32 @p1 $0x1  }
0x15: {  	[smem:$0x3FB9] =	sst s0;
	s0 =	simm.s32 @!p2 $0x0  }
0x16: {  	s3 =	sld [smem:$0x3FDB];
	s0 =	simm.s32 @p2 $0x1  }
0x17: {  	s4 =	simm.s32 $0x1BF5;
	[smem:$0x3FBB] =	sst s0  }
0x18: {  	s0 =	sld [smem:$0x3F9E];
	_ =	swait.ge [sflag:s4], $0x0  }
0x19: {  	s7 =	sld [smem:$0x3F9F]  }
0x1a: {  	s8 =	sadd.s32 $0xFFFFE003, lr  }
0x1b: {  	s9 =	sadd.s32 $0xFFFFFEF7, lr;
	s5 =	simm.s32 $0xFFFFFFFF;
	p2 =	slt.u32 s8, $0xFFFFF086  }
0x1c: {  	p1 =	slt.u32 s9, $0xF7A;
	s5 =	simm.s32 @!p2 $0x0  }
0x1d: {  	s5 =	simm.s32 @p1 $0x1;
	p0 =	seq.s32 s7, s2  }
0x1e: {  	s7 =	smul.u32 @!p0 $0xF7A, s2;
	p2 =	seq.s32 @!p0 s5, $0x0  }
0x1f: {  	s9 =	smul.u32 $0xF7A, s1;
	s8 =	simm.s32 @!p0 $0x1BF5;
	p2 =	por !p2, p0  }
0x20: {  	[sflag:s8] =	ssyncset.s32 @!p0 $0xFFFFF086;
	s6 =	sadd.s32 @!p0 s3, s7;
	s7 =	simm.s32 @!p0 $0x108  }
0x21: {  	s3 =	sadd.s32 s3, s9;
	s6 =	sadd.s32 @!p0 $0x88, s6;
	s7 =	simm.s32 @p2 $0x1082  }
0x22: {  	[simem:s7], [sflag:s8] =	dma.local @!p0 [hbm:s6], $0xF7A  }
0x23: {  	s9 =	sor.u32 $0xD0000000, s2;
	s6 =	simm.s32 $0x108;
	_ =	swait.ge @!p0 [sflag:s8], $0x0  }
0x24: {  	s3 =	sadd.s32 $0x88, s3;
	s6 =	simm.s32 @!p1 $0x1082;
	[sflag:s4] =	ssyncset.s32 $0xFFFFF086  }
0x25: {  	[simem:s6], [sflag:s4] =	dma.local [hbm:s3], $0xF7A  }
0x26: {  	[smem:$0x3F9F] =	sst s1;
	(tag) =	ssettag s2;
	_ =	strace s9  }
0x27: {  	s1 =	sld [smem:$0x3FAF]  }
0x28: {  	s2 =	sld [smem:$0x3FB0]  }
0x29: {  	s4 =	sld [smem:$0x3FB2]  }
0x2a: {  	p0 =	seq.s32 s5, $0x0;
	s5 =	sld [smem:$0x3FB3]  }
0x2b: {  	s6 =	sld [smem:$0x3FB4]  }
0x2c: {  	s7 =	sld [smem:$0x3FB5]  }
0x2d: {  	s3 =	simm.s32 $0x108;
	s8 =	sld [smem:$0x3FB6]  }
0x2e: {  	s3 =	simm.s32 @!p0 $0x1082;
	s9 =	sld [smem:$0x3FB7]  }
0x2f: {  	lr =	sadd.s32 s0, s3;
	s0 =	sld [smem:$0x3FAE]  }
0x30: {  	s3 =	sld [smem:$0x3FB1]  }
0x31: {  	[smem:$0x3FBA] =	sst s10  }
0x32: {  	s10 =	sld [smem:$0x3FB8];
	_ =	sdelay $0x3  }
0x33: {  	p0 =	seq.s32 s10, $0x1;
	s10 =	sld [smem:$0x3FBA];
	_ =	sdelay $0x3  }
0x34: {  	[smem:$0x3FBA] =	sst s10  }
0x35: {  	s10 =	sld [smem:$0x3FB9];
	_ =	sdelay $0x3  }
0x36: {  	p1 =	seq.s32 s10, $0x1;
	s10 =	sld [smem:$0x3FBA];
	_ =	sdelay $0x3  }
0x37: {  	[smem:$0x3FBA] =	sst s10  }
0x38: {  	s10 =	sld [smem:$0x3FBB]  }
0x39: {  	_ = 	snop;
	(pc) =	sbr.ind lr, $3  }
0x3a: {  	_ = 	snop  }
0x3b: {  	_ = 	snop  }
0x3c: {  	p2 =	seq.s32 s10, $0x1;
	s10 =	sld [smem:$0x3FBA]  }
0x3d: {  	_ =	shalt  }
0x3e: {  	_ =	shalt  }
0x3f: {  	_ =	shalt  }
0x40: {  	_ =	shalt  }
0x41: {  	_ =	shalt  }
0x42: {  	_ =	shalt  }
0x43: {  	_ =	shalt  }
0x44: {  	_ =	shalt  }
0x45: {  	_ =	shalt  }
0x46: {  	_ =	shalt  }
0x47: {  	_ =	shalt  }
0x48: {  	_ =	shalt  }
0x49: {  	_ =	shalt  }
0x4a: {  	_ =	shalt  }
0x4b: {  	_ =	shalt  }
0x4c: {  	_ =	shalt  }
0x4d: {  	_ =	shalt  }
0x4e: {  	_ =	shalt  }
0x4f: {  	_ =	shalt  }
0x50: {  	_ =	shalt  }
0x51: {  	_ =	shalt  }
0x52: {  	_ =	shalt  }
0x53: {  	_ =	shalt  }
0x54: {  	_ =	shalt  }
0x55: {  	_ =	shalt  }
0x56: {  	_ =	shalt  }
0x57: {  	_ =	shalt  }
0x58: {  	_ =	shalt  }
0x59: {  	_ =	shalt  }
0x5a: {  	_ =	shalt  }
0x5b: {  	_ =	shalt  }
0x5c: {  	_ =	shalt  }
0x5d: {  	_ =	shalt  }
0x5e: {  	_ =	shalt  }
0x5f: {  	_ =	shalt  }
0x60: {  	_ =	shalt  }
0x61: {  	_ =	shalt  }
0x62: {  	_ =	shalt  }
0x63: {  	_ =	shalt  }
0x64: {  	_ =	shalt  }
0x65: {  	_ =	shalt  }
0x66: {  	_ =	shalt  }
0x67: {  	_ =	shalt  }
0x68: {  	_ =	shalt  }
0x69: {  	_ =	shalt  }
0x6a: {  	_ =	shalt  }
0x6b: {  	_ =	shalt  }
0x6c: {  	_ =	shalt  }
0x6d: {  	_ =	shalt  }
0x6e: {  	_ =	shalt  }
0x6f: {  	_ =	shalt  }
0x70: {  	_ =	shalt  }
0x71: {  	_ =	shalt  }
0x72: {  	_ =	shalt  }
0x73: {  	_ =	shalt  }
0x74: {  	_ =	shalt  }
0x75: {  	_ =	shalt  }
0x76: {  	_ =	shalt  }
0x77: {  	_ =	shalt  }
0x78: {  	_ =	shalt  }
0x79: {  	_ =	shalt  }
0x7a: {  	_ =	shalt  }
0x7b: {  	_ =	shalt  }
0x7c: {  	_ =	shalt  }
0x7d: {  	_ =	shalt  }
0x7e: {  	_ =	shalt  }
0x7f: {  	_ =	shalt  }
0x80: {  	_ =	shalt  }
0x81: {  	_ =	shalt  }
0x82: {  	_ =	shalt  }
0x83: {  	_ =	shalt  }
0x84: {  	_ =	shalt  }
0x85: {  	_ =	shalt  }
0x86: {  	_ =	shalt  }
0x87: {  	_ =	shalt  }
.Lfunc_end0:
.L_simem_size_0:
called_computation_lowered:
.L_overlay_start_0:
0x88: {  	s2 =	sld [smem:$0x3FD9]  }
0x89: {  	s3 =	sld [smem:$0x3FFE];
	_ =	sdelay $0x1  }
0x8a: {  	s1 =	srdreg.scid  }
0x8b: {  	s0 =	sand.u32 $0x1, s1  }
0x8c: {  	s18 =	sshll.u32 s0, $0xA;
	s2 =	sadd.s32 s3, s2  }
0x8d: {  	s2 =	sadd.s32 s2, s18  }
0x8e: {  	[smem:$0x3FC6] =	sst s2  }
0x8f: {  	_ = 	snop  }
0x90: {  	s2 =	sld [smem:$0x3FC9]  }
0x91: {  	s19 =	sld [smem:$0x3FC8]  }
0x92: {  	s4 =	sld [smem:$0x3FD0];
	(tm) =	ssettm $0x1  }
0x93: {  	s5 =	sld [smem:$0x3FFB];
	_ =	sdelay $0x3  }
0x94: {  	_ =	strace s5  }
0x95: {  	s5 =	sld [smem:$0x3FFC];
	_ =	sdelay $0x3  }
0x96: {  	_ =	strace s5  }
0x97: {  	s5 =	sld [smem:$0x3FFD];
	_ =	sdelay $0x3  }
0x98: {  	_ =	strace s5  }
0x99: {  	_ =	strace $0x8FFFFFFF  }
0x9a: {  	s20 =	sld [smem:$0x3FDB];
	_ =	sdelay $0x1  }
0x9b: {  	s6 =	simm.s32 $_scs_section_size  }
0x9c: {  	s7 =	simm.s32 $_size__tile_overlayer_lowered;
	s8 =	simm.s32 $_tile_overlayer_lowered  }
0x9d: {  	s23 =	simm.s32 $0x1BFF;
	s22 =	sshll.u32 s8, $0x1;
	s5 =	sadd.s32 s6, s20  }
0x9e: {  	s9 =	simm.s32 $0x0;
	s21 =	sshll.u32 s7, $0x1;
	s7 =	sadd.s32 s22, s5  }
0x9f: {  	[timem:s9], [sflag:s23] =	dma.local [hbm:s7], s21  }
0xa0: {  	_ =	swait.ge [sflag:s23], s21  }
0xa1: {  	s6 =	ssub.s32 $0x0, s21;
	[sflag:s23] =	ssyncset.done $0x0  }
0xa2: {  	[sflag:s23] =	ssyncadd.s32 s6;
	_ =	sdelay $0x1  }
0xa3: {  	s24 =	simm.s32 $0x1B8B  }
0xa4: {  	_ =	swait.ge [sflag:s24], $0x1  }
0xa5: {  	[sflag:s24] =	ssyncset.done $0x0  }
0xa6: {  	s25 =	simm.s32 $0x1B8E;
	[sflag:s24] =	ssyncadd.s32 $0xFFFFFFFF  }
0xa7: {  	s26 =	simm.s32 $execute0_lowered;
	[smem:$0x3FD2] =	sst s25  }
0xa8: {  	s6 =	sshll.u32 s26, $0x1;
	_ =	strace $0x80000046;
	[dreg:$0x1] =	wrdreg $0xFFFFFFFF  }
0xa9: {  	s28 =	simm.s32 $_size_execute0_lowered;
	s5 =	sadd.s32 s5, s6;
	[dreg:$0x0] =	wrdreg $0x0  }
0xaa: {  	s6 =	sshll.u32 s28, $0x1;
	[dreg:$0x2] =	wrdreg s5  }
0xab: {  	[dreg:$0x3] =	wrdreg s6  }
0xac: {  	[dreg:$0x4] =	wrdreg $0xC0  }
0xad: {  	_ =	task [dreg:s9], $0x5FFFF  }
0xae: {  	[dreg:$0x1] =	wrdreg $0xFFFFFFFF  }
0xaf: {  	[dreg:$0x0] =	wrdreg $0x60  }
0xb0: {  	[dreg:$0x2] =	wrdreg s2  }
0xb1: {  	[dreg:$0x3] =	wrdreg s19  }
0xb2: {  	[dreg:$0x4] =	wrdreg s4  }
0xb3: {  	[dreg:$0x5] =	wrdreg $0x9  }
0xb4: {  	_ =	task.clear_ibuf [dreg:s9], $0x6FFFF;
	_ =	strace $0x90000046  }
0xb5: {  	s29 =	simm.s32 $0x9;
	_ =	strace $0x80000048  }
0xb6: {  	_ =	swait.ge [sflag:s29], $0x1  }
0xb7: {  	[sflag:s29] =	ssyncadd.s32 $0xFFFFFFFF  }
0xb8: {  	_ =	strace $0x90000048  }
0xb9: {  	_ =	sfence  }
0xba: {  	s30 =	sld [smem:$0x0];
	_ =	sdelay $0x2  }
0xbb: {  	s31 =	sshll.u32 s1, $0xD;
	s1 =	sshrl.u32 s1, $0x2  }
0xbc: {  	s3 =	sand.u32 $0x4000, s31;
	s1 =	sadd.s32 s1, s30  }
0xbd: {  	s0 =	sor.u32 s3, s0;
	s1 =	sshll.u32 s1, $0x11  }
0xbe: {  	s0 =	sor.u32 s1, s0  }
0xbf: {  	s0 =	sadd.s32 $0x8F2B, s0  }
0xc0: {  	[sflag:s0] =	ssyncadd.remote.s32 $0x1  }
0xc1: {  	_ =	sfence.sel $0xFFFF  }
0xc2: {  	[dreg:$0x0] =	wrdreg $0xFFFFFFFF;
	(pc) =	sbr.abs _section_cstart, $3  }
0xc3: {  	[dreg:$0x1] =	wrdreg $0xFFFFFFFF  }
0xc4: {  	_ =	task.clear_ibuf [dreg:s9], $0x2FFFF;
	_ =	strace $0x9FFFFFFF  }
0xc5: {  	(tm) =	ssettm $0x7FFFFFFF  }
tec
execute0_lowered:
.L_overlay_start_1:
0x0: {  	(tag) =	ssettag $0x1  }
0x1: {  	s1 =	rddreg [dreg:$0x0]  }
0x2: {  	s4 =	rddreg [dreg:$0x1]  }
0x3: {  	s0 =	srdreg.scid;
	s5 =	rddreg [dreg:$0x2];
	s3 =	simm.s32 $0x0  }
0x4: {  	s2 =	stileid.u32;
	s6 =	sand.u32 $0x1, s0;
	s0 =	rddreg [dreg:$0x3]  }
0x5: {  	[smem:$0x7FF] =	sst s3;
	s30 =	sshll.u32 s2, $0xB;
	s7 =	ssub.s32 $0x2, s6  }
0x6: {  	s31 =	sshll.u32 s2, $0x12;
	s9 =	sshll.u32 s6, $0xA;
	s8 =	sshrl.u32 s7, $0x1  }
0x7: {  	_ =	strace $0x80000047;
	s7 =	ssub.s32 s7, s8;
	s8 =	sor.u32 s9, s30  }
0x8: {  	s6 =	sshll.u32 s6, $0x11;
	s9 =	sadd.s32 s31, s5;
	s8 =	sshrl.u32 s8, $0x3  }
0x9: {  	s5 =	smax.u32 s7, $0x1;
	s6 =	sadd.s32 s6, s9;
	s7 =	simm.s32 $0x0  }
0xa: {  	s4 =	sadd.s32 s4, s8;
	[dreg:$0x4] =	wrdreg s6;
	s6 =	simm.s32 $0x1  }
.LBB2_1:
0xb: {  	[tilespmem:s3], [sflag:$0x1] =	stream.linear.gather [hbm4b:s1+s3], $0x1000, $0x38;
	[tilespmem:$0x1400] =	vst v63  }
0xc: {  	s8 =	simm.s32 $0x1000  }
0xd: {  	[tilespmem:s8], [sflag:$0x1] =	stream.linear.gather [hbm4b:s4+s3], $0x400, $0x38;
	[tilespmem:$0x1400] =	vst v63  }
0xe: {  	_ =	swait.ge [sflag:s6], $0x1000  }
0xf: {  	[sflag:s6] =	ssyncset.done $0x0  }
0x10: {  	[sflag:s6] =	ssyncadd.s32 $0xFFFFF000  }
0x11: {  	_ =	swait.ge [sflag:s6], $0x400  }
0x12: {  	[sflag:s6] =	ssyncset.done $0x0  }
0x13: {  	[sflag:s6] =	ssyncadd.s32 $0xFFFFFC00  }
0x14: {  	v0 =	vld [tilespmem:s8+$0x0];
	_ =	sdelay $0x4  }
0x15: {  	(v2sf) =	vpush v0, $0x0;
	_ =	sdelay $0xc  }
0x16: {  	(v2sf) =	vpush v0, $0x1;
	_ =	sdelay $0x1  }
0x17: {  	s9 =	spop (v2sf)  }
0x18: {  	s10 =	sshll.u32 s9, $0xA;
	s9 =	sshll.u32 s9, $0x7  }
0x19: {  	s24 =	rddreg [dreg:$0x4];
	s10 =	sand.u32 $0xFFFFF000, s10;
	s9 =	sand.u32 $0x180, s9  }
0x1a: {  	s8 =	sadd.s32 $0x0, s24;
	s9 =	sor.u32 s9, s10  }
0x1b: {  	[hbm4b:s8+s3] =	stream.linear.scatter [tilespmem:s9], [sflag:$0x1], $0x80, $0x38;
	[tilespmem:$0x1400] =	vst v63  }
0x1c: {  	s25 =	sadd.s32 $0x80, s8;
	s11 =	sor.u32 $0x200, s9  }
0x1d: {  	[hbm4b:s25+s3] =	stream.linear.scatter [tilespmem:s11], [sflag:$0x1], $0x80, $0x38;
	[tilespmem:$0x1400] =	vst v63  }
0x1e: {  	s28 =	sadd.s32 $0x100, s8;
	s26 =	sor.u32 $0x400, s9  }
0x1f: {  	[hbm4b:s28+s3] =	stream.linear.scatter [tilespmem:s26], [sflag:$0x1], $0x80, $0x38;
	[tilespmem:$0x1400] =	vst v63  }
0x20: {  	s12 =	sadd.s32 $0x180, s8;
	s13 =	sadd.s32 $0x200, s8;
	s30 =	sor.u32 $0x600, s9  }
0x21: {  	(v2sf) =	vpush v0, $0x2;
	[hbm4b:s12+s3] =	stream.linear.scatter [tilespmem:s30], [sflag:$0x1], $0x80, $0x38;
	[tilespmem:$0x1400] =	vst v63  }
0x22: {  	s16 =	sadd.s32 $0x280, s8;
	s18 =	sadd.s32 $0x300, s8;
	s14 =	sor.u32 $0x800, s9  }
0x23: {  	[hbm4b:s13+s3] =	stream.linear.scatter [tilespmem:s14], [sflag:$0x1], $0x80, $0x38;
	[tilespmem:$0x1400] =	vst v63  }
0x24: {  	s19 =	sadd.s32 $0x380, s8;
	s29 =	spop (v2sf);
	s15 =	sor.u32 $0xA00, s9  }
0x25: {  	[hbm4b:s16+s3] =	stream.linear.scatter [tilespmem:s15], [sflag:$0x1], $0x80, $0x38;
	[tilespmem:$0x1400] =	vst v63  }
0x26: {  	s31 =	sshll.u32 s29, $0xA;
	s10 =	sshll.u32 s29, $0x7;
	s17 =	sor.u32 $0xC00, s9  }
0x27: {  	[hbm4b:s18+s3] =	stream.linear.scatter [tilespmem:s17], [sflag:$0x1], $0x80, $0x38;
	[tilespmem:$0x1400] =	vst v63  }
0x28: {  	s10 =	sand.u32 $0x180, s10;
	s9 =	sor.u32 $0xE00, s9;
	s11 =	sand.u32 $0xFFFFF000, s31  }
0x29: {  	[hbm4b:s19+s3] =	stream.linear.scatter [tilespmem:s9], [sflag:$0x1], $0x80, $0x38;
	[tilespmem:$0x1400] =	vst v63  }
0x2a: {  	s20 =	sadd.s32 $0x10, s8;
	s10 =	sor.u32 s10, s11  }
0x2b: {  	[hbm4b:s20+s3] =	stream.linear.scatter [tilespmem:s10], [sflag:$0x1], $0x80, $0x38;
	[tilespmem:$0x1400] =	vst v63  }
0x2c: {  	s22 =	sadd.s32 $0x90, s8;
	s21 =	sor.u32 $0x200, s10  }
0x2d: {  	[hbm4b:s22+s3] =	stream.linear.scatter [tilespmem:s21], [sflag:$0x1], $0x80, $0x38;
	[tilespmem:$0x1400] =	vst v63  }
0x2e: {  	s24 =	sadd.s32 $0x110, s8;
	s23 =	sor.u32 $0x400, s10  }
0x2f: {  	[hbm4b:s24+s3] =	stream.linear.scatter [tilespmem:s23], [sflag:$0x1], $0x80, $0x38;
	[tilespmem:$0x1400] =	vst v63  }
0x30: {  	s26 =	sor.u32 $0x600, s10;
	s28 =	sadd.s32 $0x190, s8;
	s25 =	spop (v2sf)  }
0x31: {  	(v2sf) =	vpush v0, $0x3;
	[hbm4b:s28+s3] =	stream.linear.scatter [tilespmem:s26], [sflag:$0x1], $0x80, $0x38;
	[tilespmem:$0x1400] =	vst v63  }
0x32: {  	s31 =	sadd.s32 $0x210, s8;
	s30 =	sor.u32 $0x800, s10;
	s13 =	sor.u32 $0xA00, s10  }
0x33: {  	[hbm4b:s31+s3] =	stream.linear.scatter [tilespmem:s30], [sflag:$0x1], $0x80, $0x38;
	[tilespmem:$0x1400] =	vst v63  }
0x34: {  	s14 =	sadd.s32 $0x290, s8;
	s15 =	sor.u32 $0xC00, s10;
	s16 =	sadd.s32 $0x310, s8  }
0x35: {  	[hbm4b:s14+s3] =	stream.linear.scatter [tilespmem:s13], [sflag:$0x1], $0x80, $0x38;
	[tilespmem:$0x1400] =	vst v63  }
0x36: {  	s29 =	sshll.u32 s25, $0xA;
	s17 =	sadd.s32 $0x390, s8;
	s9 =	sshll.u32 s25, $0x7  }
0x37: {  	[hbm4b:s16+s3] =	stream.linear.scatter [tilespmem:s15], [sflag:$0x1], $0x80, $0x38;
	[tilespmem:$0x1400] =	vst v63  }
0x38: {  	s11 =	sand.u32 $0xFFFFF000, s29;
	s9 =	sand.u32 $0x180, s9;
	s10 =	sor.u32 $0xE00, s10  }
0x39: {  	[hbm4b:s17+s3] =	stream.linear.scatter [tilespmem:s10], [sflag:$0x1], $0x80, $0x38;
	[tilespmem:$0x1400] =	vst v63  }
0x3a: {  	s18 =	sadd.s32 $0x20, s8;
	s9 =	sor.u32 s9, s11  }
0x3b: {  	[hbm4b:s18+s3] =	stream.linear.scatter [tilespmem:s9], [sflag:$0x1], $0x80, $0x38;
	[tilespmem:$0x1400] =	vst v63  }
0x3c: {  	s20 =	sadd.s32 $0xA0, s8;
	s19 =	sor.u32 $0x200, s9  }
0x3d: {  	[hbm4b:s20+s3] =	stream.linear.scatter [tilespmem:s19], [sflag:$0x1], $0x80, $0x38;
	[tilespmem:$0x1400] =	vst v63  }
0x3e: {  	s21 =	sor.u32 $0x400, s9;
	s22 =	sadd.s32 $0x120, s8  }
0x3f: {  	[hbm4b:s22+s3] =	stream.linear.scatter [tilespmem:s21], [sflag:$0x1], $0x80, $0x38;
	[tilespmem:$0x1400] =	vst v63  }
0x40: {  	s25 =	sadd.s32 $0x1A0, s8;
	s24 =	sor.u32 $0x600, s9;
	s23 =	spop (v2sf)  }
0x41: {  	(v2sf) =	vpush v0, $0x4;
	[hbm4b:s25+s3] =	stream.linear.scatter [tilespmem:s24], [sflag:$0x1], $0x80, $0x38;
	[tilespmem:$0x1400] =	vst v63  }
0x42: {  	s29 =	sadd.s32 $0x220, s8;
	s28 =	sor.u32 $0x800, s9;
	s30 =	sor.u32 $0xA00, s9  }
0x43: {  	[hbm4b:s29+s3] =	stream.linear.scatter [tilespmem:s28], [sflag:$0x1], $0x80, $0x38;
	[tilespmem:$0x1400] =	vst v63  }
0x44: {  	s31 =	sadd.s32 $0x2A0, s8;
	s14 =	sor.u32 $0xC00, s9;
	s26 =	sshll.u32 s23, $0xA  }
0x45: {  	[hbm4b:s31+s3] =	stream.linear.scatter [tilespmem:s30], [sflag:$0x1], $0x80, $0x38;
	[tilespmem:$0x1400] =	vst v63  }
0x46: {  	s11 =	sand.u32 $0xFFFFF000, s26;
	s15 =	sadd.s32 $0x320, s8;
	s10 =	sshll.u32 s23, $0x7  }
0x47: {  	[hbm4b:s15+s3] =	stream.linear.scatter [tilespmem:s14], [sflag:$0x1], $0x80, $0x38;
	[tilespmem:$0x1400] =	vst v63  }
0x48: {  	s16 =	sadd.s32 $0x3A0, s8;
	s10 =	sand.u32 $0x180, s10;
	s9 =	sor.u32 $0xE00, s9  }
0x49: {  	[hbm4b:s16+s3] =	stream.linear.scatter [tilespmem:s9], [sflag:$0x1], $0x80, $0x38;
	[tilespmem:$0x1400] =	vst v63  }
0x4a: {  	s17 =	sor.u32 s10, s11;
	s18 =	sadd.s32 $0x30, s8  }
0x4b: {  	[hbm4b:s18+s3] =	stream.linear.scatter [tilespmem:s17], [sflag:$0x1], $0x80, $0x38;
	[tilespmem:$0x1400] =	vst v63  }
0x4c: {  	s19 =	sor.u32 $0x200, s17;
	s20 =	sadd.s32 $0xB0, s8  }
0x4d: {  	[hbm4b:s20+s3] =	stream.linear.scatter [tilespmem:s19], [sflag:$0x1], $0x80, $0x38;
	[tilespmem:$0x1400] =	vst v63  }
0x4e: {  	s21 =	sor.u32 $0x400, s17;
	s22 =	sadd.s32 $0x130, s8  }
0x4f: {  	[hbm4b:s22+s3] =	stream.linear.scatter [tilespmem:s21], [sflag:$0x1], $0x80, $0x38;
	[tilespmem:$0x1400] =	vst v63  }
0x50: {  	s24 =	sor.u32 $0x600, s17;
	s25 =	sadd.s32 $0x1B0, s8;
	s23 =	spop (v2sf)  }
0x51: {  	(v2sf) =	vpush v0, $0x5;
	[hbm4b:s25+s3] =	stream.linear.scatter [tilespmem:s24], [sflag:$0x1], $0x80, $0x38;
	[tilespmem:$0x1400] =	vst v63  }
0x52: {  	s13 =	sor.u32 $0xC00, s17;
	s28 =	sor.u32 $0x800, s17;
	s29 =	sadd.s32 $0x230, s8  }
0x53: {  	[hbm4b:s29+s3] =	stream.linear.scatter [tilespmem:s28], [sflag:$0x1], $0x80, $0x38;
	[tilespmem:$0x1400] =	vst v63  }
0x54: {  	s10 =	sshll.u32 s23, $0x7;
	s30 =	sor.u32 $0xA00, s17;
	s31 =	sadd.s32 $0x2B0, s8  }
0x55: {  	[hbm4b:s31+s3] =	stream.linear.scatter [tilespmem:s30], [sflag:$0x1], $0x80, $0x38;
	[tilespmem:$0x1400] =	vst v63  }
0x56: {  	s26 =	sshll.u32 s23, $0xA;
	s10 =	sand.u32 $0x180, s10;
	s14 =	sadd.s32 $0x330, s8  }
0x57: {  	[hbm4b:s14+s3] =	stream.linear.scatter [tilespmem:s13], [sflag:$0x1], $0x80, $0x38;
	[tilespmem:$0x1400] =	vst v63  }
0x58: {  	s11 =	sand.u32 $0xFFFFF000, s26;
	s15 =	sadd.s32 $0x3B0, s8;
	s9 =	sor.u32 $0xE00, s17  }
0x59: {  	[hbm4b:s15+s3] =	stream.linear.scatter [tilespmem:s9], [sflag:$0x1], $0x80, $0x38;
	[tilespmem:$0x1400] =	vst v63  }
0x5a: {  	s10 =	sor.u32 s10, s11;
	s16 =	sadd.s32 $0x40, s8  }
0x5b: {  	[hbm4b:s16+s3] =	stream.linear.scatter [tilespmem:s10], [sflag:$0x1], $0x80, $0x38;
	[tilespmem:$0x1400] =	vst v63  }
0x5c: {  	s17 =	sor.u32 $0x200, s10;
	s18 =	sadd.s32 $0xC0, s8  }
0x5d: {  	[hbm4b:s18+s3] =	stream.linear.scatter [tilespmem:s17], [sflag:$0x1], $0x80, $0x38;
	[tilespmem:$0x1400] =	vst v63  }
0x5e: {  	s19 =	sor.u32 $0x400, s10;
	s20 =	sadd.s32 $0x140, s8  }
0x5f: {  	[hbm4b:s20+s3] =	stream.linear.scatter [tilespmem:s19], [sflag:$0x1], $0x80, $0x38;
	[tilespmem:$0x1400] =	vst v63  }
0x60: {  	s23 =	sadd.s32 $0x1C0, s8;
	s22 =	sor.u32 $0x600, s10;
	s21 =	spop (v2sf)  }
0x61: {  	(v2sf) =	vpush v0, $0x6;
	[hbm4b:s23+s3] =	stream.linear.scatter [tilespmem:s22], [sflag:$0x1], $0x80, $0x38;
	[tilespmem:$0x1400] =	vst v63  }
0x62: {  	s26 =	sadd.s32 $0x240, s8;
	s25 =	sor.u32 $0x800, s10;
	s24 =	sshll.u32 s21, $0xA  }
0x63: {  	[hbm4b:s26+s3] =	stream.linear.scatter [tilespmem:s25], [sflag:$0x1], $0x80, $0x38;
	[tilespmem:$0x1400] =	vst v63  }
0x64: {  	s28 =	sor.u32 $0xA00, s10;
	s29 =	sadd.s32 $0x2C0, s8;
	s11 =	sand.u32 $0xFFFFF000, s24  }
0x65: {  	[hbm4b:s29+s3] =	stream.linear.scatter [tilespmem:s28], [sflag:$0x1], $0x80, $0x38;
	[tilespmem:$0x1400] =	vst v63  }
0x66: {  	s30 =	sor.u32 $0xC00, s10;
	s31 =	sadd.s32 $0x340, s8;
	s9 =	sshll.u32 s21, $0x7  }
0x67: {  	[hbm4b:s31+s3] =	stream.linear.scatter [tilespmem:s30], [sflag:$0x1], $0x80, $0x38;
	[tilespmem:$0x1400] =	vst v63  }
0x68: {  	s13 =	sadd.s32 $0x3C0, s8;
	s9 =	sand.u32 $0x180, s9;
	s10 =	sor.u32 $0xE00, s10  }
0x69: {  	[hbm4b:s13+s3] =	stream.linear.scatter [tilespmem:s10], [sflag:$0x1], $0x80, $0x38;
	[tilespmem:$0x1400] =	vst v63  }
0x6a: {  	s14 =	sadd.s32 $0x50, s8;
	s9 =	sor.u32 s9, s11  }
0x6b: {  	[hbm4b:s14+s3] =	stream.linear.scatter [tilespmem:s9], [sflag:$0x1], $0x80, $0x38;
	[tilespmem:$0x1400] =	vst v63  }
0x6c: {  	s16 =	sadd.s32 $0xD0, s8;
	s15 =	sor.u32 $0x200, s9  }
0x6d: {  	[hbm4b:s16+s3] =	stream.linear.scatter [tilespmem:s15], [sflag:$0x1], $0x80, $0x38;
	[tilespmem:$0x1400] =	vst v63  }
0x6e: {  	s17 =	sor.u32 $0x400, s9;
	s18 =	sadd.s32 $0x150, s8  }
0x6f: {  	[hbm4b:s18+s3] =	stream.linear.scatter [tilespmem:s17], [sflag:$0x1], $0x80, $0x38;
	[tilespmem:$0x1400] =	vst v63  }
0x70: {  	s21 =	sadd.s32 $0x1D0, s8;
	s20 =	sor.u32 $0x600, s9;
	s19 =	spop (v2sf)  }
0x71: {  	(v2sf) =	vpush v0, $0x7;
	[hbm4b:s21+s3] =	stream.linear.scatter [tilespmem:s20], [sflag:$0x1], $0x80, $0x38;
	[tilespmem:$0x1400] =	vst v63  }
0x72: {  	s24 =	sadd.s32 $0x250, s8;
	s23 =	sor.u32 $0x800, s9;
	s22 =	sshll.u32 s19, $0xA  }
0x73: {  	[hbm4b:s24+s3] =	stream.linear.scatter [tilespmem:s23], [sflag:$0x1], $0x80, $0x38;
	[tilespmem:$0x1400] =	vst v63  }
0x74: {  	s25 =	sor.u32 $0xA00, s9;
	s26 =	sadd.s32 $0x2D0, s8;
	s11 =	sand.u32 $0xFFFFF000, s22  }
0x75: {  	[hbm4b:s26+s3] =	stream.linear.scatter [tilespmem:s25], [sflag:$0x1], $0x80, $0x38;
	[tilespmem:$0x1400] =	vst v63  }
0x76: {  	s28 =	sor.u32 $0xC00, s9;
	s29 =	sadd.s32 $0x350, s8;
	s10 =	sshll.u32 s19, $0x7  }
0x77: {  	[hbm4b:s29+s3] =	stream.linear.scatter [tilespmem:s28], [sflag:$0x1], $0x80, $0x38;
	[tilespmem:$0x1400] =	vst v63  }
0x78: {  	s30 =	sadd.s32 $0x3D0, s8;
	s10 =	sand.u32 $0x180, s10;
	s9 =	sor.u32 $0xE00, s9  }
0x79: {  	[hbm4b:s30+s3] =	stream.linear.scatter [tilespmem:s9], [sflag:$0x1], $0x80, $0x38;
	[tilespmem:$0x1400] =	vst v63  }
0x7a: {  	s31 =	sor.u32 s10, s11;
	s14 =	sadd.s32 $0x60, s8  }
0x7b: {  	[hbm4b:s14+s3] =	stream.linear.scatter [tilespmem:s31], [sflag:$0x1], $0x80, $0x38;
	[tilespmem:$0x1400] =	vst v63  }
0x7c: {  	s15 =	sor.u32 $0x200, s31;
	s16 =	sadd.s32 $0xE0, s8  }
0x7d: {  	[hbm4b:s16+s3] =	stream.linear.scatter [tilespmem:s15], [sflag:$0x1], $0x80, $0x38;
	[tilespmem:$0x1400] =	vst v63  }
0x7e: {  	s17 =	sor.u32 $0x400, s31;
	s18 =	sadd.s32 $0x160, s8  }
0x7f: {  	[hbm4b:s18+s3] =	stream.linear.scatter [tilespmem:s17], [sflag:$0x1], $0x80, $0x38;
	[tilespmem:$0x1400] =	vst v63  }
0x80: {  	s19 =	spop (v2sf);
	s20 =	sor.u32 $0x600, s31;
	s21 =	sadd.s32 $0x1E0, s8  }
0x81: {  	(v2sf) =	vpush v0, $0x8;
	[hbm4b:s21+s3] =	stream.linear.scatter [tilespmem:s20], [sflag:$0x1], $0x80, $0x38;
	[tilespmem:$0x1400] =	vst v63  }
0x82: {  	s22 =	sshll.u32 s19, $0xA;
	s23 =	sor.u32 $0x800, s31;
	s24 =	sadd.s32 $0x260, s8  }
0x83: {  	[hbm4b:s24+s3] =	stream.linear.scatter [tilespmem:s23], [sflag:$0x1], $0x80, $0x38;
	[tilespmem:$0x1400] =	vst v63  }
0x84: {  	s10 =	sshll.u32 s19, $0x7;
	s25 =	sor.u32 $0xA00, s31;
	s26 =	sadd.s32 $0x2E0, s8  }
0x85: {  	[hbm4b:s26+s3] =	stream.linear.scatter [tilespmem:s25], [sflag:$0x1], $0x80, $0x38;
	[tilespmem:$0x1400] =	vst v63  }
0x86: {  	s11 =	sand.u32 $0xFFFFF000, s22;
	s28 =	sor.u32 $0xC00, s31;
	s29 =	sadd.s32 $0x360, s8  }
0x87: {  	[hbm4b:s29+s3] =	stream.linear.scatter [tilespmem:s28], [sflag:$0x1], $0x80, $0x38;
	[tilespmem:$0x1400] =	vst v63  }
0x88: {  	s10 =	sand.u32 $0x180, s10;
	s9 =	sor.u32 $0xE00, s31;
	s30 =	sadd.s32 $0x3E0, s8  }
0x89: {  	[hbm4b:s30+s3] =	stream.linear.scatter [tilespmem:s9], [sflag:$0x1], $0x80, $0x38;
	[tilespmem:$0x1400] =	vst v63  }
0x8a: {  	s31 =	sor.u32 s10, s11;
	s14 =	sadd.s32 $0x70, s8  }
0x8b: {  	[hbm4b:s14+s3] =	stream.linear.scatter [tilespmem:s31], [sflag:$0x1], $0x80, $0x38;
	[tilespmem:$0x1400] =	vst v63  }
0x8c: {  	s15 =	sor.u32 $0x200, s31;
	s16 =	sadd.s32 $0xF0, s8  }
0x8d: {  	[hbm4b:s16+s3] =	stream.linear.scatter [tilespmem:s15], [sflag:$0x1], $0x80, $0x38;
	[tilespmem:$0x1400] =	vst v63  }
0x8e: {  	s17 =	sor.u32 $0x400, s31;
	s18 =	sadd.s32 $0x170, s8  }
0x8f: {  	[hbm4b:s18+s3] =	stream.linear.scatter [tilespmem:s17], [sflag:$0x1], $0x80, $0x38;
	[tilespmem:$0x1400] =	vst v63  }
0x90: {  	s19 =	spop (v2sf);
	s20 =	sor.u32 $0x600, s31;
	s21 =	sadd.s32 $0x1F0, s8  }
0x91: {  	(v2sf) =	vpush v0, $0x9;
	[hbm4b:s21+s3] =	stream.linear.scatter [tilespmem:s20], [sflag:$0x1], $0x80, $0x38;
	[tilespmem:$0x1400] =	vst v63  }
0x92: {  	s22 =	sshll.u32 s19, $0xA;
	s23 =	sor.u32 $0x800, s31;
	s24 =	sadd.s32 $0x270, s8  }
0x93: {  	[hbm4b:s24+s3] =	stream.linear.scatter [tilespmem:s23], [sflag:$0x1], $0x80, $0x38;
	[tilespmem:$0x1400] =	vst v63  }
0x94: {  	s10 =	sshll.u32 s19, $0x7;
	s25 =	sor.u32 $0xA00, s31;
	s26 =	sadd.s32 $0x2F0, s8  }
0x95: {  	[hbm4b:s26+s3] =	stream.linear.scatter [tilespmem:s25], [sflag:$0x1], $0x80, $0x38;
	[tilespmem:$0x1400] =	vst v63  }
0x96: {  	s11 =	sand.u32 $0xFFFFF000, s22;
	s28 =	sor.u32 $0xC00, s31;
	s29 =	sadd.s32 $0x370, s8  }
0x97: {  	[hbm4b:s29+s3] =	stream.linear.scatter [tilespmem:s28], [sflag:$0x1], $0x80, $0x38;
	[tilespmem:$0x1400] =	vst v63  }
0x98: {  	s10 =	sand.u32 $0x180, s10;
	s9 =	sor.u32 $0xE00, s31;
	s30 =	sadd.s32 $0x3F0, s8  }
0x99: {  	[hbm4b:s30+s3] =	stream.linear.scatter [tilespmem:s9], [sflag:$0x1], $0x80, $0x38;
	[tilespmem:$0x1400] =	vst v63  }
0x9a: {  	s31 =	sor.u32 s10, s11;
	s11 =	sadd.s32 $0x400, s8  }
0x9b: {  	[hbm4b:s11+s3] =	stream.linear.scatter [tilespmem:s31], [sflag:$0x1], $0x80, $0x38;
	[tilespmem:$0x1400] =	vst v63  }
0x9c: {  	s13 =	sadd.s32 $0x480, s8;
	s12 =	sor.u32 $0x200, s31  }
0x9d: {  	[hbm4b:s13+s3] =	stream.linear.scatter [tilespmem:s12], [sflag:$0x1], $0x80, $0x38;
	[tilespmem:$0x1400] =	vst v63  }
0x9e: {  	s14 =	sor.u32 $0x400, s31;
	s15 =	sadd.s32 $0x500, s8  }
0x9f: {  	[hbm4b:s15+s3] =	stream.linear.scatter [tilespmem:s14], [sflag:$0x1], $0x80, $0x38;
	[tilespmem:$0x1400] =	vst v63  }
0xa0: {  	s16 =	spop (v2sf);
	s17 =	sor.u32 $0x600, s31;
	s18 =	sadd.s32 $0x580, s8  }
0xa1: {  	(v2sf) =	vpush v0, $0xA;
	[hbm4b:s18+s3] =	stream.linear.scatter [tilespmem:s17], [sflag:$0x1], $0x80, $0x38;
	[tilespmem:$0x1400] =	vst v63  }
0xa2: {  	s22 =	sor.u32 $0xA00, s31;
	s20 =	sor.u32 $0x800, s31;
	s21 =	sadd.s32 $0x600, s8  }
0xa3: {  	[hbm4b:s21+s3] =	stream.linear.scatter [tilespmem:s20], [sflag:$0x1], $0x80, $0x38;
	[tilespmem:$0x1400] =	vst v63  }
0xa4: {  	s19 =	sshll.u32 s16, $0xA;
	s10 =	sshll.u32 s16, $0x7;
	s23 =	sadd.s32 $0x680, s8  }
0xa5: {  	[hbm4b:s23+s3] =	stream.linear.scatter [tilespmem:s22], [sflag:$0x1], $0x80, $0x38;
	[tilespmem:$0x1400] =	vst v63  }
0xa6: {  	s10 =	sand.u32 $0x180, s10;
	s24 =	sor.u32 $0xC00, s31;
	s25 =	sadd.s32 $0x700, s8  }
0xa7: {  	[hbm4b:s25+s3] =	stream.linear.scatter [tilespmem:s24], [sflag:$0x1], $0x80, $0x38;
	[tilespmem:$0x1400] =	vst v63  }
0xa8: {  	s26 =	sadd.s32 $0x780, s8;
	s9 =	sor.u32 $0xE00, s31;
	s11 =	sand.u32 $0xFFFFF000, s19  }
0xa9: {  	[hbm4b:s26+s3] =	stream.linear.scatter [tilespmem:s9], [sflag:$0x1], $0x80, $0x38;
	[tilespmem:$0x1400] =	vst v63  }
0xaa: {  	s29 =	sadd.s32 $0x410, s8;
	s28 =	sor.u32 s10, s11  }
0xab: {  	[hbm4b:s29+s3] =	stream.linear.scatter [tilespmem:s28], [sflag:$0x1], $0x80, $0x38;
	[tilespmem:$0x1400] =	vst v63  }
0xac: {  	s31 =	sadd.s32 $0x490, s8;
	s30 =	sor.u32 $0x200, s28  }
0xad: {  	[hbm4b:s31+s3] =	stream.linear.scatter [tilespmem:s30], [sflag:$0x1], $0x80, $0x38;
	[tilespmem:$0x1400] =	vst v63  }
0xae: {  	s12 =	sor.u32 $0x400, s28;
	s13 =	sadd.s32 $0x510, s8  }
0xaf: {  	[hbm4b:s13+s3] =	stream.linear.scatter [tilespmem:s12], [sflag:$0x1], $0x80, $0x38;
	[tilespmem:$0x1400] =	vst v63  }
0xb0: {  	s16 =	sadd.s32 $0x590, s8;
	s14 =	spop (v2sf);
	s15 =	sor.u32 $0x600, s28  }
0xb1: {  	(v2sf) =	vpush v0, $0xB;
	[hbm4b:s16+s3] =	stream.linear.scatter [tilespmem:s15], [sflag:$0x1], $0x80, $0x38;
	[tilespmem:$0x1400] =	vst v63  }
0xb2: {  	s19 =	sadd.s32 $0x610, s8;
	s10 =	sshll.u32 s14, $0x7;
	s18 =	sor.u32 $0x800, s28  }
0xb3: {  	[hbm4b:s19+s3] =	stream.linear.scatter [tilespmem:s18], [sflag:$0x1], $0x80, $0x38;
	[tilespmem:$0x1400] =	vst v63  }
0xb4: {  	s17 =	sshll.u32 s14, $0xA;
	s20 =	sor.u32 $0xA00, s28;
	s21 =	sadd.s32 $0x690, s8  }
0xb5: {  	[hbm4b:s21+s3] =	stream.linear.scatter [tilespmem:s20], [sflag:$0x1], $0x80, $0x38;
	[tilespmem:$0x1400] =	vst v63  }
0xb6: {  	s10 =	sand.u32 $0x180, s10;
	s22 =	sor.u32 $0xC00, s28;
	s23 =	sadd.s32 $0x710, s8  }
0xb7: {  	[hbm4b:s23+s3] =	stream.linear.scatter [tilespmem:s22], [sflag:$0x1], $0x80, $0x38;
	[tilespmem:$0x1400] =	vst v63  }
0xb8: {  	s11 =	sand.u32 $0xFFFFF000, s17;
	s24 =	sadd.s32 $0x790, s8;
	s9 =	sor.u32 $0xE00, s28  }
0xb9: {  	[hbm4b:s24+s3] =	stream.linear.scatter [tilespmem:s9], [sflag:$0x1], $0x80, $0x38;
	[tilespmem:$0x1400] =	vst v63  }
0xba: {  	s10 =	sor.u32 s10, s11;
	s25 =	sadd.s32 $0x420, s8  }
0xbb: {  	[hbm4b:s25+s3] =	stream.linear.scatter [tilespmem:s10], [sflag:$0x1], $0x80, $0x38;
	[tilespmem:$0x1400] =	vst v63  }
0xbc: {  	s26 =	sor.u32 $0x200, s10;
	s28 =	sadd.s32 $0x4A0, s8  }
0xbd: {  	[hbm4b:s28+s3] =	stream.linear.scatter [tilespmem:s26], [sflag:$0x1], $0x80, $0x38;
	[tilespmem:$0x1400] =	vst v63  }
0xbe: {  	s29 =	sor.u32 $0x400, s10;
	s30 =	sadd.s32 $0x520, s8  }
0xbf: {  	[hbm4b:s30+s3] =	stream.linear.scatter [tilespmem:s29], [sflag:$0x1], $0x80, $0x38;
	[tilespmem:$0x1400] =	vst v63  }
0xc0: {  	s31 =	spop (v2sf);
	s12 =	sor.u32 $0x600, s10;
	s13 =	sadd.s32 $0x5A0, s8  }
0xc1: {  	(v2sf) =	vpush v0, $0xC;
	[hbm4b:s13+s3] =	stream.linear.scatter [tilespmem:s12], [sflag:$0x1], $0x80, $0x38;
	[tilespmem:$0x1400] =	vst v63  }
0xc2: {  	s14 =	sshll.u32 s31, $0xA;
	s15 =	sor.u32 $0x800, s10;
	s16 =	sadd.s32 $0x620, s8  }
0xc3: {  	[hbm4b:s16+s3] =	stream.linear.scatter [tilespmem:s15], [sflag:$0x1], $0x80, $0x38;
	[tilespmem:$0x1400] =	vst v63  }
0xc4: {  	s17 =	sor.u32 $0xA00, s10;
	s11 =	sand.u32 $0xFFFFF000, s14;
	s18 =	sadd.s32 $0x6A0, s8  }
0xc5: {  	[hbm4b:s18+s3] =	stream.linear.scatter [tilespmem:s17], [sflag:$0x1], $0x80, $0x38;
	[tilespmem:$0x1400] =	vst v63  }
0xc6: {  	s19 =	sor.u32 $0xC00, s10;
	s20 =	sadd.s32 $0x720, s8;
	s9 =	sshll.u32 s31, $0x7  }
0xc7: {  	[hbm4b:s20+s3] =	stream.linear.scatter [tilespmem:s19], [sflag:$0x1], $0x80, $0x38;
	[tilespmem:$0x1400] =	vst v63  }
0xc8: {  	s21 =	sadd.s32 $0x7A0, s8;
	s9 =	sand.u32 $0x180, s9;
	s10 =	sor.u32 $0xE00, s10  }
0xc9: {  	[hbm4b:s21+s3] =	stream.linear.scatter [tilespmem:s10], [sflag:$0x1], $0x80, $0x38;
	[tilespmem:$0x1400] =	vst v63  }
0xca: {  	s22 =	sadd.s32 $0x430, s8;
	s9 =	sor.u32 s9, s11  }
0xcb: {  	[hbm4b:s22+s3] =	stream.linear.scatter [tilespmem:s9], [sflag:$0x1], $0x80, $0x38;
	[tilespmem:$0x1400] =	vst v63  }
0xcc: {  	s24 =	sadd.s32 $0x4B0, s8;
	s23 =	sor.u32 $0x200, s9  }
0xcd: {  	[hbm4b:s24+s3] =	stream.linear.scatter [tilespmem:s23], [sflag:$0x1], $0x80, $0x38;
	[tilespmem:$0x1400] =	vst v63  }
0xce: {  	s25 =	sor.u32 $0x400, s9;
	s26 =	sadd.s32 $0x530, s8  }
0xcf: {  	[hbm4b:s26+s3] =	stream.linear.scatter [tilespmem:s25], [sflag:$0x1], $0x80, $0x38;
	[tilespmem:$0x1400] =	vst v63  }
0xd0: {  	s28 =	spop (v2sf);
	s29 =	sor.u32 $0x600, s9;
	s30 =	sadd.s32 $0x5B0, s8  }
0xd1: {  	(v2sf) =	vpush v0, $0xD;
	[hbm4b:s30+s3] =	stream.linear.scatter [tilespmem:s29], [sflag:$0x1], $0x80, $0x38;
	[tilespmem:$0x1400] =	vst v63  }
0xd2: {  	s14 =	sadd.s32 $0x630, s8;
	s31 =	sshll.u32 s28, $0xA;
	s13 =	sor.u32 $0x800, s9  }
0xd3: {  	[hbm4b:s14+s3] =	stream.linear.scatter [tilespmem:s13], [sflag:$0x1], $0x80, $0x38;
	[tilespmem:$0x1400] =	vst v63  }
0xd4: {  	s11 =	sand.u32 $0xFFFFF000, s31;
	s15 =	sor.u32 $0xA00, s9;
	s16 =	sadd.s32 $0x6B0, s8  }
0xd5: {  	[hbm4b:s16+s3] =	stream.linear.scatter [tilespmem:s15], [sflag:$0x1], $0x80, $0x38;
	[tilespmem:$0x1400] =	vst v63  }
0xd6: {  	s17 =	sor.u32 $0xC00, s9;
	s18 =	sadd.s32 $0x730, s8;
	s10 =	sshll.u32 s28, $0x7  }
0xd7: {  	[hbm4b:s18+s3] =	stream.linear.scatter [tilespmem:s17], [sflag:$0x1], $0x80, $0x38;
	[tilespmem:$0x1400] =	vst v63  }
0xd8: {  	s19 =	sadd.s32 $0x7B0, s8;
	s10 =	sand.u32 $0x180, s10;
	s9 =	sor.u32 $0xE00, s9  }
0xd9: {  	[hbm4b:s19+s3] =	stream.linear.scatter [tilespmem:s9], [sflag:$0x1], $0x80, $0x38;
	[tilespmem:$0x1400] =	vst v63  }
0xda: {  	s20 =	sadd.s32 $0x440, s8;
	s10 =	sor.u32 s10, s11  }
0xdb: {  	[hbm4b:s20+s3] =	stream.linear.scatter [tilespmem:s10], [sflag:$0x1], $0x80, $0x38;
	[tilespmem:$0x1400] =	vst v63  }
0xdc: {  	s22 =	sadd.s32 $0x4C0, s8;
	s21 =	sor.u32 $0x200, s10  }
0xdd: {  	[hbm4b:s22+s3] =	stream.linear.scatter [tilespmem:s21], [sflag:$0x1], $0x80, $0x38;
	[tilespmem:$0x1400] =	vst v63  }
0xde: {  	s23 =	sor.u32 $0x400, s10;
	s24 =	sadd.s32 $0x540, s8  }
0xdf: {  	[hbm4b:s24+s3] =	stream.linear.scatter [tilespmem:s23], [sflag:$0x1], $0x80, $0x38;
	[tilespmem:$0x1400] =	vst v63  }
0xe0: {  	s28 =	sadd.s32 $0x5C0, s8;
	s25 =	spop (v2sf);
	s26 =	sor.u32 $0x600, s10  }
0xe1: {  	(v2sf) =	vpush v0, $0xE;
	[hbm4b:s28+s3] =	stream.linear.scatter [tilespmem:s26], [sflag:$0x1], $0x80, $0x38;
	[tilespmem:$0x1400] =	vst v63  }
0xe2: {  	s31 =	sadd.s32 $0x640, s8;
	s29 =	sshll.u32 s25, $0xA;
	s30 =	sor.u32 $0x800, s10  }
0xe3: {  	[hbm4b:s31+s3] =	stream.linear.scatter [tilespmem:s30], [sflag:$0x1], $0x80, $0x38;
	[tilespmem:$0x1400] =	vst v63  }
0xe4: {  	s11 =	sand.u32 $0xFFFFF000, s29;
	s13 =	sor.u32 $0xA00, s10;
	s14 =	sadd.s32 $0x6C0, s8  }
0xe5: {  	[hbm4b:s14+s3] =	stream.linear.scatter [tilespmem:s13], [sflag:$0x1], $0x80, $0x38;
	[tilespmem:$0x1400] =	vst v63  }
0xe6: {  	s15 =	sor.u32 $0xC00, s10;
	s16 =	sadd.s32 $0x740, s8;
	s9 =	sshll.u32 s25, $0x7  }
0xe7: {  	[hbm4b:s16+s3] =	stream.linear.scatter [tilespmem:s15], [sflag:$0x1], $0x80, $0x38;
	[tilespmem:$0x1400] =	vst v63  }
0xe8: {  	s17 =	sadd.s32 $0x7C0, s8;
	s9 =	sand.u32 $0x180, s9;
	s10 =	sor.u32 $0xE00, s10  }
0xe9: {  	[hbm4b:s17+s3] =	stream.linear.scatter [tilespmem:s10], [sflag:$0x1], $0x80, $0x38;
	[tilespmem:$0x1400] =	vst v63  }
0xea: {  	s18 =	sadd.s32 $0x450, s8;
	s9 =	sor.u32 s9, s11  }
0xeb: {  	[hbm4b:s18+s3] =	stream.linear.scatter [tilespmem:s9], [sflag:$0x1], $0x80, $0x38;
	[tilespmem:$0x1400] =	vst v63  }
0xec: {  	s20 =	sadd.s32 $0x4D0, s8;
	s19 =	sor.u32 $0x200, s9  }
0xed: {  	[hbm4b:s20+s3] =	stream.linear.scatter [tilespmem:s19], [sflag:$0x1], $0x80, $0x38;
	[tilespmem:$0x1400] =	vst v63  }
0xee: {  	s21 =	sor.u32 $0x400, s9;
	s22 =	sadd.s32 $0x550, s8  }
0xef: {  	[hbm4b:s22+s3] =	stream.linear.scatter [tilespmem:s21], [sflag:$0x1], $0x80, $0x38;
	[tilespmem:$0x1400] =	vst v63  }
0xf0: {  	s25 =	sadd.s32 $0x5D0, s8;
	s23 =	spop (v2sf);
	s24 =	sor.u32 $0x600, s9  }
0xf1: {  	(v2sf) =	vpush v0, $0xF;
	[hbm4b:s25+s3] =	stream.linear.scatter [tilespmem:s24], [sflag:$0x1], $0x80, $0x38;
	[tilespmem:$0x1400] =	vst v63  }
0xf2: {  	s29 =	sadd.s32 $0x650, s8;
	s26 =	sshll.u32 s23, $0xA;
	s28 =	sor.u32 $0x800, s9  }
0xf3: {  	[hbm4b:s29+s3] =	stream.linear.scatter [tilespmem:s28], [sflag:$0x1], $0x80, $0x38;
	[tilespmem:$0x1400] =	vst v63  }
0xf4: {  	s11 =	sand.u32 $0xFFFFF000, s26;
	s30 =	sor.u32 $0xA00, s9;
	s31 =	sadd.s32 $0x6D0, s8  }
0xf5: {  	[hbm4b:s31+s3] =	stream.linear.scatter [tilespmem:s30], [sflag:$0x1], $0x80, $0x38;
	[tilespmem:$0x1400] =	vst v63  }
0xf6: {  	s14 =	sor.u32 $0xC00, s9;
	s15 =	sadd.s32 $0x750, s8;
	s10 =	sshll.u32 s23, $0x7  }
0xf7: {  	[hbm4b:s15+s3] =	stream.linear.scatter [tilespmem:s14], [sflag:$0x1], $0x80, $0x38;
	[tilespmem:$0x1400] =	vst v63  }
0xf8: {  	s16 =	sadd.s32 $0x7D0, s8;
	s10 =	sand.u32 $0x180, s10;
	s9 =	sor.u32 $0xE00, s9  }
0xf9: {  	[hbm4b:s16+s3] =	stream.linear.scatter [tilespmem:s9], [sflag:$0x1], $0x80, $0x38;
	[tilespmem:$0x1400] =	vst v63  }
0xfa: {  	s17 =	sor.u32 s10, s11;
	s18 =	sadd.s32 $0x460, s8  }
0xfb: {  	[hbm4b:s18+s3] =	stream.linear.scatter [tilespmem:s17], [sflag:$0x1], $0x80, $0x38;
	[tilespmem:$0x1400] =	vst v63  }
0xfc: {  	s19 =	sor.u32 $0x200, s17;
	s20 =	sadd.s32 $0x4E0, s8  }
0xfd: {  	[hbm4b:s20+s3] =	stream.linear.scatter [tilespmem:s19], [sflag:$0x1], $0x80, $0x38;
	[tilespmem:$0x1400] =	vst v63  }
0xfe: {  	s21 =	sor.u32 $0x400, s17;
	s22 =	sadd.s32 $0x560, s8  }
0xff: {  	[hbm4b:s22+s3] =	stream.linear.scatter [tilespmem:s21], [sflag:$0x1], $0x80, $0x38;
	[tilespmem:$0x1400] =	vst v63  }
0x100: {  	s23 =	spop (v2sf);
	s24 =	sor.u32 $0x600, s17;
	s25 =	sadd.s32 $0x5E0, s8  }
0x101: {  	[hbm4b:s25+s3] =	stream.linear.scatter [tilespmem:s24], [sflag:$0x1], $0x80, $0x38;
	[tilespmem:$0x1400] =	vst v63  }
0x102: {  	s26 =	sshll.u32 s23, $0xA;
	s28 =	sor.u32 $0x800, s17;
	s29 =	sadd.s32 $0x660, s8  }
0x103: {  	[hbm4b:s29+s3] =	stream.linear.scatter [tilespmem:s28], [sflag:$0x1], $0x80, $0x38;
	[tilespmem:$0x1400] =	vst v63  }
0x104: {  	s10 =	sshll.u32 s23, $0x7;
	s30 =	sor.u32 $0xA00, s17;
	s31 =	sadd.s32 $0x6E0, s8  }
0x105: {  	[hbm4b:s31+s3] =	stream.linear.scatter [tilespmem:s30], [sflag:$0x1], $0x80, $0x38;
	[tilespmem:$0x1400] =	vst v63  }
0x106: {  	s11 =	sand.u32 $0xFFFFF000, s26;
	s14 =	sor.u32 $0xC00, s17;
	s15 =	sadd.s32 $0x760, s8  }
0x107: {  	[hbm4b:s15+s3] =	stream.linear.scatter [tilespmem:s14], [sflag:$0x1], $0x80, $0x38;
	[tilespmem:$0x1400] =	vst v63  }
0x108: {  	s10 =	sand.u32 $0x180, s10;
	s9 =	sor.u32 $0xE00, s17;
	s16 =	sadd.s32 $0x7E0, s8  }
0x109: {  	[hbm4b:s16+s3] =	stream.linear.scatter [tilespmem:s9], [sflag:$0x1], $0x80, $0x38;
	[tilespmem:$0x1400] =	vst v63  }
0x10a: {  	s10 =	sor.u32 s10, s11;
	s17 =	sadd.s32 $0x470, s8  }
0x10b: {  	[hbm4b:s17+s3] =	stream.linear.scatter [tilespmem:s10], [sflag:$0x1], $0x80, $0x38;
	[tilespmem:$0x1400] =	vst v63  }
0x10c: {  	s18 =	sor.u32 $0x200, s10;
	s19 =	sadd.s32 $0x4F0, s8  }
0x10d: {  	[hbm4b:s19+s3] =	stream.linear.scatter [tilespmem:s18], [sflag:$0x1], $0x80, $0x38;
	[tilespmem:$0x1400] =	vst v63  }
0x10e: {  	s20 =	sor.u32 $0x400, s10;
	s21 =	sadd.s32 $0x570, s8  }
0x10f: {  	[hbm4b:s21+s3] =	stream.linear.scatter [tilespmem:s20], [sflag:$0x1], $0x80, $0x38;
	[tilespmem:$0x1400] =	vst v63  }
0x110: {  	s23 =	sadd.s32 $0x5F0, s8;
	s22 =	sor.u32 $0x600, s10  }
0x111: {  	[hbm4b:s23+s3] =	stream.linear.scatter [tilespmem:s22], [sflag:$0x1], $0x80, $0x38;
	[tilespmem:$0x1400] =	vst v63  }
0x112: {  	s24 =	sor.u32 $0x800, s10;
	s25 =	sadd.s32 $0x670, s8  }
0x113: {  	[hbm4b:s25+s3] =	stream.linear.scatter [tilespmem:s24], [sflag:$0x1], $0x80, $0x38;
	[tilespmem:$0x1400] =	vst v63  }
0x114: {  	s26 =	sor.u32 $0xA00, s10;
	s28 =	sadd.s32 $0x6F0, s8  }
0x115: {  	[hbm4b:s28+s3] =	stream.linear.scatter [tilespmem:s26], [sflag:$0x1], $0x80, $0x38;
	[tilespmem:$0x1400] =	vst v63  }
0x116: {  	p1 =	por $0x1, $0x1;
	s29 =	sor.u32 $0xC00, s10;
	s30 =	sadd.s32 $0x770, s8  }
0x117: {  	[hbm4b:s30+s3] =	stream.linear.scatter [tilespmem:s29], [sflag:$0x1], $0x80, $0x38;
	[tilespmem:$0x1400] =	vst v63  }
0x118: {  	s11 =	simm.s32 @!p1 $0x1;
	s31 =	sor.u32 $0xE00, s10;
	s8 =	sadd.s32 $0x7F0, s8  }
0x119: {  	[hbm4b:s8+s3] =	stream.linear.scatter [tilespmem:s31], [sflag:$0x1], $0x80, $0x38;
	[tilespmem:$0x1400] =	vst v63  }
0x11a: {  	_ =	swait.ge @!p1 [sflag:s11], $0x400  }
0x11b: {  	[sflag:s11] =	ssyncset.done @!p1 $0x0  }
0x11c: {  	[sflag:s11] =	ssyncadd.s32 @!p1 $0xFFFFFC00  }
0x11d: {  	_ =	swait.ge @!p1 [sflag:s11], $0x400  }
0x11e: {  	[sflag:s11] =	ssyncset.done @!p1 $0x0  }
0x11f: {  	[sflag:s11] =	ssyncadd.s32 @!p1 $0xFFFFFC00  }
0x120: {  	_ =	swait.ge @!p1 [sflag:s11], $0x400  }
0x121: {  	[sflag:s11] =	ssyncset.done @!p1 $0x0  }
0x122: {  	[sflag:s11] =	ssyncadd.s32 @!p1 $0xFFFFFC00  }
0x123: {  	_ =	swait.ge @!p1 [sflag:s11], $0x400  }
0x124: {  	[sflag:s11] =	ssyncset.done @!p1 $0x0  }
0x125: {  	[sflag:s11] =	ssyncadd.s32 @!p1 $0xFFFFFC00  }
0x126: {  	_ =	swait.ge @!p1 [sflag:s11], $0x400  }
0x127: {  	[sflag:s11] =	ssyncset.done @!p1 $0x0  }
0x128: {  	[sflag:s11] =	ssyncadd.s32 @!p1 $0xFFFFFC00  }
0x129: {  	_ =	swait.ge @!p1 [sflag:s11], $0x400  }
0x12a: {  	[sflag:s11] =	ssyncset.done @!p1 $0x0  }
0x12b: {  	[sflag:s11] =	ssyncadd.s32 @!p1 $0xFFFFFC00  }
0x12c: {  	_ =	swait.ge @!p1 [sflag:s11], $0x400  }
0x12d: {  	[sflag:s11] =	ssyncset.done @!p1 $0x0  }
0x12e: {  	[sflag:s11] =	ssyncadd.s32 @!p1 $0xFFFFFC00  }
0x12f: {  	_ =	swait.ge @!p1 [sflag:s11], $0x400  }
0x130: {  	[sflag:s11] =	ssyncset.done @!p1 $0x0  }
0x131: {  	[sflag:s11] =	ssyncadd.s32 @!p1 $0xFFFFFC00  }
0x132: {  	_ =	swait.ge @!p1 [sflag:s11], $0x400  }
0x133: {  	[sflag:s11] =	ssyncset.done @!p1 $0x0  }
0x134: {  	[sflag:s11] =	ssyncadd.s32 @!p1 $0xFFFFFC00  }
0x135: {  	_ =	swait.ge @!p1 [sflag:s11], $0x400  }
0x136: {  	[sflag:s11] =	ssyncset.done @!p1 $0x0  }
0x137: {  	[sflag:s11] =	ssyncadd.s32 @!p1 $0xFFFFFC00  }
0x138: {  	_ =	swait.ge @!p1 [sflag:s11], $0x400  }
0x139: {  	[sflag:s11] =	ssyncset.done @!p1 $0x0  }
0x13a: {  	[sflag:s11] =	ssyncadd.s32 @!p1 $0xFFFFFC00  }
0x13b: {  	_ =	swait.ge @!p1 [sflag:s11], $0x400  }
0x13c: {  	[sflag:s11] =	ssyncset.done @!p1 $0x0  }
0x13d: {  	[sflag:s11] =	ssyncadd.s32 @!p1 $0xFFFFFC00  }
0x13e: {  	_ =	swait.ge @!p1 [sflag:s11], $0x400  }
0x13f: {  	[sflag:s11] =	ssyncset.done @!p1 $0x0  }
0x140: {  	[sflag:s11] =	ssyncadd.s32 @!p1 $0xFFFFFC00  }
0x141: {  	_ =	swait.ge @!p1 [sflag:s11], $0x400  }
0x142: {  	[sflag:s11] =	ssyncset.done @!p1 $0x0  }
0x143: {  	[sflag:s11] =	ssyncadd.s32 @!p1 $0xFFFFFC00  }
0x144: {  	_ =	swait.ge @!p1 [sflag:s11], $0x400  }
0x145: {  	s9 =	simm.s32 $0x1010;
	[sflag:s11] =	ssyncset.done @!p1 $0x0  }
0x146: {  	s10 =	simm.s32 $0x0;
	s8 =	simm.s32 $0x800;
	[sflag:s11] =	ssyncadd.s32 @!p1 $0xFFFFFC00  }
.LBB2_2:
0x147: {  	_ =	swait.ge @!p1 [sflag:s11], $0x400  }
0x148: {  	[sflag:s11] =	ssyncset.done @!p1 $0x0  }
0x149: {  	[sflag:s11] =	ssyncadd.s32 @!p1 $0xFFFFFC00  }
0x14a: {  	v0 =	vld [tilespmem:s9+$0x0];
	_ =	sdelay $0x4  }
0x14b: {  	(v2sf) =	vpush v0, $0x0;
	_ =	sdelay $0xa  }
0x14c: {  	(v2sf) =	vpush v0, $0x1;
	_ =	sdelay $0x3  }
0x14d: {  	(v2sf) =	vpush v0, $0x2;
	s13 =	spop (v2sf)  }
0x14e: {  	s12 =	smov.u32 s8;
	s14 =	sshll.u32 s13, $0xA;
	s13 =	sshll.u32 s13, $0x7  }
0x14f: {  	s19 =	rddreg [dreg:$0x4];
	s20 =	sand.u32 $0xFFFFF000, s14;
	s13 =	sand.u32 $0x180, s13  }
0x150: {  	s11 =	sadd.s32 s12, s19;
	s12 =	sor.u32 s13, s20  }
0x151: {  	[hbm4b:s11+s3] =	stream.linear.scatter [tilespmem:s12], [sflag:$0x1], $0x80, $0x38;
	[tilespmem:$0x1400] =	vst v63  }
0x152: {  	s21 =	sadd.s32 $0x80, s11;
	s16 =	sor.u32 $0x200, s12  }
0x153: {  	[hbm4b:s21+s3] =	stream.linear.scatter [tilespmem:s16], [sflag:$0x1], $0x80, $0x38;
	[tilespmem:$0x1400] =	vst v63  }
0x154: {  	s18 =	sadd.s32 $0x100, s11;
	s24 =	sadd.s32 $0x180, s11;
	s17 =	sor.u32 $0x400, s12  }
0x155: {  	[hbm4b:s18+s3] =	stream.linear.scatter [tilespmem:s17], [sflag:$0x1], $0x80, $0x38;
	[tilespmem:$0x1400] =	vst v63  }
0x156: {  	s26 =	sadd.s32 $0x200, s11;
	s29 =	sadd.s32 $0x280, s11;
	s23 =	sor.u32 $0x600, s12  }
0x157: {  	[hbm4b:s24+s3] =	stream.linear.scatter [tilespmem:s23], [sflag:$0x1], $0x80, $0x38;
	[tilespmem:$0x1400] =	vst v63  }
0x158: {  	s31 =	sadd.s32 $0x300, s11;
	s15 =	spop (v2sf);
	s25 =	sor.u32 $0x800, s12  }
0x159: {  	[hbm4b:s26+s3] =	stream.linear.scatter [tilespmem:s25], [sflag:$0x1], $0x80, $0x38;
	[tilespmem:$0x1400] =	vst v63  }
0x15a: {  	s22 =	sshll.u32 s15, $0xA;
	s15 =	sshll.u32 s15, $0x7;
	s28 =	sor.u32 $0xA00, s12  }
0x15b: {  	[hbm4b:s29+s3] =	stream.linear.scatter [tilespmem:s28], [sflag:$0x1], $0x80, $0x38;
	[tilespmem:$0x1400] =	vst v63  }
0x15c: {  	s19 =	spop (v2sf);
	s15 =	sand.u32 $0x180, s15;
	s30 =	sor.u32 $0xC00, s12  }
0x15d: {  	(v2sf) =	vpush v0, $0x3;
	[hbm4b:s31+s3] =	stream.linear.scatter [tilespmem:s30], [sflag:$0x1], $0x80, $0x38;
	[tilespmem:$0x1400] =	vst v63  }
0x15e: {  	s14 =	sand.u32 $0xFFFFF000, s22;
	s12 =	sor.u32 $0xE00, s12;
	s21 =	sadd.s32 $0x380, s11  }
0x15f: {  	[hbm4b:s21+s3] =	stream.linear.scatter [tilespmem:s12], [sflag:$0x1], $0x80, $0x38;
	[tilespmem:$0x1400] =	vst v63  }
0x160: {  	s20 =	sshll.u32 s19, $0xA;
	s22 =	sadd.s32 $0x10, s11;
	s14 =	sor.u32 s15, s14  }
0x161: {  	[hbm4b:s22+s3] =	stream.linear.scatter [tilespmem:s14], [sflag:$0x1], $0x80, $0x38;
	[tilespmem:$0x1400] =	vst v63  }
0x162: {  	s17 =	sand.u32 $0xFFFFF000, s20;
	s24 =	sor.u32 $0x200, s14;
	s25 =	sadd.s32 $0x90, s11  }
0x163: {  	(v2sf) =	vpush v0, $0x4;
	[hbm4b:s25+s3] =	stream.linear.scatter [tilespmem:s24], [sflag:$0x1], $0x80, $0x38;
	[tilespmem:$0x1400] =	vst v63  }
0x164: {  	s20 =	sor.u32 $0x800, s14;
	s26 =	sor.u32 $0x400, s14;
	s28 =	sadd.s32 $0x110, s11  }
0x165: {  	[hbm4b:s28+s3] =	stream.linear.scatter [tilespmem:s26], [sflag:$0x1], $0x80, $0x38;
	[tilespmem:$0x1400] =	vst v63  }
0x166: {  	s23 =	sshll.u32 s19, $0x7;
	s29 =	sor.u32 $0x600, s14;
	s30 =	sadd.s32 $0x190, s11  }
0x167: {  	[hbm4b:s30+s3] =	stream.linear.scatter [tilespmem:s29], [sflag:$0x1], $0x80, $0x38;
	[tilespmem:$0x1400] =	vst v63  }
0x168: {  	s18 =	sadd.s32 $0xA0, s11;
	s15 =	sand.u32 $0x180, s23;
	s21 =	sadd.s32 $0x210, s11  }
0x169: {  	[hbm4b:s21+s3] =	stream.linear.scatter [tilespmem:s20], [sflag:$0x1], $0x80, $0x38;
	[tilespmem:$0x1400] =	vst v63  }
0x16a: {  	s23 =	sor.u32 $0xA00, s14;
	s15 =	sor.u32 s15, s17;
	s24 =	sadd.s32 $0x290, s11  }
0x16b: {  	[hbm4b:s24+s3] =	stream.linear.scatter [tilespmem:s23], [sflag:$0x1], $0x80, $0x38;
	[tilespmem:$0x1400] =	vst v63  }
0x16c: {  	s31 =	spop (v2sf);
	s25 =	sor.u32 $0xC00, s14;
	s26 =	sadd.s32 $0x310, s11  }
0x16d: {  	(v2sf) =	vpush v0, $0x5;
	[hbm4b:s26+s3] =	stream.linear.scatter [tilespmem:s25], [sflag:$0x1], $0x80, $0x38;
	[tilespmem:$0x1400] =	vst v63  }
0x16e: {  	s17 =	sor.u32 $0x200, s15;
	s28 =	sor.u32 $0xE00, s14;
	s29 =	sadd.s32 $0x390, s11  }
0x16f: {  	[hbm4b:s29+s3] =	stream.linear.scatter [tilespmem:s28], [sflag:$0x1], $0x80, $0x38;
	[tilespmem:$0x1400] =	vst v63  }
0x170: {  	s19 =	sshll.u32 s31, $0x7;
	s22 =	sshll.u32 s31, $0xA;
	s31 =	sadd.s32 $0x20, s11  }
0x171: {  	[hbm4b:s31+s3] =	stream.linear.scatter [tilespmem:s15], [sflag:$0x1], $0x80, $0x38;
	[tilespmem:$0x1400] =	vst v63  }
0x172: {  	s30 =	sand.u32 $0x180, s19;
	s19 =	spop (v2sf);
	s20 =	sand.u32 $0xFFFFF000, s22  }
0x173: {  	[hbm4b:s18+s3] =	stream.linear.scatter [tilespmem:s17], [sflag:$0x1], $0x80, $0x38;
	[tilespmem:$0x1400] =	vst v63  }
0x174: {  	s21 =	sadd.s32 $0x120, s11;
	s12 =	sor.u32 s30, s20;
	s20 =	sor.u32 $0x400, s15  }
0x175: {  	(v2sf) =	vpush v0, $0x6;
	[hbm4b:s21+s3] =	stream.linear.scatter [tilespmem:s20], [sflag:$0x1], $0x80, $0x38;
	[tilespmem:$0x1400] =	vst v63  }
0x176: {  	s13 =	sshll.u32 s19, $0xA;
	s22 =	sor.u32 $0x600, s15;
	s23 =	sadd.s32 $0x1A0, s11  }
0x177: {  	[hbm4b:s23+s3] =	stream.linear.scatter [tilespmem:s22], [sflag:$0x1], $0x80, $0x38;
	[tilespmem:$0x1400] =	vst v63  }
0x178: {  	s14 =	sshll.u32 s19, $0x7;
	s24 =	sor.u32 $0x800, s15;
	s25 =	sadd.s32 $0x220, s11  }
0x179: {  	[hbm4b:s25+s3] =	stream.linear.scatter [tilespmem:s24], [sflag:$0x1], $0x80, $0x38;
	[tilespmem:$0x1400] =	vst v63  }
0x17a: {  	s14 =	sand.u32 $0x180, s14;
	s28 =	sor.u32 $0xA00, s15;
	s29 =	sadd.s32 $0x2A0, s11  }
0x17b: {  	[hbm4b:s29+s3] =	stream.linear.scatter [tilespmem:s28], [sflag:$0x1], $0x80, $0x38;
	[tilespmem:$0x1400] =	vst v63  }
0x17c: {  	s30 =	sor.u32 $0xC00, s15;
	s26 =	spop (v2sf);
	s31 =	sadd.s32 $0x320, s11  }
0x17d: {  	[hbm4b:s31+s3] =	stream.linear.scatter [tilespmem:s30], [sflag:$0x1], $0x80, $0x38;
	[tilespmem:$0x1400] =	vst v63  }
0x17e: {  	s19 =	sshll.u32 s26, $0x7;
	s15 =	sor.u32 $0xE00, s15;
	s20 =	sadd.s32 $0x3A0, s11  }
0x17f: {  	[hbm4b:s20+s3] =	stream.linear.scatter [tilespmem:s15], [sflag:$0x1], $0x80, $0x38;
	[tilespmem:$0x1400] =	vst v63  }
0x180: {  	s21 =	sshll.u32 s26, $0xA;
	s26 =	sor.u32 $0x200, s12;
	s23 =	sadd.s32 $0x30, s11  }
0x181: {  	[hbm4b:s23+s3] =	stream.linear.scatter [tilespmem:s12], [sflag:$0x1], $0x80, $0x38;
	[tilespmem:$0x1400] =	vst v63  }
0x182: {  	s22 =	sand.u32 $0xFFFFF000, s21;
	s24 =	sand.u32 $0x180, s19;
	s28 =	sadd.s32 $0xB0, s11  }
0x183: {  	[hbm4b:s28+s3] =	stream.linear.scatter [tilespmem:s26], [sflag:$0x1], $0x80, $0x38;
	[tilespmem:$0x1400] =	vst v63  }
0x184: {  	s25 =	spop (v2sf);
	s29 =	sor.u32 $0x400, s12;
	s30 =	sadd.s32 $0x130, s11  }
0x185: {  	(v2sf) =	vpush v0, $0x7;
	[hbm4b:s30+s3] =	stream.linear.scatter [tilespmem:s29], [sflag:$0x1], $0x80, $0x38;
	[tilespmem:$0x1400] =	vst v63  }
0x186: {  	s21 =	sor.u32 $0x600, s12;
	s15 =	sor.u32 s24, s22;
	s22 =	sadd.s32 $0x1B0, s11  }
0x187: {  	[hbm4b:s22+s3] =	stream.linear.scatter [tilespmem:s21], [sflag:$0x1], $0x80, $0x38;
	[tilespmem:$0x1400] =	vst v63  }
0x188: {  	s19 =	sshll.u32 s25, $0x7;
	s24 =	sadd.s32 $0x230, s11;
	s23 =	sor.u32 $0x800, s12  }
0x189: {  	[hbm4b:s24+s3] =	stream.linear.scatter [tilespmem:s23], [sflag:$0x1], $0x80, $0x38;
	[tilespmem:$0x1400] =	vst v63  }
0x18a: {  	s31 =	sshll.u32 s25, $0xA;
	s25 =	sor.u32 $0xA00, s12;
	s26 =	sadd.s32 $0x2B0, s11  }
0x18b: {  	[hbm4b:s26+s3] =	stream.linear.scatter [tilespmem:s25], [sflag:$0x1], $0x80, $0x38;
	[tilespmem:$0x1400] =	vst v63  }
0x18c: {  	s13 =	sand.u32 $0xFFFFF000, s13;
	s28 =	sor.u32 $0xC00, s12;
	s29 =	sadd.s32 $0x330, s11  }
0x18d: {  	[hbm4b:s29+s3] =	stream.linear.scatter [tilespmem:s28], [sflag:$0x1], $0x80, $0x38;
	[tilespmem:$0x1400] =	vst v63  }
0x18e: {  	s13 =	sor.u32 s14, s13;
	s12 =	sor.u32 $0xE00, s12;
	s30 =	sadd.s32 $0x3B0, s11  }
0x18f: {  	[hbm4b:s30+s3] =	stream.linear.scatter [tilespmem:s12], [sflag:$0x1], $0x80, $0x38;
	[tilespmem:$0x1400] =	vst v63  }
0x190: {  	s19 =	sand.u32 $0x180, s19;
	s20 =	sand.u32 $0xFFFFF000, s31;
	s31 =	sadd.s32 $0x40, s11  }
0x191: {  	(v2sf) =	vpush v0, $0x8;
	[hbm4b:s31+s3] =	stream.linear.scatter [tilespmem:s13], [sflag:$0x1], $0x80, $0x38;
	[tilespmem:$0x1400] =	vst v63  }
0x192: {  	s18 =	sor.u32 $0x200, s13;
	s14 =	sor.u32 s19, s20;
	s19 =	sadd.s32 $0xC0, s11  }
0x193: {  	[hbm4b:s19+s3] =	stream.linear.scatter [tilespmem:s18], [sflag:$0x1], $0x80, $0x38;
	[tilespmem:$0x1400] =	vst v63  }
0x194: {  	s21 =	sor.u32 $0x400, s13;
	s22 =	sadd.s32 $0x140, s11;
	s20 =	spop (v2sf)  }
0x195: {  	[hbm4b:s22+s3] =	stream.linear.scatter [tilespmem:s21], [sflag:$0x1], $0x80, $0x38;
	[tilespmem:$0x1400] =	vst v63  }
0x196: {  	s23 =	sshll.u32 s20, $0xA;
	s24 =	sor.u32 $0x600, s13;
	s25 =	sadd.s32 $0x1C0, s11  }
0x197: {  	[hbm4b:s25+s3] =	stream.linear.scatter [tilespmem:s24], [sflag:$0x1], $0x80, $0x38;
	[tilespmem:$0x1400] =	vst v63  }
0x198: {  	s26 =	sor.u32 $0x800, s13;
	s28 =	sadd.s32 $0x240, s11;
	s29 =	sor.u32 $0xA00, s13  }
0x199: {  	[hbm4b:s28+s3] =	stream.linear.scatter [tilespmem:s26], [sflag:$0x1], $0x80, $0x38;
	[tilespmem:$0x1400] =	vst v63  }
0x19a: {  	s30 =	sadd.s32 $0x2C0, s11;
	s18 =	sshll.u32 s20, $0x7;
	s20 =	sand.u32 $0xFFFFF000, s23  }
0x19b: {  	[hbm4b:s30+s3] =	stream.linear.scatter [tilespmem:s29], [sflag:$0x1], $0x80, $0x38;
	[tilespmem:$0x1400] =	vst v63  }
0x19c: {  	s19 =	sadd.s32 $0x340, s11;
	s31 =	sand.u32 $0x180, s18;
	s18 =	sor.u32 $0xC00, s13  }
0x19d: {  	(v2sf) =	vpush v0, $0x9;
	[hbm4b:s19+s3] =	stream.linear.scatter [tilespmem:s18], [sflag:$0x1], $0x80, $0x38;
	[tilespmem:$0x1400] =	vst v63  }
0x19e: {  	s23 =	sadd.s32 $0x50, s11;
	s13 =	sor.u32 $0xE00, s13;
	s21 =	sadd.s32 $0x3C0, s11  }
0x19f: {  	[hbm4b:s21+s3] =	stream.linear.scatter [tilespmem:s13], [sflag:$0x1], $0x80, $0x38;
	[tilespmem:$0x1400] =	vst v63  }
0x1a0: {  	s12 =	sor.u32 s31, s20;
	s22 =	spop (v2sf);
	s31 =	sadd.s32 $0x1D0, s11  }
0x1a1: {  	[hbm4b:s23+s3] =	stream.linear.scatter [tilespmem:s15], [sflag:$0x1], $0x80, $0x38;
	[tilespmem:$0x1400] =	vst v63  }
0x1a2: {  	s24 =	sshll.u32 s22, $0xA;
	s25 =	sor.u32 $0x200, s15;
	s26 =	sadd.s32 $0xD0, s11  }
0x1a3: {  	[hbm4b:s26+s3] =	stream.linear.scatter [tilespmem:s25], [sflag:$0x1], $0x80, $0x38;
	[tilespmem:$0x1400] =	vst v63  }
0x1a4: {  	s28 =	sor.u32 $0x400, s15;
	s29 =	sadd.s32 $0x150, s11;
	s19 =	sshll.u32 s22, $0x7  }
0x1a5: {  	[hbm4b:s29+s3] =	stream.linear.scatter [tilespmem:s28], [sflag:$0x1], $0x80, $0x38;
	[tilespmem:$0x1400] =	vst v63  }
0x1a6: {  	s30 =	sor.u32 $0x600, s15;
	s18 =	sand.u32 $0xFFFFF000, s24;
	s19 =	sand.u32 $0x180, s19  }
0x1a7: {  	(v2sf) =	vpush v0, $0xA;
	[hbm4b:s31+s3] =	stream.linear.scatter [tilespmem:s30], [sflag:$0x1], $0x80, $0x38;
	[tilespmem:$0x1400] =	vst v63  }
0x1a8: {  	s20 =	sadd.s32 $0x250, s11;
	s13 =	sor.u32 s19, s18;
	s19 =	sor.u32 $0x800, s15  }
0x1a9: {  	[hbm4b:s20+s3] =	stream.linear.scatter [tilespmem:s19], [sflag:$0x1], $0x80, $0x38;
	[tilespmem:$0x1400] =	vst v63  }
0x1aa: {  	s17 =	sor.u32 $0xA00, s14;
	s24 =	sadd.s32 $0x2D0, s11;
	s23 =	sor.u32 $0xA00, s15  }
0x1ab: {  	[hbm4b:s24+s3] =	stream.linear.scatter [tilespmem:s23], [sflag:$0x1], $0x80, $0x38;
	[tilespmem:$0x1400] =	vst v63  }
0x1ac: {  	s22 =	spop (v2sf);
	s26 =	sor.u32 $0xC00, s15;
	s28 =	sadd.s32 $0x350, s11  }
0x1ad: {  	[hbm4b:s28+s3] =	stream.linear.scatter [tilespmem:s26], [sflag:$0x1], $0x80, $0x38;
	[tilespmem:$0x1400] =	vst v63  }
0x1ae: {  	s25 =	sshll.u32 s22, $0xA;
	s15 =	sor.u32 $0xE00, s15;
	s29 =	sadd.s32 $0x3D0, s11  }
0x1af: {  	(v2sf) =	vpush v0, $0xB;
	[hbm4b:s29+s3] =	stream.linear.scatter [tilespmem:s15], [sflag:$0x1], $0x80, $0x38;
	[tilespmem:$0x1400] =	vst v63  }
0x1b0: {  	s18 =	sor.u32 $0x200, s12;
	s30 =	sand.u32 $0xFFFFF000, s25;
	s31 =	sadd.s32 $0x60, s11  }
0x1b1: {  	[hbm4b:s31+s3] =	stream.linear.scatter [tilespmem:s14], [sflag:$0x1], $0x80, $0x38;
	[tilespmem:$0x1400] =	vst v63  }
0x1b2: {  	s19 =	sshll.u32 s22, $0x7;
	s22 =	sor.u32 $0x200, s14;
	s23 =	sadd.s32 $0xE0, s11  }
0x1b3: {  	[hbm4b:s23+s3] =	stream.linear.scatter [tilespmem:s22], [sflag:$0x1], $0x80, $0x38;
	[tilespmem:$0x1400] =	vst v63  }
0x1b4: {  	s25 =	sadd.s32 $0x160, s11;
	s21 =	sand.u32 $0x180, s19;
	s24 =	sor.u32 $0x400, s14  }
0x1b5: {  	[hbm4b:s25+s3] =	stream.linear.scatter [tilespmem:s24], [sflag:$0x1], $0x80, $0x38;
	[tilespmem:$0x1400] =	vst v63  }
0x1b6: {  	s19 =	spop (v2sf);
	s28 =	sor.u32 $0x600, s14;
	s29 =	sadd.s32 $0x1E0, s11  }
0x1b7: {  	(v2sf) =	vpush v0, $0xC;
	[hbm4b:s29+s3] =	stream.linear.scatter [tilespmem:s28], [sflag:$0x1], $0x80, $0x38;
	[tilespmem:$0x1400] =	vst v63  }
0x1b8: {  	s20 =	sor.u32 s21, s30;
	s30 =	sor.u32 $0x800, s14;
	s31 =	sadd.s32 $0x260, s11  }
0x1b9: {  	[hbm4b:s31+s3] =	stream.linear.scatter [tilespmem:s30], [sflag:$0x1], $0x80, $0x38;
	[tilespmem:$0x1400] =	vst v63  }
0x1ba: {  	s21 =	sadd.s32 $0x2E0, s11;
	s26 =	sshll.u32 s19, $0xA;
	s19 =	sshll.u32 s19, $0x7  }
0x1bb: {  	[hbm4b:s21+s3] =	stream.linear.scatter [tilespmem:s17], [sflag:$0x1], $0x80, $0x38;
	[tilespmem:$0x1400] =	vst v63  }
0x1bc: {  	s22 =	sand.u32 $0xFFFFF000, s26;
	s24 =	sor.u32 $0xC00, s14;
	s25 =	sadd.s32 $0x360, s11  }
0x1bd: {  	[hbm4b:s25+s3] =	stream.linear.scatter [tilespmem:s24], [sflag:$0x1], $0x80, $0x38;
	[tilespmem:$0x1400] =	vst v63  }
0x1be: {  	s26 =	spop (v2sf);
	s14 =	sor.u32 $0xE00, s14;
	s28 =	sadd.s32 $0x3E0, s11  }
0x1bf: {  	(v2sf) =	vpush v0, $0xD;
	[hbm4b:s28+s3] =	stream.linear.scatter [tilespmem:s14], [sflag:$0x1], $0x80, $0x38;
	[tilespmem:$0x1400] =	vst v63  }
0x1c0: {  	s23 =	sand.u32 $0x180, s19;
	s29 =	sshll.u32 s26, $0xA;
	s30 =	sadd.s32 $0x70, s11  }
0x1c1: {  	[hbm4b:s30+s3] =	stream.linear.scatter [tilespmem:s12], [sflag:$0x1], $0x80, $0x38;
	[tilespmem:$0x1400] =	vst v63  }
0x1c2: {  	s19 =	sand.u32 $0xFFFFF000, s29;
	s29 =	sor.u32 $0x600, s12;
	s25 =	sadd.s32 $0xF0, s11  }
0x1c3: {  	[hbm4b:s25+s3] =	stream.linear.scatter [tilespmem:s18], [sflag:$0x1], $0x80, $0x38;
	[tilespmem:$0x1400] =	vst v63  }
0x1c4: {  	s31 =	sshll.u32 s26, $0x7;
	s26 =	sor.u32 $0x400, s12;
	s28 =	sadd.s32 $0x170, s11  }
0x1c5: {  	(v2sf) =	vpush v0, $0xE;
	[hbm4b:s28+s3] =	stream.linear.scatter [tilespmem:s26], [sflag:$0x1], $0x80, $0x38;
	[tilespmem:$0x1400] =	vst v63  }
0x1c6: {  	s21 =	sand.u32 $0x180, s31;
	s24 =	spop (v2sf);
	s30 =	sadd.s32 $0x1F0, s11  }
0x1c7: {  	[hbm4b:s30+s3] =	stream.linear.scatter [tilespmem:s29], [sflag:$0x1], $0x80, $0x38;
	[tilespmem:$0x1400] =	vst v63  }
0x1c8: {  	s31 =	sor.u32 $0x800, s12;
	s17 =	sshll.u32 s24, $0xA;
	s25 =	sadd.s32 $0x270, s11  }
0x1c9: {  	[hbm4b:s25+s3] =	stream.linear.scatter [tilespmem:s31], [sflag:$0x1], $0x80, $0x38;
	[tilespmem:$0x1400] =	vst v63  }
0x1ca: {  	s24 =	sshll.u32 s24, $0x7;
	s26 =	sor.u32 $0xA00, s12;
	s28 =	sadd.s32 $0x2F0, s11  }
0x1cb: {  	[hbm4b:s28+s3] =	stream.linear.scatter [tilespmem:s26], [sflag:$0x1], $0x80, $0x38;
	[tilespmem:$0x1400] =	vst v63  }
0x1cc: {  	s14 =	sor.u32 $0x600, s13;
	s29 =	sor.u32 $0xC00, s12;
	s30 =	sadd.s32 $0x370, s11  }
0x1cd: {  	[hbm4b:s30+s3] =	stream.linear.scatter [tilespmem:s29], [sflag:$0x1], $0x80, $0x38;
	[tilespmem:$0x1400] =	vst v63  }
0x1ce: {  	s12 =	sor.u32 $0xE00, s12;
	s31 =	spop (v2sf);
	s26 =	sadd.s32 $0x3F0, s11  }
0x1cf: {  	(v2sf) =	vpush v0, $0xF;
	[hbm4b:s26+s3] =	stream.linear.scatter [tilespmem:s12], [sflag:$0x1], $0x80, $0x38;
	[tilespmem:$0x1400] =	vst v63  }
0x1d0: {  	s18 =	sand.u32 $0x180, s24;
	s15 =	sshll.u32 s31, $0xA;
	s28 =	sadd.s32 $0x400, s11  }
0x1d1: {  	[hbm4b:s28+s3] =	stream.linear.scatter [tilespmem:s13], [sflag:$0x1], $0x80, $0x38;
	[tilespmem:$0x1400] =	vst v63  }
0x1d2: {  	s16 =	sshll.u32 s31, $0x7;
	s29 =	sor.u32 $0x200, s13;
	s30 =	sadd.s32 $0x480, s11  }
0x1d3: {  	[hbm4b:s30+s3] =	stream.linear.scatter [tilespmem:s29], [sflag:$0x1], $0x80, $0x38;
	[tilespmem:$0x1400] =	vst v63  }
0x1d4: {  	s25 =	spop (v2sf);
	s31 =	sor.u32 $0x400, s13;
	s28 =	sadd.s32 $0x500, s11  }
0x1d5: {  	[hbm4b:s28+s3] =	stream.linear.scatter [tilespmem:s31], [sflag:$0x1], $0x80, $0x38;
	[tilespmem:$0x1400] =	vst v63  }
0x1d6: {  	s24 =	sor.u32 $0x800, s13;
	s26 =	sshll.u32 s25, $0xA;
	s29 =	sadd.s32 $0x580, s11  }
0x1d7: {  	[hbm4b:s29+s3] =	stream.linear.scatter [tilespmem:s14], [sflag:$0x1], $0x80, $0x38;
	[tilespmem:$0x1400] =	vst v63  }
0x1d8: {  	s25 =	sshll.u32 s25, $0x7;
	s26 =	sand.u32 $0xFFFFF000, s26;
	s30 =	sadd.s32 $0x600, s11  }
0x1d9: {  	[hbm4b:s30+s3] =	stream.linear.scatter [tilespmem:s24], [sflag:$0x1], $0x80, $0x38;
	[tilespmem:$0x1400] =	vst v63  }
0x1da: {  	s25 =	sand.u32 $0x180, s25;
	s31 =	sor.u32 $0xA00, s13;
	s29 =	sadd.s32 $0x680, s11  }
0x1db: {  	[hbm4b:s29+s3] =	stream.linear.scatter [tilespmem:s31], [sflag:$0x1], $0x80, $0x38;
	[tilespmem:$0x1400] =	vst v63  }
0x1dc: {  	s12 =	sor.u32 s25, s26;
	s25 =	sor.u32 $0xC00, s13;
	s26 =	sadd.s32 $0x700, s11  }
0x1dd: {  	[hbm4b:s26+s3] =	stream.linear.scatter [tilespmem:s25], [sflag:$0x1], $0x80, $0x38;
	[tilespmem:$0x1400] =	vst v63  }
0x1de: {  	s28 =	sadd.s32 $0x780, s11;
	s14 =	sor.u32 $0xE00, s13;
	s30 =	spop (v2sf)  }
0x1df: {  	[hbm4b:s28+s3] =	stream.linear.scatter [tilespmem:s14], [sflag:$0x1], $0x80, $0x38;
	[tilespmem:$0x1400] =	vst v63  }
0x1e0: {  	s31 =	sshll.u32 s30, $0xA;
	s29 =	sadd.s32 $0x410, s11;
	s30 =	sshll.u32 s30, $0x7  }
0x1e1: {  	[hbm4b:s29+s3] =	stream.linear.scatter [tilespmem:s20], [sflag:$0x1], $0x80, $0x38;
	[tilespmem:$0x1400] =	vst v63  }
0x1e2: {  	s13 =	sand.u32 $0xFFFFF000, s31;
	s31 =	sadd.s32 $0x490, s11;
	s26 =	sor.u32 $0x200, s20  }
0x1e3: {  	[hbm4b:s31+s3] =	stream.linear.scatter [tilespmem:s26], [sflag:$0x1], $0x80, $0x38;
	[tilespmem:$0x1400] =	vst v63  }
0x1e4: {  	s14 =	sand.u32 $0x180, s30;
	s30 =	sadd.s32 $0x510, s11;
	s29 =	sor.u32 $0x400, s20  }
0x1e5: {  	[hbm4b:s30+s3] =	stream.linear.scatter [tilespmem:s29], [sflag:$0x1], $0x80, $0x38;
	[tilespmem:$0x1400] =	vst v63  }
0x1e6: {  	s26 =	sor.u32 $0x600, s20;
	s31 =	sadd.s32 $0x590, s11  }
0x1e7: {  	[hbm4b:s31+s3] =	stream.linear.scatter [tilespmem:s26], [sflag:$0x1], $0x80, $0x38;
	[tilespmem:$0x1400] =	vst v63  }
0x1e8: {  	s29 =	sor.u32 $0x800, s20;
	s30 =	sadd.s32 $0x610, s11  }
0x1e9: {  	[hbm4b:s30+s3] =	stream.linear.scatter [tilespmem:s29], [sflag:$0x1], $0x80, $0x38;
	[tilespmem:$0x1400] =	vst v63  }
0x1ea: {  	s26 =	sor.u32 $0xA00, s20;
	s31 =	sadd.s32 $0x690, s11  }
0x1eb: {  	[hbm4b:s31+s3] =	stream.linear.scatter [tilespmem:s26], [sflag:$0x1], $0x80, $0x38;
	[tilespmem:$0x1400] =	vst v63  }
0x1ec: {  	s29 =	sor.u32 $0xC00, s20;
	s30 =	sadd.s32 $0x710, s11  }
0x1ed: {  	[hbm4b:s30+s3] =	stream.linear.scatter [tilespmem:s29], [sflag:$0x1], $0x80, $0x38;
	[tilespmem:$0x1400] =	vst v63  }
0x1ee: {  	s20 =	sor.u32 $0xE00, s20;
	s31 =	sadd.s32 $0x790, s11  }
0x1ef: {  	[hbm4b:s31+s3] =	stream.linear.scatter [tilespmem:s20], [sflag:$0x1], $0x80, $0x38;
	[tilespmem:$0x1400] =	vst v63  }
0x1f0: {  	s22 =	sor.u32 s23, s22;
	s25 =	sadd.s32 $0x420, s11  }
0x1f1: {  	[hbm4b:s25+s3] =	stream.linear.scatter [tilespmem:s22], [sflag:$0x1], $0x80, $0x38;
	[tilespmem:$0x1400] =	vst v63  }
0x1f2: {  	s28 =	sor.u32 $0x200, s22;
	s29 =	sadd.s32 $0x4A0, s11  }
0x1f3: {  	[hbm4b:s29+s3] =	stream.linear.scatter [tilespmem:s28], [sflag:$0x1], $0x80, $0x38;
	[tilespmem:$0x1400] =	vst v63  }
0x1f4: {  	s30 =	sor.u32 $0x400, s22;
	s31 =	sadd.s32 $0x520, s11  }
0x1f5: {  	[hbm4b:s31+s3] =	stream.linear.scatter [tilespmem:s30], [sflag:$0x1], $0x80, $0x38;
	[tilespmem:$0x1400] =	vst v63  }
0x1f6: {  	s23 =	sor.u32 $0x600, s22;
	s26 =	sadd.s32 $0x5A0, s11  }
0x1f7: {  	[hbm4b:s26+s3] =	stream.linear.scatter [tilespmem:s23], [sflag:$0x1], $0x80, $0x38;
	[tilespmem:$0x1400] =	vst v63  }
0x1f8: {  	s28 =	sor.u32 $0x800, s22;
	s29 =	sadd.s32 $0x620, s11  }
0x1f9: {  	[hbm4b:s29+s3] =	stream.linear.scatter [tilespmem:s28], [sflag:$0x1], $0x80, $0x38;
	[tilespmem:$0x1400] =	vst v63  }
0x1fa: {  	s30 =	sor.u32 $0xA00, s22;
	s31 =	sadd.s32 $0x6A0, s11  }
0x1fb: {  	[hbm4b:s31+s3] =	stream.linear.scatter [tilespmem:s30], [sflag:$0x1], $0x80, $0x38;
	[tilespmem:$0x1400] =	vst v63  }
0x1fc: {  	s26 =	sor.u32 $0xC00, s22;
	s28 =	sadd.s32 $0x720, s11  }
0x1fd: {  	[hbm4b:s28+s3] =	stream.linear.scatter [tilespmem:s26], [sflag:$0x1], $0x80, $0x38;
	[tilespmem:$0x1400] =	vst v63  }
0x1fe: {  	s29 =	sor.u32 $0xE00, s22;
	s30 =	sadd.s32 $0x7A0, s11  }
0x1ff: {  	[hbm4b:s30+s3] =	stream.linear.scatter [tilespmem:s29], [sflag:$0x1], $0x80, $0x38;
	[tilespmem:$0x1400] =	vst v63  }
0x200: {  	s19 =	sor.u32 s21, s19;
	s31 =	sadd.s32 $0x430, s11  }
0x201: {  	[hbm4b:s31+s3] =	stream.linear.scatter [tilespmem:s19], [sflag:$0x1], $0x80, $0x38;
	[tilespmem:$0x1400] =	vst v63  }
0x202: {  	s21 =	sor.u32 $0x200, s19;
	s22 =	sadd.s32 $0x4B0, s11  }
0x203: {  	[hbm4b:s22+s3] =	stream.linear.scatter [tilespmem:s21], [sflag:$0x1], $0x80, $0x38;
	[tilespmem:$0x1400] =	vst v63  }
0x204: {  	s24 =	sadd.s32 $0x530, s11;
	s23 =	sor.u32 $0x400, s19  }
0x205: {  	[hbm4b:s24+s3] =	stream.linear.scatter [tilespmem:s23], [sflag:$0x1], $0x80, $0x38;
	[tilespmem:$0x1400] =	vst v63  }
0x206: {  	s25 =	sor.u32 $0x600, s19;
	s26 =	sadd.s32 $0x5B0, s11  }
0x207: {  	[hbm4b:s26+s3] =	stream.linear.scatter [tilespmem:s25], [sflag:$0x1], $0x80, $0x38;
	[tilespmem:$0x1400] =	vst v63  }
0x208: {  	s28 =	sor.u32 $0x800, s19;
	s29 =	sadd.s32 $0x630, s11  }
0x209: {  	[hbm4b:s29+s3] =	stream.linear.scatter [tilespmem:s28], [sflag:$0x1], $0x80, $0x38;
	[tilespmem:$0x1400] =	vst v63  }
0x20a: {  	s30 =	sor.u32 $0xA00, s19;
	s31 =	sadd.s32 $0x6B0, s11  }
0x20b: {  	[hbm4b:s31+s3] =	stream.linear.scatter [tilespmem:s30], [sflag:$0x1], $0x80, $0x38;
	[tilespmem:$0x1400] =	vst v63  }
0x20c: {  	s24 =	sor.u32 $0xC00, s19;
	s25 =	sadd.s32 $0x730, s11  }
0x20d: {  	[hbm4b:s25+s3] =	stream.linear.scatter [tilespmem:s24], [sflag:$0x1], $0x80, $0x38;
	[tilespmem:$0x1400] =	vst v63  }
0x20e: {  	s17 =	sand.u32 $0xFFFFF000, s17;
	s19 =	sor.u32 $0xE00, s19;
	s26 =	sadd.s32 $0x7B0, s11  }
0x20f: {  	[hbm4b:s26+s3] =	stream.linear.scatter [tilespmem:s19], [sflag:$0x1], $0x80, $0x38;
	[tilespmem:$0x1400] =	vst v63  }
0x210: {  	s17 =	sor.u32 s18, s17;
	s28 =	sadd.s32 $0x440, s11  }
0x211: {  	[hbm4b:s28+s3] =	stream.linear.scatter [tilespmem:s17], [sflag:$0x1], $0x80, $0x38;
	[tilespmem:$0x1400] =	vst v63  }
0x212: {  	s18 =	sor.u32 $0x200, s17;
	s29 =	sadd.s32 $0x4C0, s11  }
0x213: {  	[hbm4b:s29+s3] =	stream.linear.scatter [tilespmem:s18], [sflag:$0x1], $0x80, $0x38;
	[tilespmem:$0x1400] =	vst v63  }
0x214: {  	s30 =	sor.u32 $0x400, s17;
	s31 =	sadd.s32 $0x540, s11  }
0x215: {  	[hbm4b:s31+s3] =	stream.linear.scatter [tilespmem:s30], [sflag:$0x1], $0x80, $0x38;
	[tilespmem:$0x1400] =	vst v63  }
0x216: {  	s22 =	sadd.s32 $0x5C0, s11;
	s19 =	sor.u32 $0x600, s17  }
0x217: {  	[hbm4b:s22+s3] =	stream.linear.scatter [tilespmem:s19], [sflag:$0x1], $0x80, $0x38;
	[tilespmem:$0x1400] =	vst v63  }
0x218: {  	s23 =	sor.u32 $0x800, s17;
	s24 =	sadd.s32 $0x640, s11  }
0x219: {  	[hbm4b:s24+s3] =	stream.linear.scatter [tilespmem:s23], [sflag:$0x1], $0x80, $0x38;
	[tilespmem:$0x1400] =	vst v63  }
0x21a: {  	s25 =	sor.u32 $0xA00, s17;
	s26 =	sadd.s32 $0x6C0, s11  }
0x21b: {  	[hbm4b:s26+s3] =	stream.linear.scatter [tilespmem:s25], [sflag:$0x1], $0x80, $0x38;
	[tilespmem:$0x1400] =	vst v63  }
0x21c: {  	s16 =	sand.u32 $0x180, s16;
	s28 =	sor.u32 $0xC00, s17;
	s29 =	sadd.s32 $0x740, s11  }
0x21d: {  	[hbm4b:s29+s3] =	stream.linear.scatter [tilespmem:s28], [sflag:$0x1], $0x80, $0x38;
	[tilespmem:$0x1400] =	vst v63  }
0x21e: {  	s15 =	sand.u32 $0xFFFFF000, s15;
	s17 =	sor.u32 $0xE00, s17;
	s30 =	sadd.s32 $0x7C0, s11  }
0x21f: {  	[hbm4b:s30+s3] =	stream.linear.scatter [tilespmem:s17], [sflag:$0x1], $0x80, $0x38;
	[tilespmem:$0x1400] =	vst v63  }
0x220: {  	s15 =	sor.u32 s16, s15;
	s31 =	sadd.s32 $0x450, s11  }
0x221: {  	[hbm4b:s31+s3] =	stream.linear.scatter [tilespmem:s15], [sflag:$0x1], $0x80, $0x38;
	[tilespmem:$0x1400] =	vst v63  }
0x222: {  	s16 =	sor.u32 $0x200, s15;
	s18 =	sadd.s32 $0x4D0, s11  }
0x223: {  	[hbm4b:s18+s3] =	stream.linear.scatter [tilespmem:s16], [sflag:$0x1], $0x80, $0x38;
	[tilespmem:$0x1400] =	vst v63  }
0x224: {  	s20 =	sadd.s32 $0x550, s11;
	s19 =	sor.u32 $0x400, s15  }
0x225: {  	[hbm4b:s20+s3] =	stream.linear.scatter [tilespmem:s19], [sflag:$0x1], $0x80, $0x38;
	[tilespmem:$0x1400] =	vst v63  }
0x226: {  	s21 =	sor.u32 $0x600, s15;
	s22 =	sadd.s32 $0x5D0, s11  }
0x227: {  	[hbm4b:s22+s3] =	stream.linear.scatter [tilespmem:s21], [sflag:$0x1], $0x80, $0x38;
	[tilespmem:$0x1400] =	vst v63  }
0x228: {  	s23 =	sor.u32 $0x800, s15;
	s24 =	sadd.s32 $0x650, s11  }
0x229: {  	[hbm4b:s24+s3] =	stream.linear.scatter [tilespmem:s23], [sflag:$0x1], $0x80, $0x38;
	[tilespmem:$0x1400] =	vst v63  }
0x22a: {  	s25 =	sor.u32 $0xA00, s15;
	s26 =	sadd.s32 $0x6D0, s11  }
0x22b: {  	[hbm4b:s26+s3] =	stream.linear.scatter [tilespmem:s25], [sflag:$0x1], $0x80, $0x38;
	[tilespmem:$0x1400] =	vst v63  }
0x22c: {  	s28 =	sor.u32 $0xC00, s15;
	s29 =	sadd.s32 $0x750, s11  }
0x22d: {  	[hbm4b:s29+s3] =	stream.linear.scatter [tilespmem:s28], [sflag:$0x1], $0x80, $0x38;
	[tilespmem:$0x1400] =	vst v63  }
0x22e: {  	s30 =	sadd.s32 $0x7D0, s11;
	s15 =	sor.u32 $0xE00, s15  }
0x22f: {  	[hbm4b:s30+s3] =	stream.linear.scatter [tilespmem:s15], [sflag:$0x1], $0x80, $0x38;
	[tilespmem:$0x1400] =	vst v63  }
0x230: {  	s31 =	sadd.s32 $0x460, s11  }
0x231: {  	[hbm4b:s31+s3] =	stream.linear.scatter [tilespmem:s12], [sflag:$0x1], $0x80, $0x38;
	[tilespmem:$0x1400] =	vst v63  }
0x232: {  	s16 =	sor.u32 $0x200, s12;
	s18 =	sadd.s32 $0x4E0, s11  }
0x233: {  	[hbm4b:s18+s3] =	stream.linear.scatter [tilespmem:s16], [sflag:$0x1], $0x80, $0x38;
	[tilespmem:$0x1400] =	vst v63  }
0x234: {  	s19 =	sor.u32 $0x400, s12;
	s20 =	sadd.s32 $0x560, s11  }
0x235: {  	[hbm4b:s20+s3] =	stream.linear.scatter [tilespmem:s19], [sflag:$0x1], $0x80, $0x38;
	[tilespmem:$0x1400] =	vst v63  }
0x236: {  	s21 =	sor.u32 $0x600, s12;
	s22 =	sadd.s32 $0x5E0, s11  }
0x237: {  	[hbm4b:s22+s3] =	stream.linear.scatter [tilespmem:s21], [sflag:$0x1], $0x80, $0x38;
	[tilespmem:$0x1400] =	vst v63  }
0x238: {  	s23 =	sor.u32 $0x800, s12;
	s24 =	sadd.s32 $0x660, s11  }
0x239: {  	[hbm4b:s24+s3] =	stream.linear.scatter [tilespmem:s23], [sflag:$0x1], $0x80, $0x38;
	[tilespmem:$0x1400] =	vst v63  }
0x23a: {  	s25 =	sor.u32 $0xA00, s12;
	s26 =	sadd.s32 $0x6E0, s11  }
0x23b: {  	[hbm4b:s26+s3] =	stream.linear.scatter [tilespmem:s25], [sflag:$0x1], $0x80, $0x38;
	[tilespmem:$0x1400] =	vst v63  }
0x23c: {  	s28 =	sor.u32 $0xC00, s12;
	s29 =	sadd.s32 $0x760, s11  }
0x23d: {  	[hbm4b:s29+s3] =	stream.linear.scatter [tilespmem:s28], [sflag:$0x1], $0x80, $0x38;
	[tilespmem:$0x1400] =	vst v63  }
0x23e: {  	s30 =	sadd.s32 $0x7E0, s11;
	s12 =	sor.u32 $0xE00, s12  }
0x23f: {  	[hbm4b:s30+s3] =	stream.linear.scatter [tilespmem:s12], [sflag:$0x1], $0x80, $0x38;
	[tilespmem:$0x1400] =	vst v63  }
0x240: {  	s13 =	sor.u32 s14, s13;
	s31 =	sadd.s32 $0x470, s11  }
0x241: {  	[hbm4b:s31+s3] =	stream.linear.scatter [tilespmem:s13], [sflag:$0x1], $0x80, $0x38;
	[tilespmem:$0x1400] =	vst v63  }
0x242: {  	s17 =	sor.u32 $0x200, s13;
	s18 =	sadd.s32 $0x4F0, s11  }
0x243: {  	[hbm4b:s18+s3] =	stream.linear.scatter [tilespmem:s17], [sflag:$0x1], $0x80, $0x38;
	[tilespmem:$0x1400] =	vst v63  }
0x244: {  	s19 =	sor.u32 $0x400, s13;
	s20 =	sadd.s32 $0x570, s11  }
0x245: {  	[hbm4b:s20+s3] =	stream.linear.scatter [tilespmem:s19], [sflag:$0x1], $0x80, $0x38;
	[tilespmem:$0x1400] =	vst v63  }
0x246: {  	s21 =	sor.u32 $0x600, s13;
	s22 =	sadd.s32 $0x5F0, s11  }
0x247: {  	[hbm4b:s22+s3] =	stream.linear.scatter [tilespmem:s21], [sflag:$0x1], $0x80, $0x38;
	[tilespmem:$0x1400] =	vst v63  }
0x248: {  	s23 =	sor.u32 $0x800, s13;
	s24 =	sadd.s32 $0x670, s11  }
0x249: {  	[hbm4b:s24+s3] =	stream.linear.scatter [tilespmem:s23], [sflag:$0x1], $0x80, $0x38;
	[tilespmem:$0x1400] =	vst v63  }
0x24a: {  	s10 =	sadd.s32 $0x1, s10;
	s25 =	sor.u32 $0xA00, s13;
	s26 =	sadd.s32 $0x6F0, s11  }
0x24b: {  	[hbm4b:s26+s3] =	stream.linear.scatter [tilespmem:s25], [sflag:$0x1], $0x80, $0x38;
	[tilespmem:$0x1400] =	vst v63  }
0x24c: {  	p1 =	slt.u32 s10, $0x2;
	s28 =	sor.u32 $0xC00, s13;
	s29 =	sadd.s32 $0x770, s11  }
0x24d: {  	[hbm4b:s29+s3] =	stream.linear.scatter [tilespmem:s28], [sflag:$0x1], $0x80, $0x38;
	[tilespmem:$0x1400] =	vst v63  }
0x24e: {  	s30 =	sor.u32 $0xE00, s13;
	s31 =	sadd.s32 $0x7F0, s11;
	s11 =	simm.s32 @!p1 $0x1  }
0x24f: {  	[hbm4b:s31+s3] =	stream.linear.scatter [tilespmem:s30], [sflag:$0x1], $0x80, $0x38;
	[tilespmem:$0x1400] =	vst v63  }
0x250: {  	_ =	swait.ge @!p1 [sflag:s11], $0x400  }
0x251: {  	[sflag:s11] =	ssyncset.done @!p1 $0x0  }
0x252: {  	[sflag:s11] =	ssyncadd.s32 @!p1 $0xFFFFFC00  }
0x253: {  	_ =	swait.ge @!p1 [sflag:s11], $0x400  }
0x254: {  	[sflag:s11] =	ssyncset.done @!p1 $0x0  }
0x255: {  	[sflag:s11] =	ssyncadd.s32 @!p1 $0xFFFFFC00  }
0x256: {  	_ =	swait.ge @!p1 [sflag:s11], $0x400  }
0x257: {  	[sflag:s11] =	ssyncset.done @!p1 $0x0  }
0x258: {  	[sflag:s11] =	ssyncadd.s32 @!p1 $0xFFFFFC00  }
0x259: {  	_ =	swait.ge @!p1 [sflag:s11], $0x400  }
0x25a: {  	[sflag:s11] =	ssyncset.done @!p1 $0x0  }
0x25b: {  	[sflag:s11] =	ssyncadd.s32 @!p1 $0xFFFFFC00  }
0x25c: {  	_ =	swait.ge @!p1 [sflag:s11], $0x400  }
0x25d: {  	[sflag:s11] =	ssyncset.done @!p1 $0x0  }
0x25e: {  	[sflag:s11] =	ssyncadd.s32 @!p1 $0xFFFFFC00  }
0x25f: {  	_ =	swait.ge @!p1 [sflag:s11], $0x400  }
0x260: {  	[sflag:s11] =	ssyncset.done @!p1 $0x0  }
0x261: {  	[sflag:s11] =	ssyncadd.s32 @!p1 $0xFFFFFC00  }
0x262: {  	_ =	swait.ge @!p1 [sflag:s11], $0x400  }
0x263: {  	[sflag:s11] =	ssyncset.done @!p1 $0x0  }
0x264: {  	[sflag:s11] =	ssyncadd.s32 @!p1 $0xFFFFFC00  }
0x265: {  	_ =	swait.ge @!p1 [sflag:s11], $0x400  }
0x266: {  	[sflag:s11] =	ssyncset.done @!p1 $0x0  }
0x267: {  	[sflag:s11] =	ssyncadd.s32 @!p1 $0xFFFFFC00  }
0x268: {  	_ =	swait.ge @!p1 [sflag:s11], $0x400  }
0x269: {  	[sflag:s11] =	ssyncset.done @!p1 $0x0  }
0x26a: {  	[sflag:s11] =	ssyncadd.s32 @!p1 $0xFFFFFC00  }
0x26b: {  	_ =	swait.ge @!p1 [sflag:s11], $0x400  }
0x26c: {  	[sflag:s11] =	ssyncset.done @!p1 $0x0  }
0x26d: {  	[sflag:s11] =	ssyncadd.s32 @!p1 $0xFFFFFC00  }
0x26e: {  	_ =	swait.ge @!p1 [sflag:s11], $0x400  }
0x26f: {  	[sflag:s11] =	ssyncset.done @!p1 $0x0  }
0x270: {  	[sflag:s11] =	ssyncadd.s32 @!p1 $0xFFFFFC00  }
0x271: {  	_ =	swait.ge @!p1 [sflag:s11], $0x400  }
0x272: {  	[sflag:s11] =	ssyncset.done @!p1 $0x0  }
0x273: {  	[sflag:s11] =	ssyncadd.s32 @!p1 $0xFFFFFC00  }
0x274: {  	_ =	swait.ge @!p1 [sflag:s11], $0x400  }
0x275: {  	[sflag:s11] =	ssyncset.done @!p1 $0x0  }
0x276: {  	s8 =	sadd.s32 $0x800, s8;
	[sflag:s11] =	ssyncadd.s32 @!p1 $0xFFFFFC00  }
0x277: {  	p0 =	sne.s32 s8, $0x20000;
	_ =	swait.ge @!p1 [sflag:s11], $0x400  }
.Ltmp0:
0x278: {  	[sflag:s11] =	ssyncset.done @!p1 $0x0;
	(pc) =	sbr.rel @p0 .LBB2_2-.Ltmp0, $4  }
0x279: {  	[sflag:s11] =	ssyncadd.s32 @!p1 $0xFFFFFC00  }
0x27a: {  	_ =	swait.ge @!p1 [sflag:s11], $0x400  }
0x27b: {  	[sflag:s11] =	ssyncset.done @!p1 $0x0  }
0x27c: {  	s9 =	sadd.s32 $0x10, s9;
	[sflag:s11] =	ssyncadd.s32 @!p1 $0xFFFFFC00  }
0x27d: {  	_ =	swait.ge @!p1 [sflag:s11], $0x400  }
0x27e: {  	[sflag:s11] =	ssyncset.done @!p1 $0x0  }
0x27f: {  	[sflag:s11] =	ssyncadd.s32 @!p1 $0xFFFFFC00  }
0x280: {  	_ =	swait.ge [sflag:s6], $0x400  }
0x281: {  	[sflag:s6] =	ssyncset.done $0x0  }
0x282: {  	[sflag:s6] =	ssyncadd.s32 $0xFFFFFC00  }
0x283: {  	_ =	swait.ge [sflag:s6], $0x400  }
0x284: {  	[sflag:s6] =	ssyncset.done $0x0  }
0x285: {  	[sflag:s6] =	ssyncadd.s32 $0xFFFFFC00  }
0x286: {  	_ =	swait.ge [sflag:s6], $0x400  }
0x287: {  	[sflag:s6] =	ssyncset.done $0x0  }
0x288: {  	[sflag:s6] =	ssyncadd.s32 $0xFFFFFC00  }
0x289: {  	_ =	swait.ge [sflag:s6], $0x400  }
0x28a: {  	[sflag:s6] =	ssyncset.done $0x0  }
0x28b: {  	[sflag:s6] =	ssyncadd.s32 $0xFFFFFC00  }
0x28c: {  	_ =	swait.ge [sflag:s6], $0x400  }
0x28d: {  	[sflag:s6] =	ssyncset.done $0x0  }
0x28e: {  	[sflag:s6] =	ssyncadd.s32 $0xFFFFFC00  }
0x28f: {  	_ =	swait.ge [sflag:s6], $0x400  }
0x290: {  	[sflag:s6] =	ssyncset.done $0x0  }
0x291: {  	[sflag:s6] =	ssyncadd.s32 $0xFFFFFC00  }
0x292: {  	_ =	swait.ge [sflag:s6], $0x400  }
0x293: {  	[sflag:s6] =	ssyncset.done $0x0  }
0x294: {  	[sflag:s6] =	ssyncadd.s32 $0xFFFFFC00  }
0x295: {  	_ =	swait.ge [sflag:s6], $0x400  }
0x296: {  	[sflag:s6] =	ssyncset.done $0x0  }
0x297: {  	[sflag:s6] =	ssyncadd.s32 $0xFFFFFC00  }
0x298: {  	_ =	swait.ge [sflag:s6], $0x400  }
0x299: {  	[sflag:s6] =	ssyncset.done $0x0  }
0x29a: {  	[sflag:s6] =	ssyncadd.s32 $0xFFFFFC00  }
0x29b: {  	_ =	swait.ge [sflag:s6], $0x400  }
0x29c: {  	[sflag:s6] =	ssyncset.done $0x0  }
0x29d: {  	[sflag:s6] =	ssyncadd.s32 $0xFFFFFC00  }
0x29e: {  	_ =	swait.ge [sflag:s6], $0x400  }
0x29f: {  	[sflag:s6] =	ssyncset.done $0x0  }
0x2a0: {  	[sflag:s6] =	ssyncadd.s32 $0xFFFFFC00  }
0x2a1: {  	_ =	swait.ge [sflag:s6], $0x400  }
0x2a2: {  	[sflag:s6] =	ssyncset.done $0x0  }
0x2a3: {  	[sflag:s6] =	ssyncadd.s32 $0xFFFFFC00  }
0x2a4: {  	_ =	swait.ge [sflag:s6], $0x400  }
0x2a5: {  	[sflag:s6] =	ssyncset.done $0x0  }
0x2a6: {  	[sflag:s6] =	ssyncadd.s32 $0xFFFFFC00  }
0x2a7: {  	_ =	swait.ge [sflag:s6], $0x400  }
0x2a8: {  	[sflag:s6] =	ssyncset.done $0x0  }
0x2a9: {  	[sflag:s6] =	ssyncadd.s32 $0xFFFFFC00  }
0x2aa: {  	_ =	swait.ge [sflag:s6], $0x400  }
0x2ab: {  	[sflag:s6] =	ssyncset.done $0x0  }
0x2ac: {  	[sflag:s6] =	ssyncadd.s32 $0xFFFFFC00  }
0x2ad: {  	_ =	swait.ge [sflag:s6], $0x400  }
0x2ae: {  	[sflag:s6] =	ssyncset.done $0x0  }
0x2af: {  	[sflag:s6] =	ssyncadd.s32 $0xFFFFFC00  }
0x2b0: {  	_ =	swait.ge [sflag:s6], $0x400  }
0x2b1: {  	[sflag:s6] =	ssyncset.done $0x0  }
0x2b2: {  	[sflag:s6] =	ssyncadd.s32 $0xFFFFFC00  }
0x2b3: {  	_ =	swait.ge [sflag:s6], $0x400  }
0x2b4: {  	[sflag:s6] =	ssyncset.done $0x0  }
0x2b5: {  	[sflag:s6] =	ssyncadd.s32 $0xFFFFFC00  }
0x2b6: {  	_ =	swait.ge [sflag:s6], $0x400  }
0x2b7: {  	[sflag:s6] =	ssyncset.done $0x0  }
0x2b8: {  	[sflag:s6] =	ssyncadd.s32 $0xFFFFFC00  }
0x2b9: {  	_ =	swait.ge [sflag:s6], $0x400  }
0x2ba: {  	[sflag:s6] =	ssyncset.done $0x0  }
0x2bb: {  	[sflag:s6] =	ssyncadd.s32 $0xFFFFFC00  }
0x2bc: {  	_ =	swait.ge [sflag:s6], $0x400  }
0x2bd: {  	[sflag:s6] =	ssyncset.done $0x0  }
0x2be: {  	[sflag:s6] =	ssyncadd.s32 $0xFFFFFC00  }
0x2bf: {  	_ =	swait.ge [sflag:s6], $0x400  }
0x2c0: {  	[sflag:s6] =	ssyncset.done $0x0  }
0x2c1: {  	[sflag:s6] =	ssyncadd.s32 $0xFFFFFC00  }
0x2c2: {  	_ =	swait.ge [sflag:s6], $0x400  }
0x2c3: {  	[sflag:s6] =	ssyncset.done $0x0  }
0x2c4: {  	[sflag:s6] =	ssyncadd.s32 $0xFFFFFC00  }
0x2c5: {  	_ =	swait.ge [sflag:s6], $0x400  }
0x2c6: {  	[sflag:s6] =	ssyncset.done $0x0  }
0x2c7: {  	[sflag:s6] =	ssyncadd.s32 $0xFFFFFC00  }
0x2c8: {  	_ =	swait.ge [sflag:s6], $0x400  }
0x2c9: {  	[sflag:s6] =	ssyncset.done $0x0  }
0x2ca: {  	[sflag:s6] =	ssyncadd.s32 $0xFFFFFC00  }
0x2cb: {  	_ =	swait.ge [sflag:s6], $0x400  }
0x2cc: {  	[sflag:s6] =	ssyncset.done $0x0  }
0x2cd: {  	[sflag:s6] =	ssyncadd.s32 $0xFFFFFC00  }
0x2ce: {  	_ =	swait.ge [sflag:s6], $0x400  }
0x2cf: {  	[sflag:s6] =	ssyncset.done $0x0  }
0x2d0: {  	[sflag:s6] =	ssyncadd.s32 $0xFFFFFC00  }
0x2d1: {  	_ =	swait.ge [sflag:s6], $0x400  }
0x2d2: {  	[sflag:s6] =	ssyncset.done $0x0  }
0x2d3: {  	[sflag:s6] =	ssyncadd.s32 $0xFFFFFC00  }
0x2d4: {  	_ =	swait.ge [sflag:s6], $0x400  }
0x2d5: {  	[sflag:s6] =	ssyncset.done $0x0  }
0x2d6: {  	[sflag:s6] =	ssyncadd.s32 $0xFFFFFC00  }
0x2d7: {  	_ =	swait.ge [sflag:s6], $0x400  }
0x2d8: {  	[sflag:s6] =	ssyncset.done $0x0  }
0x2d9: {  	s7 =	sadd.s32 $0x1, s7;
	[sflag:s6] =	ssyncadd.s32 $0xFFFFFC00  }
0x2da: {  	p0 =	sne.s32 s7, s5;
	_ =	swait.ge [sflag:s6], $0x400  }
.Ltmp1:
0x2db: {  	[sflag:s6] =	ssyncset.done $0x0;
	(pc) =	sbr.rel @p0 .LBB2_1-.Ltmp1, $4  }
0x2dc: {  	[sflag:s6] =	ssyncadd.s32 $0xFFFFFC00  }
0x2dd: {  	_ =	swait.ge [sflag:s6], $0x400  }
0x2de: {  	[sflag:s6] =	ssyncset.done $0x0  }
0x2df: {  	[sflag:s6] =	ssyncadd.s32 $0xFFFFFC00  }
0x2e0: {  	_ =	sfence.sel $0x180000  }
0x2e1: {  	[bflag:$0x0] =	sbarrier.arrive $0xFFFF  }
0x2e2: {  	p0 =	sne.s32 s2, $0x0;
	_ =	strace $0x90000047  }
0x2e3: {  	s0 =	sadd.s32 @!p0 $0x100000, s0;
	[bflag:$0x2] =	sbarrier.arrive $0xFFFF  }
0x2e4: {  	[sflag:s0] =	ssyncadd.tile.s32 @!p0 $0x1;
	_ =	shalt  }
.Lfunc_end2:
_tile_overlayer_lowered:
.L_overlay_start_2:
0x2e5: {  	(tag) =	ssettag $0x2  }
0x2e6: {  	s0 =	rddreg [dreg:$0x0];
	s2 =	stileid.u32  }
0x2e7: {  	s1 =	rddreg [dreg:$0x1];
	p0 =	sne.s32 s2, $0x0  }
0x2e8: {  	s3 =	rddreg [dreg:$0x2];
	[bflag:$0x3] =	sbarrier.arrive $0xFFFF;
	s2 =	simm.s32 @!p0 $0x1C02  }
0x2e9: {  	[timem:s3], [sflag:s2] =	dma.local @!p0 [hbm:s0], s1  }
0x2ea: {  	s0 =	simm.s32 @!p0 $0x2  }
0x2eb: {  	_ =	swait.ge @!p0 [sflag:s0], s1  }
0x2ec: {  	s1 =	ssub.s32 @!p0 $0x0, s1;
	[sflag:s0] =	ssyncset.done @!p0 $0x0  }
0x2ed: {  	[sflag:s0] =	ssyncadd.s32 @!p0 s1  }
0x2ee: {  	[bflag:$0x3] =	sbarrier.arrive $0xFFFF  }
0x2ef: {  	_ =	shalt  }

</sc_bundles>
